<compile_context>
chip_gen: v7x
topology: tpu7x:2x2x1
jax: 0.10.2.dev20260603
libtpu: 0.0.44.dev20260713+nightly
codegen_flags: <defaults>
</compile_context>

<pallas_src>
import functools

import jax
import jax.numpy as jnp
from jax import lax
from jax.experimental import pallas as pl
from jax.experimental.pallas import tpu as pltpu
from jax.experimental.pallas import tpu_sc as plsc

NODES = 50000
EDGES = 800000
HDIM = 64
NLAYER = 3

NCORES = 2
NSUB = 16
NW = NCORES * NSUB
HALF = NODES // NCORES
ROWS_PER_TEC = 1664
ACC_ROWS = NSUB * ROWS_PER_TEC
DUMMY_ROW = ACC_ROWS - 8
CHUNK = 80
EDGES_PER_TEC = EDGES // NSUB
NCHUNKS = EDGES_PER_TEC // CHUNK
WB_CHUNK = 104
GCH = 40
EPW = EDGES // NW
GNCH = EPW // GCH

_MESH = plsc.VectorSubcoreMesh(core_axis_name="c", subcore_axis_name="s")
_SC_PARAMS = pltpu.CompilerParams(use_tc_tiling_on_sc=False,
                                  needs_layout_passes=False)


def _gather_body(a_hbm, b_hbm, src_hbm, dst_hbm, out_hbm,
                 idx_s, idx_d, buf_a, buf_b, sem_a, sem_b):
    c = lax.axis_index("c")
    t = lax.axis_index("s")
    ebase = (t * NCORES + c) * EPW

    @pl.loop(0, GNCH)
    def _chunk(k):
        off = ebase + k * GCH
        pltpu.sync_copy(src_hbm.at[pl.ds(off, GCH)], idx_s)
        pltpu.sync_copy(dst_hbm.at[pl.ds(off, GCH)], idx_d)
        cp_a = pltpu.async_copy(a_hbm.at[idx_s], buf_a, sem_a)
        cp_b = pltpu.async_copy(b_hbm.at[idx_d], buf_b, sem_b)
        cp_a.wait()
        cp_b.wait()

        @pl.loop(0, GCH)
        def _row(r):
            for g in range(HDIM // 16):
                sl = pl.ds(g * 16, 16)
                buf_a[r, sl] = buf_a[r, sl] + buf_b[r, sl]

        pltpu.sync_copy(buf_a, out_hbm.at[pl.ds(off, GCH), :])


_gather_call = functools.partial(
    pl.kernel,
    out_type=jax.ShapeDtypeStruct((EDGES, HDIM), jnp.float32),
    mesh=_MESH,
    compiler_params=_SC_PARAMS,
    scratch_types=[
        pltpu.VMEM((GCH,), jnp.int32),
        pltpu.VMEM((GCH,), jnp.int32),
        pltpu.VMEM((GCH, HDIM), jnp.float32),
        pltpu.VMEM((GCH, HDIM), jnp.float32),
        pltpu.SemaphoreType.DMA,
        pltpu.SemaphoreType.DMA,
    ],
)(_gather_body)


def _scatter_body(m_hbm, dst_hbm, out_hbm,
                  acc, idx_d, idx_c, buf_m, stg, sem_m):
    c = lax.axis_index("c")
    t = lax.axis_index("s")
    base_node = c * HALF
    zero16 = jnp.zeros((16,), jnp.float32)

    @pl.loop(0, WB_CHUNK)
    def _zrow(r):
        for g in range(HDIM // 16):
            stg[r, pl.ds(g * 16, 16)] = zero16

    @pl.loop(0, ROWS_PER_TEC // WB_CHUNK)
    def _zacc(i):
        pltpu.sync_copy(
            stg, acc.at[pl.ds(t * ROWS_PER_TEC + i * WB_CHUNK, WB_CHUNK), :])

    plsc.subcore_barrier()

    ebase = t * EDGES_PER_TEC

    @pl.loop(0, NCHUNKS)
    def _chunk(k):
        off = ebase + k * CHUNK
        pltpu.sync_copy(dst_hbm.at[pl.ds(off, CHUNK)], idx_d)
        cp_m = pltpu.async_copy(m_hbm.at[pl.ds(off, CHUNK), :], buf_m, sem_m)
        for i in range(CHUNK // 16):
            d = idx_d[pl.ds(i * 16, 16)]
            loc = d - base_node
            ok = (loc >= 0) & (loc < HALF)
            idx_c[pl.ds(i * 16, 16)] = jnp.where(ok, loc, DUMMY_ROW)
        cp_m.wait()
        pltpu.sync_copy(buf_m, acc.at[idx_c], add=True)

    plsc.subcore_barrier()

    woff = jnp.minimum(t * ROWS_PER_TEC, HALF - ROWS_PER_TEC)

    @pl.loop(0, ROWS_PER_TEC // WB_CHUNK)
    def _wb(i):
        ro = woff + i * WB_CHUNK
        pltpu.sync_copy(acc.at[pl.ds(ro, WB_CHUNK), :], stg)
        pltpu.sync_copy(stg, out_hbm.at[pl.ds(base_node + ro, WB_CHUNK), :])


_scatter_call = functools.partial(
    pl.kernel,
    out_type=jax.ShapeDtypeStruct((NODES, HDIM), jnp.float32),
    mesh=_MESH,
    compiler_params=_SC_PARAMS,
    scratch_types=[
        pltpu.VMEM_SHARED((ACC_ROWS, HDIM), jnp.float32),
        pltpu.VMEM((CHUNK,), jnp.int32),
        pltpu.VMEM((CHUNK,), jnp.int32),
        pltpu.VMEM((CHUNK, HDIM), jnp.float32),
        pltpu.VMEM((WB_CHUNK, HDIM), jnp.float32),
        pltpu.SemaphoreType.DMA,
    ],
)(_scatter_body)



RB = 400
NBLK = NODES // RB


def _rows(width):
    return pl.BlockSpec((RB, width), lambda i: (i, 0))


def _whole(shape):
    return pl.BlockSpec(shape, lambda i: tuple(0 for _ in shape))


def _bf(x):
    return x.astype(jnp.bfloat16)


def _mm_1x(x, w):
    return jnp.dot(_bf(x), _bf(w), preferred_element_type=jnp.float32)


def _mm_exact(x, w):
    return jnp.dot(x, w, preferred_element_type=jnp.float32,
                   precision=lax.Precision.HIGHEST)


def _silu(x):
    return x * (1.0 / (1.0 + jnp.exp(-x)))


def _pro_body(nf, wp, bp, m1s, m1d, bm1, h_o, a_o, b_o):
    h = _mm_exact(nf[...], wp[...]) + bp[...]
    h_o[...] = h
    a_o[...] = _mm_1x(h, m1s[...])
    b_o[...] = _mm_1x(h, m1d[...]) + bm1[...]


_pro_call = pl.pallas_call(
    _pro_body,
    grid=(NBLK,),
    in_specs=[_rows(8), _whole((8, HDIM)), _whole((1, HDIM)),
              _whole((HDIM, HDIM)), _whole((HDIM, HDIM)), _whole((1, HDIM))],
    out_specs=[_rows(HDIM)] * 3,
    out_shape=[jax.ShapeDtypeStruct((NODES, HDIM), jnp.float32)] * 3,
)


def _node_update(h, agg, u1h, u1a, bu1, wu2, bu2):
    hv = h[...]
    t = _silu(_mm_exact(hv, u1h[...]) + _mm_exact(agg[...], u1a[...])
              + bu1[...])
    return hv + _mm_exact(t, wu2[...]) + bu2[...]


def _mid_body(h, agg, u1h, u1a, bu1, wu2, bu2, m1s, m1d, bm1,
              h_o, a_o, b_o):
    h2 = _node_update(h, agg, u1h, u1a, bu1, wu2, bu2)
    h_o[...] = h2
    a_o[...] = _mm_1x(h2, m1s[...])
    b_o[...] = _mm_1x(h2, m1d[...]) + bm1[...]


_mid_call = pl.pallas_call(
    _mid_body,
    grid=(NBLK,),
    in_specs=[_rows(HDIM), _rows(HDIM),
              _whole((HDIM, HDIM)), _whole((HDIM, HDIM)), _whole((1, HDIM)),
              _whole((HDIM, HDIM)), _whole((1, HDIM)),
              _whole((HDIM, HDIM)), _whole((HDIM, HDIM)), _whole((1, HDIM))],
    out_specs=[_rows(HDIM)] * 3,
    out_shape=[jax.ShapeDtypeStruct((NODES, HDIM), jnp.float32)] * 3,
)


def _fin_body(h, agg, u1h, u1a, bu1, wu2, bu2, wr1, br1, wr2, br2, o):
    h2 = _node_update(h, agg, u1h, u1a, bu1, wu2, bu2)
    r = _silu(_mm_exact(h2, wr1[...]) + br1[...])
    o[...] = _mm_exact(r, wr2[...]) + br2[...]


_fin_call = pl.pallas_call(
    _fin_body,
    grid=(NBLK,),
    in_specs=[_rows(HDIM), _rows(HDIM),
              _whole((HDIM, HDIM)), _whole((HDIM, HDIM)), _whole((1, HDIM)),
              _whole((HDIM, HDIM)), _whole((1, HDIM)),
              _whole((HDIM, HDIM)), _whole((1, HDIM)),
              _whole((HDIM, 1)), _whole((1, 1))],
    out_specs=[_rows(1)],
    out_shape=[jax.ShapeDtypeStruct((NODES, 1), jnp.float32)],
)


def _soft_body(x, o):
    xv = x[...]
    m = jnp.max(xv)
    e = jnp.exp(xv - m)
    o[...] = e / jnp.sum(e)


_soft_call = pl.pallas_call(
    _soft_body,
    out_shape=jax.ShapeDtypeStruct((400, 125), jnp.float32),
)


def kernel(node_feats, edge_index, Wp, bp, Wm1, bm1, Wm2, bm2,
           Wu1, bu1, Wu2, bu2, Wr1, br1, Wr2, br2):
    src = edge_index[0]
    dst = edge_index[1]
    nf8 = jnp.pad(node_feats, ((0, 0), (0, 5)))
    wp8 = jnp.pad(Wp, ((0, 5), (0, 0)))

    h, a, b = _pro_call(nf8, wp8, bp.reshape(1, -1), Wm1[0][:HDIM],
                        Wm1[0][HDIM:], bm1[0].reshape(1, -1))
    logits = None
    for l in range(NLAYER):
        pre = _gather_call(a, b, src, dst)
        m = jax.nn.silu(pre) @ Wm2[l] + bm2[l]
        agg = _scatter_call(m, dst)
        if l + 1 < NLAYER:
            h, a, b = _mid_call(h, agg, Wu1[l][:HDIM], Wu1[l][HDIM:],
                                bu1[l].reshape(1, -1), Wu2[l],
                                bu2[l].reshape(1, -1), Wm1[l + 1][:HDIM],
                                Wm1[l + 1][HDIM:], bm1[l + 1].reshape(1, -1))
        else:
            (logits,) = _fin_call(h, agg, Wu1[l][:HDIM], Wu1[l][HDIM:],
                                  bu1[l].reshape(1, -1), Wu2[l],
                                  bu2[l].reshape(1, -1), Wr1,
                                  br1.reshape(1, -1), Wr2, br2.reshape(1, -1))
    p = _soft_call(logits.reshape(400, 125))
    return p.reshape(NODES)

# --- scband reference (transcript-rebuilt; emitter-appended) ---
"""Pipeline reference for scband-mesh-graph-net-baseline-88940182765947 (READ-ONLY COPY).

The authoritative reference and input builder live on the scoring server;
editing this copy changes nothing except your own understanding.
"""

import jax, jax.numpy as jnp
import numpy as np

N = 50000
E = 800000
H = 64
L = 3

def _p(key, shape):
    return jax.random.normal(key, shape, dtype=jnp.float32) * 0.1

def setup_inputs(seed: int = 0):
    key = jax.random.key(seed)
    ks = jax.random.split(key, 16)
    inp = {}
    inp["node_feats"] = jax.random.normal(ks[0], (N, 3), dtype=jnp.float32)
    inp["edge_index"] = jax.random.randint(ks[1], (2, E), 0, N, dtype=jnp.int32)
    inp["Wp"] = _p(ks[2], (3, H)); inp["bp"] = jnp.zeros((H,), jnp.float32)
    inp["Wm1"] = _p(ks[3], (L, 2 * H, H)); inp["bm1"] = jnp.zeros((L, H), jnp.float32)
    inp["Wm2"] = _p(ks[4], (L, H, H)); inp["bm2"] = jnp.zeros((L, H), jnp.float32)
    inp["Wu1"] = _p(ks[5], (L, 2 * H, H)); inp["bu1"] = jnp.zeros((L, H), jnp.float32)
    inp["Wu2"] = _p(ks[6], (L, H, H)); inp["bu2"] = jnp.zeros((L, H), jnp.float32)
    inp["Wr1"] = _p(ks[7], (H, H)); inp["br1"] = jnp.zeros((H,), jnp.float32)
    inp["Wr2"] = _p(ks[8], (H, 1)); inp["br2"] = jnp.zeros((1,), jnp.float32)
    return inp

def reference(node_feats, edge_index, Wp, bp, Wm1, bm1, Wm2, bm2, Wu1, bu1, Wu2, bu2, Wr1, br1, Wr2, br2):
    src = edge_index[0]
    dst = edge_index[1]
    h = node_feats @ Wp + bp
    for l in range(L):
        # RateMessagePassing layer: edge MLP on [h_src, h_dst], scatter-add to dst, node update MLP, residual
        m = jnp.concatenate([h[src], h[dst]], axis=-1)
        m = jax.nn.silu(m @ Wm1[l] + bm1[l]) @ Wm2[l] + bm2[l]
        agg = jax.ops.segment_sum(m, dst, num_segments=N)
        u = jnp.concatenate([h, agg], axis=-1)
        u = jax.nn.silu(u @ Wu1[l] + bu1[l]) @ Wu2[l] + bu2[l]
        h = h + u
    logits = (jax.nn.silu(h @ Wr1 + br1) @ Wr2 + br2)[:, 0]
    return jax.nn.softmax(logits, axis=0)

if __name__ == "__main__":
    import jax
    _d = setup_inputs()
    print(jax.jit(kernel)(*tuple(_d.values())))

</pallas_src>

<mosaic_0001>
#map = affine_map<(d0, d1) -> (0, 0)>
#map1 = affine_map<(d0, d1) -> (0)>
module attributes {stable_mosaic.version = 14 : i64} {
  func.func @_gather_body(%arg0: i32, %arg1: i32, %arg2: memref<50000x64xf32, #tpu.memory_space<hbm>>, %arg3: memref<50000x64xf32, #tpu.memory_space<hbm>>, %arg4: memref<800000xi32, #tpu.memory_space<hbm>>, %arg5: memref<800000xi32, #tpu.memory_space<hbm>>, %arg6: memref<800000x64xf32, #tpu.memory_space<hbm>>, %arg7: memref<40xi32, #tpu.memory_space<vmem>>, %arg8: memref<40xi32, #tpu.memory_space<vmem>>, %arg9: memref<40x64xf32, #tpu.memory_space<vmem>>, %arg10: memref<40x64xf32, #tpu.memory_space<vmem>>, %arg11: memref<!tpu.dma_semaphore, #tpu.memory_space<semaphore_mem>>, %arg12: memref<!tpu.dma_semaphore, #tpu.memory_space<semaphore_mem>>) attributes {dimension_semantics = [#tpu.dimension_semantics<core_parallel>, #tpu.dimension_semantics<subcore_parallel>], iteration_bounds = array<i64: 2, 16>, scalar_prefetch = 0 : i64, scratch_operands = 6 : i64, tpu.core_type = #tpu.core_type<sc_vector_subcore>, window_params = [{transform_indices = #map}, {transform_indices = #map}, {transform_indices = #map1}, {transform_indices = #map1}, {transform_indices = #map}]} {
    %mul3A = arith.constant 2 : i32
    %mul3A_0 = arith.muli %arg1, %mul3A : i32
    %add3A = arith.addi %mul3A_0, %arg0 : i32
    %mul3A_1 = arith.constant 25000 : i32
    %mul3A_2 = arith.muli %add3A, %mul3A_1 : i32
    %scan3A = arith.constant 0 : i32
    %scan3A_3 = arith.constant 625 : i32
    %scan3A_4 = arith.addi %scan3A, %scan3A_3 : i32
    %scan3A_5 = arith.constant 1 : i32
    scf.for %scan3A_7 = %scan3A to %scan3A_4 step %scan3A_5  : i32 {
      %mul3A_8 = arith.constant 1 : i32
      %mul3A_9 = arith.muli %scan3A_7, %mul3A_8 : i32
      %add3A_10 = arith.constant 0 : i32
      %add3A_11 = arith.addi %add3A_10, %mul3A_9 : i32
      %mul3A_12 = arith.constant 40 : i32
      %mul3A_13 = arith.muli %add3A_11, %mul3A_12 : i32
      %add3A_14 = arith.addi %mul3A_2, %mul3A_13 : i32
      "tpu.region"() ({
        %run_scoped3A = tpu.sem_alloc : memref<!tpu.dma_semaphore, #tpu.memory_space<semaphore_mem>>
        %dma_start3A_30 = tpu.memref_slice %arg4[%add3A_14] : memref<800000xi32, #tpu.memory_space<hbm>> -> memref<40xi32, #tpu.memory_space<hbm>>
        %dma_start3A_31 = tpu.memref_slice %arg4[%add3A_14] : memref<800000xi32, #tpu.memory_space<hbm>> -> memref<40xi32, #tpu.memory_space<hbm>>
        tpu.enqueue_dma source(%dma_start3A_31 : memref<40xi32, #tpu.memory_space<hbm>>) target(%arg7 : memref<40xi32, #tpu.memory_space<vmem>>) target_semaphore(%run_scoped3A : memref<!tpu.dma_semaphore, #tpu.memory_space<semaphore_mem>>)
        %dma_wait3A_32 = tpu.memref_slice %arg4[%add3A_14] : memref<800000xi32, #tpu.memory_space<hbm>> -> memref<40xi32, #tpu.memory_space<hbm>>
        %dma_wait3A_33 = tpu.memref_slice %arg4[%add3A_14] : memref<800000xi32, #tpu.memory_space<hbm>> -> memref<40xi32, #tpu.memory_space<hbm>>
        tpu.wait_dma2 semaphore(%run_scoped3A : memref<!tpu.dma_semaphore, #tpu.memory_space<semaphore_mem>>) src(%dma_wait3A_33 : memref<40xi32, #tpu.memory_space<hbm>>) dst(%arg7 : memref<40xi32, #tpu.memory_space<vmem>>)
        tpu.yield
      }) : () -> ()
      "tpu.region"() ({
        %run_scoped3A = tpu.sem_alloc : memref<!tpu.dma_semaphore, #tpu.memory_space<semaphore_mem>>
        %dma_start3A_30 = tpu.memref_slice %arg5[%add3A_14] : memref<800000xi32, #tpu.memory_space<hbm>> -> memref<40xi32, #tpu.memory_space<hbm>>
        %dma_start3A_31 = tpu.memref_slice %arg5[%add3A_14] : memref<800000xi32, #tpu.memory_space<hbm>> -> memref<40xi32, #tpu.memory_space<hbm>>
        tpu.enqueue_dma source(%dma_start3A_31 : memref<40xi32, #tpu.memory_space<hbm>>) target(%arg8 : memref<40xi32, #tpu.memory_space<vmem>>) target_semaphore(%run_scoped3A : memref<!tpu.dma_semaphore, #tpu.memory_space<semaphore_mem>>)
        %dma_wait3A_32 = tpu.memref_slice %arg5[%add3A_14] : memref<800000xi32, #tpu.memory_space<hbm>> -> memref<40xi32, #tpu.memory_space<hbm>>
        %dma_wait3A_33 = tpu.memref_slice %arg5[%add3A_14] : memref<800000xi32, #tpu.memory_space<hbm>> -> memref<40xi32, #tpu.memory_space<hbm>>
        tpu.wait_dma2 semaphore(%run_scoped3A : memref<!tpu.dma_semaphore, #tpu.memory_space<semaphore_mem>>) src(%dma_wait3A_33 : memref<40xi32, #tpu.memory_space<hbm>>) dst(%arg8 : memref<40xi32, #tpu.memory_space<vmem>>)
        tpu.yield
      }) : () -> ()
      %dma_start3A = arith.constant 0 : i32
      %dma_start3A_15 = arith.constant 0 : i32
      %dma_start3A_16 = tpu.memref_slice %arg2[%dma_start3A, %dma_start3A_15] : memref<50000x64xf32, #tpu.memory_space<hbm>> -> memref<50000x64xf32, #tpu.memory_space<hbm>>
      tpu.enqueue_indirect_dma source(%dma_start3A_16 : memref<50000x64xf32, #tpu.memory_space<hbm>>) target(%arg9 : memref<40x64xf32, #tpu.memory_space<vmem>>) offsets(%arg7 : memref<40xi32, #tpu.memory_space<vmem>>) semaphore(%arg11 : memref<!tpu.dma_semaphore, #tpu.memory_space<semaphore_mem>>)
      %dma_start3A_17 = arith.constant 0 : i32
      %dma_start3A_18 = arith.constant 0 : i32
      %dma_start3A_19 = tpu.memref_slice %arg3[%dma_start3A_17, %dma_start3A_18] : memref<50000x64xf32, #tpu.memory_space<hbm>> -> memref<50000x64xf32, #tpu.memory_space<hbm>>
      tpu.enqueue_indirect_dma source(%dma_start3A_19 : memref<50000x64xf32, #tpu.memory_space<hbm>>) target(%arg10 : memref<40x64xf32, #tpu.memory_space<vmem>>) offsets(%arg8 : memref<40xi32, #tpu.memory_space<vmem>>) semaphore(%arg12 : memref<!tpu.dma_semaphore, #tpu.memory_space<semaphore_mem>>)
      %dma_wait3A = arith.constant 0 : i32
      %dma_wait3A_20 = arith.constant 0 : i32
      %dma_wait3A_21 = tpu.memref_slice %arg2[%dma_wait3A, %dma_wait3A_20] : memref<50000x64xf32, #tpu.memory_space<hbm>> -> memref<50000x64xf32, #tpu.memory_space<hbm>>
      tpu.wait_indirect_dma semaphore(%arg11 : memref<!tpu.dma_semaphore, #tpu.memory_space<semaphore_mem>>) src(%dma_wait3A_21 : memref<50000x64xf32, #tpu.memory_space<hbm>>) dst(%arg9 : memref<40x64xf32, #tpu.memory_space<vmem>>)
      %dma_wait3A_22 = arith.constant 0 : i32
      %dma_wait3A_23 = arith.constant 0 : i32
      %dma_wait3A_24 = tpu.memref_slice %arg3[%dma_wait3A_22, %dma_wait3A_23] : memref<50000x64xf32, #tpu.memory_space<hbm>> -> memref<50000x64xf32, #tpu.memory_space<hbm>>
      tpu.wait_indirect_dma semaphore(%arg12 : memref<!tpu.dma_semaphore, #tpu.memory_space<semaphore_mem>>) src(%dma_wait3A_24 : memref<50000x64xf32, #tpu.memory_space<hbm>>) dst(%arg10 : memref<40x64xf32, #tpu.memory_space<vmem>>)
      %scan3A_25 = arith.constant 0 : i32
      %scan3A_26 = arith.constant 40 : i32
      %scan3A_27 = arith.addi %scan3A_25, %scan3A_26 : i32
      %scan3A_28 = arith.constant 1 : i32
      scf.for %scan3A_30 = %scan3A_25 to %scan3A_27 step %scan3A_28  : i32 {
        %mul3A_31 = arith.constant 1 : i32
        %mul3A_32 = arith.muli %scan3A_30, %mul3A_31 : i32
        %add3A_33 = arith.constant 0 : i32
        %add3A_34 = arith.addi %add3A_33, %mul3A_32 : i32
        %get3A = arith.index_cast %add3A_34 : i32 to index
        %get3A_35 = arith.constant 0 : index
        %get3A_36 = tpu.vector_load %arg9[%get3A, %get3A_35] {strides = array<i32>} : memref<40x64xf32, #tpu.memory_space<vmem>>, vector<16xf32>,
        %get3A_37 = arith.index_cast %add3A_34 : i32 to index
        %get3A_38 = arith.constant 0 : index
        %get3A_39 = tpu.vector_load %arg10[%get3A_37, %get3A_38] {strides = array<i32>} : memref<40x64xf32, #tpu.memory_space<vmem>>, vector<16xf32>,
        %add3A_40 = arith.addf %get3A_36, %get3A_39 : vector<16xf32>
        %swap3A = arith.index_cast %add3A_34 : i32 to index
        %swap3A_41 = arith.constant 0 : index
        %swap3A_42 = tpu.vector_load %arg9[%swap3A, %swap3A_41] {strides = array<i32>} : memref<40x64xf32, #tpu.memory_space<vmem>>, vector<16xf32>,
        tpu.vector_store %arg9[%swap3A, %swap3A_41], %add3A_40 {strides = array<i32>} : memref<40x64xf32, #tpu.memory_space<vmem>>, vector<16xf32>,
        %get3A_43 = arith.index_cast %add3A_34 : i32 to index
        %get3A_44 = arith.constant 16 : index
        %get3A_45 = tpu.vector_load %arg9[%get3A_43, %get3A_44] {strides = array<i32>} : memref<40x64xf32, #tpu.memory_space<vmem>>, vector<16xf32>,
        %get3A_46 = arith.index_cast %add3A_34 : i32 to index
        %get3A_47 = arith.constant 16 : index
        %get3A_48 = tpu.vector_load %arg10[%get3A_46, %get3A_47] {strides = array<i32>} : memref<40x64xf32, #tpu.memory_space<vmem>>, vector<16xf32>,
        %add3A_49 = arith.addf %get3A_45, %get3A_48 : vector<16xf32>
        %swap3A_50 = arith.index_cast %add3A_34 : i32 to index
        %swap3A_51 = arith.constant 16 : index
        %swap3A_52 = tpu.vector_load %arg9[%swap3A_50, %swap3A_51] {strides = array<i32>} : memref<40x64xf32, #tpu.memory_space<vmem>>, vector<16xf32>,
        tpu.vector_store %arg9[%swap3A_50, %swap3A_51], %add3A_49 {strides = array<i32>} : memref<40x64xf32, #tpu.memory_space<vmem>>, vector<16xf32>,
        %get3A_53 = arith.index_cast %add3A_34 : i32 to index
        %get3A_54 = arith.constant 32 : index
        %get3A_55 = tpu.vector_load %arg9[%get3A_53, %get3A_54] {strides = array<i32>} : memref<40x64xf32, #tpu.memory_space<vmem>>, vector<16xf32>,
        %get3A_56 = arith.index_cast %add3A_34 : i32 to index
        %get3A_57 = arith.constant 32 : index
        %get3A_58 = tpu.vector_load %arg10[%get3A_56, %get3A_57] {strides = array<i32>} : memref<40x64xf32, #tpu.memory_space<vmem>>, vector<16xf32>,
        %add3A_59 = arith.addf %get3A_55, %get3A_58 : vector<16xf32>
        %swap3A_60 = arith.index_cast %add3A_34 : i32 to index
        %swap3A_61 = arith.constant 32 : index
        %swap3A_62 = tpu.vector_load %arg9[%swap3A_60, %swap3A_61] {strides = array<i32>} : memref<40x64xf32, #tpu.memory_space<vmem>>, vector<16xf32>,
        tpu.vector_store %arg9[%swap3A_60, %swap3A_61], %add3A_59 {strides = array<i32>} : memref<40x64xf32, #tpu.memory_space<vmem>>, vector<16xf32>,
        %get3A_63 = arith.index_cast %add3A_34 : i32 to index
        %get3A_64 = arith.constant 48 : index
        %get3A_65 = tpu.vector_load %arg9[%get3A_63, %get3A_64] {strides = array<i32>} : memref<40x64xf32, #tpu.memory_space<vmem>>, vector<16xf32>,
        %get3A_66 = arith.index_cast %add3A_34 : i32 to index
        %get3A_67 = arith.constant 48 : index
        %get3A_68 = tpu.vector_load %arg10[%get3A_66, %get3A_67] {strides = array<i32>} : memref<40x64xf32, #tpu.memory_space<vmem>>, vector<16xf32>,
        %add3A_69 = arith.addf %get3A_65, %get3A_68 : vector<16xf32>
        %swap3A_70 = arith.index_cast %add3A_34 : i32 to index
        %swap3A_71 = arith.constant 48 : index
        %swap3A_72 = tpu.vector_load %arg9[%swap3A_70, %swap3A_71] {strides = array<i32>} : memref<40x64xf32, #tpu.memory_space<vmem>>, vector<16xf32>,
        tpu.vector_store %arg9[%swap3A_70, %swap3A_71], %add3A_69 {strides = array<i32>} : memref<40x64xf32, #tpu.memory_space<vmem>>, vector<16xf32>,
      }
      %scan3A_29 = arith.constant 40 : i32
      "tpu.region"() ({
        %run_scoped3A = tpu.sem_alloc : memref<!tpu.dma_semaphore, #tpu.memory_space<semaphore_mem>>
        %dma_start3A_30 = arith.constant 0 : i32
        %dma_start3A_31 = tpu.memref_slice %arg6[%add3A_14, %dma_start3A_30] : memref<800000x64xf32, #tpu.memory_space<hbm>> -> memref<40x64xf32, #tpu.memory_space<hbm>>
        %dma_start3A_32 = arith.constant 0 : i32
        %dma_start3A_33 = tpu.memref_slice %arg6[%add3A_14, %dma_start3A_32] : memref<800000x64xf32, #tpu.memory_space<hbm>> -> memref<40x64xf32, #tpu.memory_space<hbm>>
        tpu.enqueue_dma source(%arg9 : memref<40x64xf32, #tpu.memory_space<vmem>>) target(%dma_start3A_33 : memref<40x64xf32, #tpu.memory_space<hbm>>) target_semaphore(%run_scoped3A : memref<!tpu.dma_semaphore, #tpu.memory_space<semaphore_mem>>)
        %dma_wait3A_34 = arith.constant 0 : i32
        %dma_wait3A_35 = tpu.memref_slice %arg6[%add3A_14, %dma_wait3A_34] : memref<800000x64xf32, #tpu.memory_space<hbm>> -> memref<40x64xf32, #tpu.memory_space<hbm>>
        %dma_wait3A_36 = arith.constant 0 : i32
        %dma_wait3A_37 = tpu.memref_slice %arg6[%add3A_14, %dma_wait3A_36] : memref<800000x64xf32, #tpu.memory_space<hbm>> -> memref<40x64xf32, #tpu.memory_space<hbm>>
        tpu.wait_dma2 semaphore(%run_scoped3A : memref<!tpu.dma_semaphore, #tpu.memory_space<semaphore_mem>>) src(%arg9 : memref<40x64xf32, #tpu.memory_space<vmem>>) dst(%dma_wait3A_37 : memref<40x64xf32, #tpu.memory_space<hbm>>)
        tpu.yield
      }) : () -> ()
    }
    %scan3A_6 = arith.constant 625 : i32
    return
  }
}

#map = affine_map<(d0, d1) -> (0, 0)>
#map1 = affine_map<(d0, d1) -> (0)>
module attributes {stable_mosaic.version = 14 : i64} {
  func.func @_gather_body(%arg0: i32, %arg1: i32, %arg2: memref<50000x64xf32, #tpu.memory_space<hbm>>, %arg3: memref<50000x64xf32, #tpu.memory_space<hbm>>, %arg4: memref<800000xi32, #tpu.memory_space<hbm>>, %arg5: memref<800000xi32, #tpu.memory_space<hbm>>, %arg6: memref<800000x64xf32, #tpu.memory_space<hbm>>, %arg7: memref<40xi32, #tpu.memory_space<vmem>>, %arg8: memref<40xi32, #tpu.memory_space<vmem>>, %arg9: memref<40x64xf32, #tpu.memory_space<vmem>>, %arg10: memref<40x64xf32, #tpu.memory_space<vmem>>, %arg11: memref<!tpu.dma_semaphore, #tpu.memory_space<semaphore_mem>>, %arg12: memref<!tpu.dma_semaphore, #tpu.memory_space<semaphore_mem>>) attributes {dimension_semantics = [#tpu.dimension_semantics<core_parallel>, #tpu.dimension_semantics<subcore_parallel>], iteration_bounds = array<i64: 2, 16>, scalar_prefetch = 0 : i64, scratch_operands = 6 : i64, tpu.core_type = #tpu.core_type<sc_vector_subcore>, window_params = [{transform_indices = #map}, {transform_indices = #map}, {transform_indices = #map1}, {transform_indices = #map1}, {transform_indices = #map}]} {
    %mul3A = arith.constant 2 : i32
    %mul3A_0 = arith.muli %arg1, %mul3A : i32
    %add3A = arith.addi %mul3A_0, %arg0 : i32
    %mul3A_1 = arith.constant 25000 : i32
    %mul3A_2 = arith.muli %add3A, %mul3A_1 : i32
    %scan3A = arith.constant 0 : i32
    %scan3A_3 = arith.constant 625 : i32
    %scan3A_4 = arith.addi %scan3A, %scan3A_3 : i32
    %scan3A_5 = arith.constant 1 : i32
    scf.for %scan3A_7 = %scan3A to %scan3A_4 step %scan3A_5  : i32 {
      %mul3A_8 = arith.constant 1 : i32
      %mul3A_9 = arith.muli %scan3A_7, %mul3A_8 : i32
      %add3A_10 = arith.constant 0 : i32
      %add3A_11 = arith.addi %add3A_10, %mul3A_9 : i32
      %mul3A_12 = arith.constant 40 : i32
      %mul3A_13 = arith.muli %add3A_11, %mul3A_12 : i32
      %add3A_14 = arith.addi %mul3A_2, %mul3A_13 : i32
      "tpu.region"() ({
        %run_scoped3A = tpu.sem_alloc : memref<!tpu.dma_semaphore, #tpu.memory_space<semaphore_mem>>
        %dma_start3A_30 = tpu.memref_slice %arg4[%add3A_14] : memref<800000xi32, #tpu.memory_space<hbm>> -> memref<40xi32, #tpu.memory_space<hbm>>
        %dma_start3A_31 = tpu.memref_slice %arg4[%add3A_14] : memref<800000xi32, #tpu.memory_space<hbm>> -> memref<40xi32, #tpu.memory_space<hbm>>
        tpu.enqueue_dma source(%dma_start3A_31 : memref<40xi32, #tpu.memory_space<hbm>>) target(%arg7 : memref<40xi32, #tpu.memory_space<vmem>>) target_semaphore(%run_scoped3A : memref<!tpu.dma_semaphore, #tpu.memory_space<semaphore_mem>>)
        %dma_wait3A_32 = tpu.memref_slice %arg4[%add3A_14] : memref<800000xi32, #tpu.memory_space<hbm>> -> memref<40xi32, #tpu.memory_space<hbm>>
        %dma_wait3A_33 = tpu.memref_slice %arg4[%add3A_14] : memref<800000xi32, #tpu.memory_space<hbm>> -> memref<40xi32, #tpu.memory_space<hbm>>
        tpu.wait_dma2 semaphore(%run_scoped3A : memref<!tpu.dma_semaphore, #tpu.memory_space<semaphore_mem>>) src(%dma_wait3A_33 : memref<40xi32, #tpu.memory_space<hbm>>) dst(%arg7 : memref<40xi32, #tpu.memory_space<vmem>>)
        tpu.yield
      }) : () -> ()
      "tpu.region"() ({
        %run_scoped3A = tpu.sem_alloc : memref<!tpu.dma_semaphore, #tpu.memory_space<semaphore_mem>>
        %dma_start3A_30 = tpu.memref_slice %arg5[%add3A_14] : memref<800000xi32, #tpu.memory_space<hbm>> -> memref<40xi32, #tpu.memory_space<hbm>>
        %dma_start3A_31 = tpu.memref_slice %arg5[%add3A_14] : memref<800000xi32, #tpu.memory_space<hbm>> -> memref<40xi32, #tpu.memory_space<hbm>>
        tpu.enqueue_dma source(%dma_start3A_31 : memref<40xi32, #tpu.memory_space<hbm>>) target(%arg8 : memref<40xi32, #tpu.memory_space<vmem>>) target_semaphore(%run_scoped3A : memref<!tpu.dma_semaphore, #tpu.memory_space<semaphore_mem>>)
        %dma_wait3A_32 = tpu.memref_slice %arg5[%add3A_14] : memref<800000xi32, #tpu.memory_space<hbm>> -> memref<40xi32, #tpu.memory_space<hbm>>
        %dma_wait3A_33 = tpu.memref_slice %arg5[%add3A_14] : memref<800000xi32, #tpu.memory_space<hbm>> -> memref<40xi32, #tpu.memory_space<hbm>>
        tpu.wait_dma2 semaphore(%run_scoped3A : memref<!tpu.dma_semaphore, #tpu.memory_space<semaphore_mem>>) src(%dma_wait3A_33 : memref<40xi32, #tpu.memory_space<hbm>>) dst(%arg8 : memref<40xi32, #tpu.memory_space<vmem>>)
        tpu.yield
      }) : () -> ()
      %dma_start3A = arith.constant 0 : i32
      %dma_start3A_15 = arith.constant 0 : i32
      %dma_start3A_16 = tpu.memref_slice %arg2[%dma_start3A, %dma_start3A_15] : memref<50000x64xf32, #tpu.memory_space<hbm>> -> memref<50000x64xf32, #tpu.memory_space<hbm>>
      tpu.enqueue_indirect_dma source(%dma_start3A_16 : memref<50000x64xf32, #tpu.memory_space<hbm>>) target(%arg9 : memref<40x64xf32, #tpu.memory_space<vmem>>) offsets(%arg7 : memref<40xi32, #tpu.memory_space<vmem>>) semaphore(%arg11 : memref<!tpu.dma_semaphore, #tpu.memory_space<semaphore_mem>>)
      %dma_start3A_17 = arith.constant 0 : i32
      %dma_start3A_18 = arith.constant 0 : i32
      %dma_start3A_19 = tpu.memref_slice %arg3[%dma_start3A_17, %dma_start3A_18] : memref<50000x64xf32, #tpu.memory_space<hbm>> -> memref<50000x64xf32, #tpu.memory_space<hbm>>
      tpu.enqueue_indirect_dma source(%dma_start3A_19 : memref<50000x64xf32, #tpu.memory_space<hbm>>) target(%arg10 : memref<40x64xf32, #tpu.memory_space<vmem>>) offsets(%arg8 : memref<40xi32, #tpu.memory_space<vmem>>) semaphore(%arg12 : memref<!tpu.dma_semaphore, #tpu.memory_space<semaphore_mem>>)
      %dma_wait3A = arith.constant 0 : i32
      %dma_wait3A_20 = arith.constant 0 : i32
      %dma_wait3A_21 = tpu.memref_slice %arg2[%dma_wait3A, %dma_wait3A_20] : memref<50000x64xf32, #tpu.memory_space<hbm>> -> memref<50000x64xf32, #tpu.memory_space<hbm>>
      tpu.wait_indirect_dma semaphore(%arg11 : memref<!tpu.dma_semaphore, #tpu.memory_space<semaphore_mem>>) src(%dma_wait3A_21 : memref<50000x64xf32, #tpu.memory_space<hbm>>) dst(%arg9 : memref<40x64xf32, #tpu.memory_space<vmem>>)
      %dma_wait3A_22 = arith.constant 0 : i32
      %dma_wait3A_23 = arith.constant 0 : i32
      %dma_wait3A_24 = tpu.memref_slice %arg3[%dma_wait3A_22, %dma_wait3A_23] : memref<50000x64xf32, #tpu.memory_space<hbm>> -> memref<50000x64xf32, #tpu.memory_space<hbm>>
      tpu.wait_indirect_dma semaphore(%arg12 : memref<!tpu.dma_semaphore, #tpu.memory_space<semaphore_mem>>) src(%dma_wait3A_24 : memref<50000x64xf32, #tpu.memory_space<hbm>>) dst(%arg10 : memref<40x64xf32, #tpu.memory_space<vmem>>)
      %scan3A_25 = arith.constant 0 : i32
      %scan3A_26 = arith.constant 40 : i32
      %scan3A_27 = arith.addi %scan3A_25, %scan3A_26 : i32
      %scan3A_28 = arith.constant 1 : i32
      scf.for %scan3A_30 = %scan3A_25 to %scan3A_27 step %scan3A_28  : i32 {
        %mul3A_31 = arith.constant 1 : i32
        %mul3A_32 = arith.muli %scan3A_30, %mul3A_31 : i32
        %add3A_33 = arith.constant 0 : i32
        %add3A_34 = arith.addi %add3A_33, %mul3A_32 : i32
        %get3A = arith.index_cast %add3A_34 : i32 to index
        %get3A_35 = arith.constant 0 : index
        %get3A_36 = tpu.vector_load %arg9[%get3A, %get3A_35] {strides = array<i32>} : memref<40x64xf32, #tpu.memory_space<vmem>>, vector<16xf32>,
        %get3A_37 = arith.index_cast %add3A_34 : i32 to index
        %get3A_38 = arith.constant 0 : index
        %get3A_39 = tpu.vector_load %arg10[%get3A_37, %get3A_38] {strides = array<i32>} : memref<40x64xf32, #tpu.memory_space<vmem>>, vector<16xf32>,
        %add3A_40 = arith.addf %get3A_36, %get3A_39 : vector<16xf32>
        %swap3A = arith.index_cast %add3A_34 : i32 to index
        %swap3A_41 = arith.constant 0 : index
        %swap3A_42 = tpu.vector_load %arg9[%swap3A, %swap3A_41] {strides = array<i32>} : memref<40x64xf32, #tpu.memory_space<vmem>>, vector<16xf32>,
        tpu.vector_store %arg9[%swap3A, %swap3A_41], %add3A_40 {strides = array<i32>} : memref<40x64xf32, #tpu.memory_space<vmem>>, vector<16xf32>,
        %get3A_43 = arith.index_cast %add3A_34 : i32 to index
        %get3A_44 = arith.constant 16 : index
        %get3A_45 = tpu.vector_load %arg9[%get3A_43, %get3A_44] {strides = array<i32>} : memref<40x64xf32, #tpu.memory_space<vmem>>, vector<16xf32>,
        %get3A_46 = arith.index_cast %add3A_34 : i32 to index
        %get3A_47 = arith.constant 16 : index
        %get3A_48 = tpu.vector_load %arg10[%get3A_46, %get3A_47] {strides = array<i32>} : memref<40x64xf32, #tpu.memory_space<vmem>>, vector<16xf32>,
        %add3A_49 = arith.addf %get3A_45, %get3A_48 : vector<16xf32>
        %swap3A_50 = arith.index_cast %add3A_34 : i32 to index
        %swap3A_51 = arith.constant 16 : index
        %swap3A_52 = tpu.vector_load %arg9[%swap3A_50, %swap3A_51] {strides = array<i32>} : memref<40x64xf32, #tpu.memory_space<vmem>>, vector<16xf32>,
        tpu.vector_store %arg9[%swap3A_50, %swap3A_51], %add3A_49 {strides = array<i32>} : memref<40x64xf32, #tpu.memory_space<vmem>>, vector<16xf32>,
        %get3A_53 = arith.index_cast %add3A_34 : i32 to index
        %get3A_54 = arith.constant 32 : index
        %get3A_55 = tpu.vector_load %arg9[%get3A_53, %get3A_54] {strides = array<i32>} : memref<40x64xf32, #tpu.memory_space<vmem>>, vector<16xf32>,
        %get3A_56 = arith.index_cast %add3A_34 : i32 to index
        %get3A_57 = arith.constant 32 : index
        %get3A_58 = tpu.vector_load %arg10[%get3A_56, %get3A_57] {strides = array<i32>} : memref<40x64xf32, #tpu.memory_space<vmem>>, vector<16xf32>,
        %add3A_59 = arith.addf %get3A_55, %get3A_58 : vector<16xf32>
        %swap3A_60 = arith.index_cast %add3A_34 : i32 to index
        %swap3A_61 = arith.constant 32 : index
        %swap3A_62 = tpu.vector_load %arg9[%swap3A_60, %swap3A_61] {strides = array<i32>} : memref<40x64xf32, #tpu.memory_space<vmem>>, vector<16xf32>,
        tpu.vector_store %arg9[%swap3A_60, %swap3A_61], %add3A_59 {strides = array<i32>} : memref<40x64xf32, #tpu.memory_space<vmem>>, vector<16xf32>,
        %get3A_63 = arith.index_cast %add3A_34 : i32 to index
        %get3A_64 = arith.constant 48 : index
        %get3A_65 = tpu.vector_load %arg9[%get3A_63, %get3A_64] {strides = array<i32>} : memref<40x64xf32, #tpu.memory_space<vmem>>, vector<16xf32>,
        %get3A_66 = arith.index_cast %add3A_34 : i32 to index
        %get3A_67 = arith.constant 48 : index
        %get3A_68 = tpu.vector_load %arg10[%get3A_66, %get3A_67] {strides = array<i32>} : memref<40x64xf32, #tpu.memory_space<vmem>>, vector<16xf32>,
        %add3A_69 = arith.addf %get3A_65, %get3A_68 : vector<16xf32>
        %swap3A_70 = arith.index_cast %add3A_34 : i32 to index
        %swap3A_71 = arith.constant 48 : index
        %swap3A_72 = tpu.vector_load %arg9[%swap3A_70, %swap3A_71] {strides = array<i32>} : memref<40x64xf32, #tpu.memory_space<vmem>>, vector<16xf32>,
        tpu.vector_store %arg9[%swap3A_70, %swap3A_71], %add3A_69 {strides = array<i32>} : memref<40x64xf32, #tpu.memory_space<vmem>>, vector<16xf32>,
      }
      %scan3A_29 = arith.constant 40 : i32
      "tpu.region"() ({
        %run_scoped3A = tpu.sem_alloc : memref<!tpu.dma_semaphore, #tpu.memory_space<semaphore_mem>>
        %dma_start3A_30 = arith.constant 0 : i32
        %dma_start3A_31 = tpu.memref_slice %arg6[%add3A_14, %dma_start3A_30] : memref<800000x64xf32, #tpu.memory_space<hbm>> -> memref<40x64xf32, #tpu.memory_space<hbm>>
        %dma_start3A_32 = arith.constant 0 : i32
        %dma_start3A_33 = tpu.memref_slice %arg6[%add3A_14, %dma_start3A_32] : memref<800000x64xf32, #tpu.memory_space<hbm>> -> memref<40x64xf32, #tpu.memory_space<hbm>>
        tpu.enqueue_dma source(%arg9 : memref<40x64xf32, #tpu.memory_space<vmem>>) target(%dma_start3A_33 : memref<40x64xf32, #tpu.memory_space<hbm>>) target_semaphore(%run_scoped3A : memref<!tpu.dma_semaphore, #tpu.memory_space<semaphore_mem>>)
        %dma_wait3A_34 = arith.constant 0 : i32
        %dma_wait3A_35 = tpu.memref_slice %arg6[%add3A_14, %dma_wait3A_34] : memref<800000x64xf32, #tpu.memory_space<hbm>> -> memref<40x64xf32, #tpu.memory_space<hbm>>
        %dma_wait3A_36 = arith.constant 0 : i32
        %dma_wait3A_37 = tpu.memref_slice %arg6[%add3A_14, %dma_wait3A_36] : memref<800000x64xf32, #tpu.memory_space<hbm>> -> memref<40x64xf32, #tpu.memory_space<hbm>>
        tpu.wait_dma2 semaphore(%run_scoped3A : memref<!tpu.dma_semaphore, #tpu.memory_space<semaphore_mem>>) src(%arg9 : memref<40x64xf32, #tpu.memory_space<vmem>>) dst(%dma_wait3A_37 : memref<40x64xf32, #tpu.memory_space<hbm>>)
        tpu.yield
      }) : () -> ()
    }
    %scan3A_6 = arith.constant 625 : i32
    return
  }
}

#map = affine_map<(d0, d1) -> (0, 0)>
#map1 = affine_map<(d0, d1) -> (0)>
module attributes {stable_mosaic.version = 14 : i64} {
  func.func @_scatter_body(%arg0: i32, %arg1: i32, %arg2: memref<800000x64xf32, #tpu.memory_space<hbm>>, %arg3: memref<800000xi32, #tpu.memory_space<hbm>>, %arg4: memref<50000x64xf32, #tpu.memory_space<hbm>>, %arg5: memref<26624x64xf32, #tpu.memory_space<vmem_shared>>, %arg6: memref<80xi32, #tpu.memory_space<vmem>>, %arg7: memref<80xi32, #tpu.memory_space<vmem>>, %arg8: memref<80x64xf32, #tpu.memory_space<vmem>>, %arg9: memref<104x64xf32, #tpu.memory_space<vmem>>, %arg10: memref<!tpu.dma_semaphore, #tpu.memory_space<semaphore_mem>>) attributes {dimension_semantics = [#tpu.dimension_semantics<core_parallel>, #tpu.dimension_semantics<subcore_parallel>], iteration_bounds = array<i64: 2, 16>, scalar_prefetch = 0 : i64, scratch_operands = 6 : i64, tpu.core_type = #tpu.core_type<sc_vector_subcore>, window_params = [{transform_indices = #map}, {transform_indices = #map1}, {transform_indices = #map}]} {
    %mul3A = arith.constant 25000 : i32
    %mul3A_0 = arith.muli %arg0, %mul3A : i32
    %broadcast_in_dim3A = arith.constant 0.000000e+00 : f32
    %broadcast_in_dim3A_1 = vector.broadcast %broadcast_in_dim3A : f32 to vector<16xf32>
    %scan3A = arith.constant 0 : i32
    %scan3A_2 = arith.constant 104 : i32
    %scan3A_3 = arith.addi %scan3A, %scan3A_2 : i32
    %scan3A_4 = arith.constant 1 : i32
    scf.for %scan3A_27 = %scan3A to %scan3A_3 step %scan3A_4  : i32 {
      %mul3A_28 = arith.constant 1 : i32
      %mul3A_29 = arith.muli %scan3A_27, %mul3A_28 : i32
      %add3A = arith.constant 0 : i32
      %add3A_30 = arith.addi %add3A, %mul3A_29 : i32
      %swap3A = arith.index_cast %add3A_30 : i32 to index
      %swap3A_31 = arith.constant 0 : index
      %swap3A_32 = tpu.vector_load %arg9[%swap3A, %swap3A_31] {strides = array<i32>} : memref<104x64xf32, #tpu.memory_space<vmem>>, vector<16xf32>,
      tpu.vector_store %arg9[%swap3A, %swap3A_31], %broadcast_in_dim3A_1 {strides = array<i32>} : memref<104x64xf32, #tpu.memory_space<vmem>>, vector<16xf32>,
      %swap3A_33 = arith.index_cast %add3A_30 : i32 to index
      %swap3A_34 = arith.constant 16 : index
      %swap3A_35 = tpu.vector_load %arg9[%swap3A_33, %swap3A_34] {strides = array<i32>} : memref<104x64xf32, #tpu.memory_space<vmem>>, vector<16xf32>,
      tpu.vector_store %arg9[%swap3A_33, %swap3A_34], %broadcast_in_dim3A_1 {strides = array<i32>} : memref<104x64xf32, #tpu.memory_space<vmem>>, vector<16xf32>,
      %swap3A_36 = arith.index_cast %add3A_30 : i32 to index
      %swap3A_37 = arith.constant 32 : index
      %swap3A_38 = tpu.vector_load %arg9[%swap3A_36, %swap3A_37] {strides = array<i32>} : memref<104x64xf32, #tpu.memory_space<vmem>>, vector<16xf32>,
      tpu.vector_store %arg9[%swap3A_36, %swap3A_37], %broadcast_in_dim3A_1 {strides = array<i32>} : memref<104x64xf32, #tpu.memory_space<vmem>>, vector<16xf32>,
      %swap3A_39 = arith.index_cast %add3A_30 : i32 to index
      %swap3A_40 = arith.constant 48 : index
      %swap3A_41 = tpu.vector_load %arg9[%swap3A_39, %swap3A_40] {strides = array<i32>} : memref<104x64xf32, #tpu.memory_space<vmem>>, vector<16xf32>,
      tpu.vector_store %arg9[%swap3A_39, %swap3A_40], %broadcast_in_dim3A_1 {strides = array<i32>} : memref<104x64xf32, #tpu.memory_space<vmem>>, vector<16xf32>,
    }
    %scan3A_5 = arith.constant 104 : i32
    %scan3A_6 = arith.constant 0 : i32
    %scan3A_7 = arith.constant 16 : i32
    %scan3A_8 = arith.addi %scan3A_6, %scan3A_7 : i32
    %scan3A_9 = arith.constant 1 : i32
    scf.for %scan3A_27 = %scan3A_6 to %scan3A_8 step %scan3A_9  : i32 {
      %mul3A_28 = arith.constant 1 : i32
      %mul3A_29 = arith.muli %scan3A_27, %mul3A_28 : i32
      %add3A = arith.constant 0 : i32
      %add3A_30 = arith.addi %add3A, %mul3A_29 : i32
      %mul3A_31 = arith.constant 1664 : i32
      %mul3A_32 = arith.muli %arg1, %mul3A_31 : i32
      %mul3A_33 = arith.constant 104 : i32
      %mul3A_34 = arith.muli %add3A_30, %mul3A_33 : i32
      %add3A_35 = arith.addi %mul3A_32, %mul3A_34 : i32
      "tpu.region"() ({
        %run_scoped3A = tpu.sem_alloc : memref<!tpu.dma_semaphore, #tpu.memory_space<semaphore_mem>>
        %dma_start3A = arith.constant 0 : i32
        %dma_start3A_36 = tpu.memref_slice %arg5[%add3A_35, %dma_start3A] : memref<26624x64xf32, #tpu.memory_space<vmem_shared>> -> memref<104x64xf32, #tpu.memory_space<vmem_shared>>
        %dma_start3A_37 = arith.constant 0 : i32
        %dma_start3A_38 = tpu.memref_slice %arg5[%add3A_35, %dma_start3A_37] : memref<26624x64xf32, #tpu.memory_space<vmem_shared>> -> memref<104x64xf32, #tpu.memory_space<vmem_shared>>
        tpu.enqueue_dma source(%arg9 : memref<104x64xf32, #tpu.memory_space<vmem>>) target(%dma_start3A_38 : memref<104x64xf32, #tpu.memory_space<vmem_shared>>) target_semaphore(%run_scoped3A : memref<!tpu.dma_semaphore, #tpu.memory_space<semaphore_mem>>)
        %dma_wait3A = arith.constant 0 : i32
        %dma_wait3A_39 = tpu.memref_slice %arg5[%add3A_35, %dma_wait3A] : memref<26624x64xf32, #tpu.memory_space<vmem_shared>> -> memref<104x64xf32, #tpu.memory_space<vmem_shared>>
        %dma_wait3A_40 = arith.constant 0 : i32
        %dma_wait3A_41 = tpu.memref_slice %arg5[%add3A_35, %dma_wait3A_40] : memref<26624x64xf32, #tpu.memory_space<vmem_shared>> -> memref<104x64xf32, #tpu.memory_space<vmem_shared>>
        tpu.wait_dma2 semaphore(%run_scoped3A : memref<!tpu.dma_semaphore, #tpu.memory_space<semaphore_mem>>) src(%arg9 : memref<104x64xf32, #tpu.memory_space<vmem>>) dst(%dma_wait3A_41 : memref<104x64xf32, #tpu.memory_space<vmem_shared>>)
        tpu.yield
      }) : () -> ()
    }
    %scan3A_10 = arith.constant 16 : i32
    %barrier3A = arith.constant 0 : index
    tpu.barrier barrier_id(%barrier3A)
    %mul3A_11 = arith.constant 50000 : i32
    %mul3A_12 = arith.muli %arg1, %mul3A_11 : i32
    %scan3A_13 = arith.constant 0 : i32
    %scan3A_14 = arith.constant 625 : i32
    %scan3A_15 = arith.addi %scan3A_13, %scan3A_14 : i32
    %scan3A_16 = arith.constant 1 : i32
    scf.for %scan3A_27 = %scan3A_13 to %scan3A_15 step %scan3A_16  : i32 {
      %mul3A_28 = arith.constant 1 : i32
      %mul3A_29 = arith.muli %scan3A_27, %mul3A_28 : i32
      %add3A = arith.constant 0 : i32
      %add3A_30 = arith.addi %add3A, %mul3A_29 : i32
      %mul3A_31 = arith.constant 80 : i32
      %mul3A_32 = arith.muli %add3A_30, %mul3A_31 : i32
      %add3A_33 = arith.addi %mul3A_12, %mul3A_32 : i32
      "tpu.region"() ({
        %run_scoped3A = tpu.sem_alloc : memref<!tpu.dma_semaphore, #tpu.memory_space<semaphore_mem>>
        %dma_start3A_112 = tpu.memref_slice %arg3[%add3A_33] : memref<800000xi32, #tpu.memory_space<hbm>> -> memref<80xi32, #tpu.memory_space<hbm>>
        %dma_start3A_113 = tpu.memref_slice %arg3[%add3A_33] : memref<800000xi32, #tpu.memory_space<hbm>> -> memref<80xi32, #tpu.memory_space<hbm>>
        tpu.enqueue_dma source(%dma_start3A_113 : memref<80xi32, #tpu.memory_space<hbm>>) target(%arg6 : memref<80xi32, #tpu.memory_space<vmem>>) target_semaphore(%run_scoped3A : memref<!tpu.dma_semaphore, #tpu.memory_space<semaphore_mem>>)
        %dma_wait3A_114 = tpu.memref_slice %arg3[%add3A_33] : memref<800000xi32, #tpu.memory_space<hbm>> -> memref<80xi32, #tpu.memory_space<hbm>>
        %dma_wait3A_115 = tpu.memref_slice %arg3[%add3A_33] : memref<800000xi32, #tpu.memory_space<hbm>> -> memref<80xi32, #tpu.memory_space<hbm>>
        tpu.wait_dma2 semaphore(%run_scoped3A : memref<!tpu.dma_semaphore, #tpu.memory_space<semaphore_mem>>) src(%dma_wait3A_115 : memref<80xi32, #tpu.memory_space<hbm>>) dst(%arg6 : memref<80xi32, #tpu.memory_space<vmem>>)
        tpu.yield
      }) : () -> ()
      %dma_start3A = arith.constant 0 : i32
      %dma_start3A_34 = tpu.memref_slice %arg2[%add3A_33, %dma_start3A] : memref<800000x64xf32, #tpu.memory_space<hbm>> -> memref<80x64xf32, #tpu.memory_space<hbm>>
      %dma_start3A_35 = arith.constant 0 : i32
      %dma_start3A_36 = tpu.memref_slice %arg2[%add3A_33, %dma_start3A_35] : memref<800000x64xf32, #tpu.memory_space<hbm>> -> memref<80x64xf32, #tpu.memory_space<hbm>>
      tpu.enqueue_dma source(%dma_start3A_36 : memref<80x64xf32, #tpu.memory_space<hbm>>) target(%arg8 : memref<80x64xf32, #tpu.memory_space<vmem>>) target_semaphore(%arg10 : memref<!tpu.dma_semaphore, #tpu.memory_space<semaphore_mem>>)
      %get3A = arith.constant 0 : index
      %get3A_37 = tpu.vector_load %arg6[%get3A] {strides = array<i32>} : memref<80xi32, #tpu.memory_space<vmem>>, vector<16xi32>,
      %sub3A = vector.broadcast %mul3A_0 : i32 to vector<16xi32>
      %sub3A_38 = arith.subi %get3A_37, %sub3A : vector<16xi32>
      %ge3A = arith.constant 0 : i32
      %ge3A_39 = vector.broadcast %ge3A : i32 to vector<16xi32>
      %ge3A_40 = arith.cmpi sge, %sub3A_38, %ge3A_39 : vector<16xi32>
      %lt3A = arith.constant 25000 : i32
      %lt3A_41 = vector.broadcast %lt3A : i32 to vector<16xi32>
      %lt3A_42 = arith.cmpi slt, %sub3A_38, %lt3A_41 : vector<16xi32>
      %and3A = arith.andi %ge3A_40, %lt3A_42 : vector<16xi1>
      %jit3A = arith.constant 26616 : i32
      %broadcast_in_dim3A_43 = vector.broadcast %jit3A : i32 to vector<16xi32>
      %select_n3A = arith.select %and3A, %sub3A_38, %broadcast_in_dim3A_43 : vector<16xi1>, vector<16xi32>
      %swap3A = arith.constant 0 : index
      %swap3A_44 = tpu.vector_load %arg7[%swap3A] {strides = array<i32>} : memref<80xi32, #tpu.memory_space<vmem>>, vector<16xi32>,
      tpu.vector_store %arg7[%swap3A], %select_n3A {strides = array<i32>} : memref<80xi32, #tpu.memory_space<vmem>>, vector<16xi32>,
      %get3A_45 = arith.constant 16 : index
      %get3A_46 = tpu.vector_load %arg6[%get3A_45] {strides = array<i32>} : memref<80xi32, #tpu.memory_space<vmem>>, vector<16xi32>,
      %sub3A_47 = vector.broadcast %mul3A_0 : i32 to vector<16xi32>
      %sub3A_48 = arith.subi %get3A_46, %sub3A_47 : vector<16xi32>
      %ge3A_49 = arith.constant 0 : i32
      %ge3A_50 = vector.broadcast %ge3A_49 : i32 to vector<16xi32>
      %ge3A_51 = arith.cmpi sge, %sub3A_48, %ge3A_50 : vector<16xi32>
      %lt3A_52 = arith.constant 25000 : i32
      %lt3A_53 = vector.broadcast %lt3A_52 : i32 to vector<16xi32>
      %lt3A_54 = arith.cmpi slt, %sub3A_48, %lt3A_53 : vector<16xi32>
      %and3A_55 = arith.andi %ge3A_51, %lt3A_54 : vector<16xi1>
      %jit3A_56 = arith.constant 26616 : i32
      %broadcast_in_dim3A_57 = vector.broadcast %jit3A_56 : i32 to vector<16xi32>
      %select_n3A_58 = arith.select %and3A_55, %sub3A_48, %broadcast_in_dim3A_57 : vector<16xi1>, vector<16xi32>
      %swap3A_59 = arith.constant 16 : index
      %swap3A_60 = tpu.vector_load %arg7[%swap3A_59] {strides = array<i32>} : memref<80xi32, #tpu.memory_space<vmem>>, vector<16xi32>,
      tpu.vector_store %arg7[%swap3A_59], %select_n3A_58 {strides = array<i32>} : memref<80xi32, #tpu.memory_space<vmem>>, vector<16xi32>,
      %get3A_61 = arith.constant 32 : index
      %get3A_62 = tpu.vector_load %arg6[%get3A_61] {strides = array<i32>} : memref<80xi32, #tpu.memory_space<vmem>>, vector<16xi32>,
      %sub3A_63 = vector.broadcast %mul3A_0 : i32 to vector<16xi32>
      %sub3A_64 = arith.subi %get3A_62, %sub3A_63 : vector<16xi32>
      %ge3A_65 = arith.constant 0 : i32
      %ge3A_66 = vector.broadcast %ge3A_65 : i32 to vector<16xi32>
      %ge3A_67 = arith.cmpi sge, %sub3A_64, %ge3A_66 : vector<16xi32>
      %lt3A_68 = arith.constant 25000 : i32
      %lt3A_69 = vector.broadcast %lt3A_68 : i32 to vector<16xi32>
      %lt3A_70 = arith.cmpi slt, %sub3A_64, %lt3A_69 : vector<16xi32>
      %and3A_71 = arith.andi %ge3A_67, %lt3A_70 : vector<16xi1>
      %jit3A_72 = arith.constant 26616 : i32
      %broadcast_in_dim3A_73 = vector.broadcast %jit3A_72 : i32 to vector<16xi32>
      %select_n3A_74 = arith.select %and3A_71, %sub3A_64, %broadcast_in_dim3A_73 : vector<16xi1>, vector<16xi32>
      %swap3A_75 = arith.constant 32 : index
      %swap3A_76 = tpu.vector_load %arg7[%swap3A_75] {strides = array<i32>} : memref<80xi32, #tpu.memory_space<vmem>>, vector<16xi32>,
      tpu.vector_store %arg7[%swap3A_75], %select_n3A_74 {strides = array<i32>} : memref<80xi32, #tpu.memory_space<vmem>>, vector<16xi32>,
      %get3A_77 = arith.constant 48 : index
      %get3A_78 = tpu.vector_load %arg6[%get3A_77] {strides = array<i32>} : memref<80xi32, #tpu.memory_space<vmem>>, vector<16xi32>,
      %sub3A_79 = vector.broadcast %mul3A_0 : i32 to vector<16xi32>
      %sub3A_80 = arith.subi %get3A_78, %sub3A_79 : vector<16xi32>
      %ge3A_81 = arith.constant 0 : i32
      %ge3A_82 = vector.broadcast %ge3A_81 : i32 to vector<16xi32>
      %ge3A_83 = arith.cmpi sge, %sub3A_80, %ge3A_82 : vector<16xi32>
      %lt3A_84 = arith.constant 25000 : i32
      %lt3A_85 = vector.broadcast %lt3A_84 : i32 to vector<16xi32>
      %lt3A_86 = arith.cmpi slt, %sub3A_80, %lt3A_85 : vector<16xi32>
      %and3A_87 = arith.andi %ge3A_83, %lt3A_86 : vector<16xi1>
      %jit3A_88 = arith.constant 26616 : i32
      %broadcast_in_dim3A_89 = vector.broadcast %jit3A_88 : i32 to vector<16xi32>
      %select_n3A_90 = arith.select %and3A_87, %sub3A_80, %broadcast_in_dim3A_89 : vector<16xi1>, vector<16xi32>
      %swap3A_91 = arith.constant 48 : index
      %swap3A_92 = tpu.vector_load %arg7[%swap3A_91] {strides = array<i32>} : memref<80xi32, #tpu.memory_space<vmem>>, vector<16xi32>,
      tpu.vector_store %arg7[%swap3A_91], %select_n3A_90 {strides = array<i32>} : memref<80xi32, #tpu.memory_space<vmem>>, vector<16xi32>,
      %get3A_93 = arith.constant 64 : index
      %get3A_94 = tpu.vector_load %arg6[%get3A_93] {strides = array<i32>} : memref<80xi32, #tpu.memory_space<vmem>>, vector<16xi32>,
      %sub3A_95 = vector.broadcast %mul3A_0 : i32 to vector<16xi32>
      %sub3A_96 = arith.subi %get3A_94, %sub3A_95 : vector<16xi32>
      %ge3A_97 = arith.constant 0 : i32
      %ge3A_98 = vector.broadcast %ge3A_97 : i32 to vector<16xi32>
      %ge3A_99 = arith.cmpi sge, %sub3A_96, %ge3A_98 : vector<16xi32>
      %lt3A_100 = arith.constant 25000 : i32
      %lt3A_101 = vector.broadcast %lt3A_100 : i32 to vector<16xi32>
      %lt3A_102 = arith.cmpi slt, %sub3A_96, %lt3A_101 : vector<16xi32>
      %and3A_103 = arith.andi %ge3A_99, %lt3A_102 : vector<16xi1>
      %jit3A_104 = arith.constant 26616 : i32
      %broadcast_in_dim3A_105 = vector.broadcast %jit3A_104 : i32 to vector<16xi32>
      %select_n3A_106 = arith.select %and3A_103, %sub3A_96, %broadcast_in_dim3A_105 : vector<16xi1>, vector<16xi32>
      %swap3A_107 = arith.constant 64 : index
      %swap3A_108 = tpu.vector_load %arg7[%swap3A_107] {strides = array<i32>} : memref<80xi32, #tpu.memory_space<vmem>>, vector<16xi32>,
      tpu.vector_store %arg7[%swap3A_107], %select_n3A_106 {strides = array<i32>} : memref<80xi32, #tpu.memory_space<vmem>>, vector<16xi32>,
      %dma_wait3A = arith.constant 0 : i32
      %dma_wait3A_109 = tpu.memref_slice %arg2[%add3A_33, %dma_wait3A] : memref<800000x64xf32, #tpu.memory_space<hbm>> -> memref<80x64xf32, #tpu.memory_space<hbm>>
      %dma_wait3A_110 = arith.constant 0 : i32
      %dma_wait3A_111 = tpu.memref_slice %arg2[%add3A_33, %dma_wait3A_110] : memref<800000x64xf32, #tpu.memory_space<hbm>> -> memref<80x64xf32, #tpu.memory_space<hbm>>
      tpu.wait_dma2 semaphore(%arg10 : memref<!tpu.dma_semaphore, #tpu.memory_space<semaphore_mem>>) src(%dma_wait3A_111 : memref<80x64xf32, #tpu.memory_space<hbm>>) dst(%arg8 : memref<80x64xf32, #tpu.memory_space<vmem>>)
      "tpu.region"() ({
        %run_scoped3A = tpu.sem_alloc : memref<!tpu.dma_semaphore, #tpu.memory_space<semaphore_mem>>
        %dma_start3A_112 = arith.constant 0 : i32
        %dma_start3A_113 = arith.constant 0 : i32
        %dma_start3A_114 = tpu.memref_slice %arg5[%dma_start3A_112, %dma_start3A_113] : memref<26624x64xf32, #tpu.memory_space<vmem_shared>> -> memref<26624x64xf32, #tpu.memory_space<vmem_shared>>
        tpu.enqueue_indirect_dma source(%arg8 : memref<80x64xf32, #tpu.memory_space<vmem>>) target(%dma_start3A_114 : memref<26624x64xf32, #tpu.memory_space<vmem_shared>>) offsets(%arg7 : memref<80xi32, #tpu.memory_space<vmem>>) semaphore(%run_scoped3A : memref<!tpu.dma_semaphore, #tpu.memory_space<semaphore_mem>>) {add = true}
        %dma_wait3A_115 = arith.constant 0 : i32
        %dma_wait3A_116 = arith.constant 0 : i32
        %dma_wait3A_117 = tpu.memref_slice %arg5[%dma_wait3A_115, %dma_wait3A_116] : memref<26624x64xf32, #tpu.memory_space<vmem_shared>> -> memref<26624x64xf32, #tpu.memory_space<vmem_shared>>
        tpu.wait_indirect_dma semaphore(%run_scoped3A : memref<!tpu.dma_semaphore, #tpu.memory_space<semaphore_mem>>) src(%arg8 : memref<80x64xf32, #tpu.memory_space<vmem>>) dst(%dma_wait3A_117 : memref<26624x64xf32, #tpu.memory_space<vmem_shared>>)
        tpu.yield
      }) : () -> ()
    }
    %scan3A_17 = arith.constant 625 : i32
    %barrier3A_18 = arith.constant 0 : index
    tpu.barrier barrier_id(%barrier3A_18)
    %mul3A_19 = arith.constant 1664 : i32
    %mul3A_20 = arith.muli %arg1, %mul3A_19 : i32
    %min3A = arith.constant 23336 : i32
    %min3A_21 = arith.minsi %mul3A_20, %min3A : i32
    %scan3A_22 = arith.constant 0 : i32
    %scan3A_23 = arith.constant 16 : i32
    %scan3A_24 = arith.addi %scan3A_22, %scan3A_23 : i32
    %scan3A_25 = arith.constant 1 : i32
    scf.for %scan3A_27 = %scan3A_22 to %scan3A_24 step %scan3A_25  : i32 {
      %mul3A_28 = arith.constant 1 : i32
      %mul3A_29 = arith.muli %scan3A_27, %mul3A_28 : i32
      %add3A = arith.constant 0 : i32
      %add3A_30 = arith.addi %add3A, %mul3A_29 : i32
      %mul3A_31 = arith.constant 104 : i32
      %mul3A_32 = arith.muli %add3A_30, %mul3A_31 : i32
      %add3A_33 = arith.addi %min3A_21, %mul3A_32 : i32
      "tpu.region"() ({
        %run_scoped3A = tpu.sem_alloc : memref<!tpu.dma_semaphore, #tpu.memory_space<semaphore_mem>>
        %dma_start3A = arith.constant 0 : i32
        %dma_start3A_35 = tpu.memref_slice %arg5[%add3A_33, %dma_start3A] : memref<26624x64xf32, #tpu.memory_space<vmem_shared>> -> memref<104x64xf32, #tpu.memory_space<vmem_shared>>
        %dma_start3A_36 = arith.constant 0 : i32
        %dma_start3A_37 = tpu.memref_slice %arg5[%add3A_33, %dma_start3A_36] : memref<26624x64xf32, #tpu.memory_space<vmem_shared>> -> memref<104x64xf32, #tpu.memory_space<vmem_shared>>
        tpu.enqueue_dma source(%dma_start3A_37 : memref<104x64xf32, #tpu.memory_space<vmem_shared>>) target(%arg9 : memref<104x64xf32, #tpu.memory_space<vmem>>) target_semaphore(%run_scoped3A : memref<!tpu.dma_semaphore, #tpu.memory_space<semaphore_mem>>)
        %dma_wait3A = arith.constant 0 : i32
        %dma_wait3A_38 = tpu.memref_slice %arg5[%add3A_33, %dma_wait3A] : memref<26624x64xf32, #tpu.memory_space<vmem_shared>> -> memref<104x64xf32, #tpu.memory_space<vmem_shared>>
        %dma_wait3A_39 = arith.constant 0 : i32
        %dma_wait3A_40 = tpu.memref_slice %arg5[%add3A_33, %dma_wait3A_39] : memref<26624x64xf32, #tpu.memory_space<vmem_shared>> -> memref<104x64xf32, #tpu.memory_space<vmem_shared>>
        tpu.wait_dma2 semaphore(%run_scoped3A : memref<!tpu.dma_semaphore, #tpu.memory_space<semaphore_mem>>) src(%dma_wait3A_40 : memref<104x64xf32, #tpu.memory_space<vmem_shared>>) dst(%arg9 : memref<104x64xf32, #tpu.memory_space<vmem>>)
        tpu.yield
      }) : () -> ()
      %add3A_34 = arith.addi %mul3A_0, %add3A_33 : i32
      "tpu.region"() ({
        %run_scoped3A = tpu.sem_alloc : memref<!tpu.dma_semaphore, #tpu.memory_space<semaphore_mem>>
        %dma_start3A = arith.constant 0 : i32
        %dma_start3A_35 = tpu.memref_slice %arg4[%add3A_34, %dma_start3A] : memref<50000x64xf32, #tpu.memory_space<hbm>> -> memref<104x64xf32, #tpu.memory_space<hbm>>
        %dma_start3A_36 = arith.constant 0 : i32
        %dma_start3A_37 = tpu.memref_slice %arg4[%add3A_34, %dma_start3A_36] : memref<50000x64xf32, #tpu.memory_space<hbm>> -> memref<104x64xf32, #tpu.memory_space<hbm>>
        tpu.enqueue_dma source(%arg9 : memref<104x64xf32, #tpu.memory_space<vmem>>) target(%dma_start3A_37 : memref<104x64xf32, #tpu.memory_space<hbm>>) target_semaphore(%run_scoped3A : memref<!tpu.dma_semaphore, #tpu.memory_space<semaphore_mem>>)
        %dma_wait3A = arith.constant 0 : i32
        %dma_wait3A_38 = tpu.memref_slice %arg4[%add3A_34, %dma_wait3A] : memref<50000x64xf32, #tpu.memory_space<hbm>> -> memref<104x64xf32, #tpu.memory_space<hbm>>
        %dma_wait3A_39 = arith.constant 0 : i32
        %dma_wait3A_40 = tpu.memref_slice %arg4[%add3A_34, %dma_wait3A_39] : memref<50000x64xf32, #tpu.memory_space<hbm>> -> memref<104x64xf32, #tpu.memory_space<hbm>>
        tpu.wait_dma2 semaphore(%run_scoped3A : memref<!tpu.dma_semaphore, #tpu.memory_space<semaphore_mem>>) src(%arg9 : memref<104x64xf32, #tpu.memory_space<vmem>>) dst(%dma_wait3A_40 : memref<104x64xf32, #tpu.memory_space<hbm>>)
        tpu.yield
      }) : () -> ()
    }
    %scan3A_26 = arith.constant 16 : i32
    return
  }
}

#map = affine_map<(d0, d1) -> (0, 0)>
#map1 = affine_map<(d0, d1) -> (0)>
module attributes {stable_mosaic.version = 14 : i64} {
  func.func @_scatter_body(%arg0: i32, %arg1: i32, %arg2: memref<800000x64xf32, #tpu.memory_space<hbm>>, %arg3: memref<800000xi32, #tpu.memory_space<hbm>>, %arg4: memref<50000x64xf32, #tpu.memory_space<hbm>>, %arg5: memref<26624x64xf32, #tpu.memory_space<vmem_shared>>, %arg6: memref<80xi32, #tpu.memory_space<vmem>>, %arg7: memref<80xi32, #tpu.memory_space<vmem>>, %arg8: memref<80x64xf32, #tpu.memory_space<vmem>>, %arg9: memref<104x64xf32, #tpu.memory_space<vmem>>, %arg10: memref<!tpu.dma_semaphore, #tpu.memory_space<semaphore_mem>>) attributes {dimension_semantics = [#tpu.dimension_semantics<core_parallel>, #tpu.dimension_semantics<subcore_parallel>], iteration_bounds = array<i64: 2, 16>, scalar_prefetch = 0 : i64, scratch_operands = 6 : i64, tpu.core_type = #tpu.core_type<sc_vector_subcore>, window_params = [{transform_indices = #map}, {transform_indices = #map1}, {transform_indices = #map}]} {
    %mul3A = arith.constant 25000 : i32
    %mul3A_0 = arith.muli %arg0, %mul3A : i32
    %broadcast_in_dim3A = arith.constant 0.000000e+00 : f32
    %broadcast_in_dim3A_1 = vector.broadcast %broadcast_in_dim3A : f32 to vector<16xf32>
    %scan3A = arith.constant 0 : i32
    %scan3A_2 = arith.constant 104 : i32
    %scan3A_3 = arith.addi %scan3A, %scan3A_2 : i32
    %scan3A_4 = arith.constant 1 : i32
    scf.for %scan3A_27 = %scan3A to %scan3A_3 step %scan3A_4  : i32 {
      %mul3A_28 = arith.constant 1 : i32
      %mul3A_29 = arith.muli %scan3A_27, %mul3A_28 : i32
      %add3A = arith.constant 0 : i32
      %add3A_30 = arith.addi %add3A, %mul3A_29 : i32
      %swap3A = arith.index_cast %add3A_30 : i32 to index
      %swap3A_31 = arith.constant 0 : index
      %swap3A_32 = tpu.vector_load %arg9[%swap3A, %swap3A_31] {strides = array<i32>} : memref<104x64xf32, #tpu.memory_space<vmem>>, vector<16xf32>,
      tpu.vector_store %arg9[%swap3A, %swap3A_31], %broadcast_in_dim3A_1 {strides = array<i32>} : memref<104x64xf32, #tpu.memory_space<vmem>>, vector<16xf32>,
      %swap3A_33 = arith.index_cast %add3A_30 : i32 to index
      %swap3A_34 = arith.constant 16 : index
      %swap3A_35 = tpu.vector_load %arg9[%swap3A_33, %swap3A_34] {strides = array<i32>} : memref<104x64xf32, #tpu.memory_space<vmem>>, vector<16xf32>,
      tpu.vector_store %arg9[%swap3A_33, %swap3A_34], %broadcast_in_dim3A_1 {strides = array<i32>} : memref<104x64xf32, #tpu.memory_space<vmem>>, vector<16xf32>,
      %swap3A_36 = arith.index_cast %add3A_30 : i32 to index
      %swap3A_37 = arith.constant 32 : index
      %swap3A_38 = tpu.vector_load %arg9[%swap3A_36, %swap3A_37] {strides = array<i32>} : memref<104x64xf32, #tpu.memory_space<vmem>>, vector<16xf32>,
      tpu.vector_store %arg9[%swap3A_36, %swap3A_37], %broadcast_in_dim3A_1 {strides = array<i32>} : memref<104x64xf32, #tpu.memory_space<vmem>>, vector<16xf32>,
      %swap3A_39 = arith.index_cast %add3A_30 : i32 to index
      %swap3A_40 = arith.constant 48 : index
      %swap3A_41 = tpu.vector_load %arg9[%swap3A_39, %swap3A_40] {strides = array<i32>} : memref<104x64xf32, #tpu.memory_space<vmem>>, vector<16xf32>,
      tpu.vector_store %arg9[%swap3A_39, %swap3A_40], %broadcast_in_dim3A_1 {strides = array<i32>} : memref<104x64xf32, #tpu.memory_space<vmem>>, vector<16xf32>,
    }
    %scan3A_5 = arith.constant 104 : i32
    %scan3A_6 = arith.constant 0 : i32
    %scan3A_7 = arith.constant 16 : i32
    %scan3A_8 = arith.addi %scan3A_6, %scan3A_7 : i32
    %scan3A_9 = arith.constant 1 : i32
    scf.for %scan3A_27 = %scan3A_6 to %scan3A_8 step %scan3A_9  : i32 {
      %mul3A_28 = arith.constant 1 : i32
      %mul3A_29 = arith.muli %scan3A_27, %mul3A_28 : i32
      %add3A = arith.constant 0 : i32
      %add3A_30 = arith.addi %add3A, %mul3A_29 : i32
      %mul3A_31 = arith.constant 1664 : i32
      %mul3A_32 = arith.muli %arg1, %mul3A_31 : i32
      %mul3A_33 = arith.constant 104 : i32
      %mul3A_34 = arith.muli %add3A_30, %mul3A_33 : i32
      %add3A_35 = arith.addi %mul3A_32, %mul3A_34 : i32
      "tpu.region"() ({
        %run_scoped3A = tpu.sem_alloc : memref<!tpu.dma_semaphore, #tpu.memory_space<semaphore_mem>>
        %dma_start3A = arith.constant 0 : i32
        %dma_start3A_36 = tpu.memref_slice %arg5[%add3A_35, %dma_start3A] : memref<26624x64xf32, #tpu.memory_space<vmem_shared>> -> memref<104x64xf32, #tpu.memory_space<vmem_shared>>
        %dma_start3A_37 = arith.constant 0 : i32
        %dma_start3A_38 = tpu.memref_slice %arg5[%add3A_35, %dma_start3A_37] : memref<26624x64xf32, #tpu.memory_space<vmem_shared>> -> memref<104x64xf32, #tpu.memory_space<vmem_shared>>
        tpu.enqueue_dma source(%arg9 : memref<104x64xf32, #tpu.memory_space<vmem>>) target(%dma_start3A_38 : memref<104x64xf32, #tpu.memory_space<vmem_shared>>) target_semaphore(%run_scoped3A : memref<!tpu.dma_semaphore, #tpu.memory_space<semaphore_mem>>)
        %dma_wait3A = arith.constant 0 : i32
        %dma_wait3A_39 = tpu.memref_slice %arg5[%add3A_35, %dma_wait3A] : memref<26624x64xf32, #tpu.memory_space<vmem_shared>> -> memref<104x64xf32, #tpu.memory_space<vmem_shared>>
        %dma_wait3A_40 = arith.constant 0 : i32
        %dma_wait3A_41 = tpu.memref_slice %arg5[%add3A_35, %dma_wait3A_40] : memref<26624x64xf32, #tpu.memory_space<vmem_shared>> -> memref<104x64xf32, #tpu.memory_space<vmem_shared>>
        tpu.wait_dma2 semaphore(%run_scoped3A : memref<!tpu.dma_semaphore, #tpu.memory_space<semaphore_mem>>) src(%arg9 : memref<104x64xf32, #tpu.memory_space<vmem>>) dst(%dma_wait3A_41 : memref<104x64xf32, #tpu.memory_space<vmem_shared>>)
        tpu.yield
      }) : () -> ()
    }
    %scan3A_10 = arith.constant 16 : i32
    %barrier3A = arith.constant 0 : index
    tpu.barrier barrier_id(%barrier3A)
    %mul3A_11 = arith.constant 50000 : i32
    %mul3A_12 = arith.muli %arg1, %mul3A_11 : i32
    %scan3A_13 = arith.constant 0 : i32
    %scan3A_14 = arith.constant 625 : i32
    %scan3A_15 = arith.addi %scan3A_13, %scan3A_14 : i32
    %scan3A_16 = arith.constant 1 : i32
    scf.for %scan3A_27 = %scan3A_13 to %scan3A_15 step %scan3A_16  : i32 {
      %mul3A_28 = arith.constant 1 : i32
      %mul3A_29 = arith.muli %scan3A_27, %mul3A_28 : i32
      %add3A = arith.constant 0 : i32
      %add3A_30 = arith.addi %add3A, %mul3A_29 : i32
      %mul3A_31 = arith.constant 80 : i32
      %mul3A_32 = arith.muli %add3A_30, %mul3A_31 : i32
      %add3A_33 = arith.addi %mul3A_12, %mul3A_32 : i32
      "tpu.region"() ({
        %run_scoped3A = tpu.sem_alloc : memref<!tpu.dma_semaphore, #tpu.memory_space<semaphore_mem>>
        %dma_start3A_112 = tpu.memref_slice %arg3[%add3A_33] : memref<800000xi32, #tpu.memory_space<hbm>> -> memref<80xi32, #tpu.memory_space<hbm>>
        %dma_start3A_113 = tpu.memref_slice %arg3[%add3A_33] : memref<800000xi32, #tpu.memory_space<hbm>> -> memref<80xi32, #tpu.memory_space<hbm>>
        tpu.enqueue_dma source(%dma_start3A_113 : memref<80xi32, #tpu.memory_space<hbm>>) target(%arg6 : memref<80xi32, #tpu.memory_space<vmem>>) target_semaphore(%run_scoped3A : memref<!tpu.dma_semaphore, #tpu.memory_space<semaphore_mem>>)
        %dma_wait3A_114 = tpu.memref_slice %arg3[%add3A_33] : memref<800000xi32, #tpu.memory_space<hbm>> -> memref<80xi32, #tpu.memory_space<hbm>>
        %dma_wait3A_115 = tpu.memref_slice %arg3[%add3A_33] : memref<800000xi32, #tpu.memory_space<hbm>> -> memref<80xi32, #tpu.memory_space<hbm>>
        tpu.wait_dma2 semaphore(%run_scoped3A : memref<!tpu.dma_semaphore, #tpu.memory_space<semaphore_mem>>) src(%dma_wait3A_115 : memref<80xi32, #tpu.memory_space<hbm>>) dst(%arg6 : memref<80xi32, #tpu.memory_space<vmem>>)
        tpu.yield
      }) : () -> ()
      %dma_start3A = arith.constant 0 : i32
      %dma_start3A_34 = tpu.memref_slice %arg2[%add3A_33, %dma_start3A] : memref<800000x64xf32, #tpu.memory_space<hbm>> -> memref<80x64xf32, #tpu.memory_space<hbm>>
      %dma_start3A_35 = arith.constant 0 : i32
      %dma_start3A_36 = tpu.memref_slice %arg2[%add3A_33, %dma_start3A_35] : memref<800000x64xf32, #tpu.memory_space<hbm>> -> memref<80x64xf32, #tpu.memory_space<hbm>>
      tpu.enqueue_dma source(%dma_start3A_36 : memref<80x64xf32, #tpu.memory_space<hbm>>) target(%arg8 : memref<80x64xf32, #tpu.memory_space<vmem>>) target_semaphore(%arg10 : memref<!tpu.dma_semaphore, #tpu.memory_space<semaphore_mem>>)
      %get3A = arith.constant 0 : index
      %get3A_37 = tpu.vector_load %arg6[%get3A] {strides = array<i32>} : memref<80xi32, #tpu.memory_space<vmem>>, vector<16xi32>,
      %sub3A = vector.broadcast %mul3A_0 : i32 to vector<16xi32>
      %sub3A_38 = arith.subi %get3A_37, %sub3A : vector<16xi32>
      %ge3A = arith.constant 0 : i32
      %ge3A_39 = vector.broadcast %ge3A : i32 to vector<16xi32>
      %ge3A_40 = arith.cmpi sge, %sub3A_38, %ge3A_39 : vector<16xi32>
      %lt3A = arith.constant 25000 : i32
      %lt3A_41 = vector.broadcast %lt3A : i32 to vector<16xi32>
      %lt3A_42 = arith.cmpi slt, %sub3A_38, %lt3A_41 : vector<16xi32>
      %and3A = arith.andi %ge3A_40, %lt3A_42 : vector<16xi1>
      %jit3A = arith.constant 26616 : i32
      %broadcast_in_dim3A_43 = vector.broadcast %jit3A : i32 to vector<16xi32>
      %select_n3A = arith.select %and3A, %sub3A_38, %broadcast_in_dim3A_43 : vector<16xi1>, vector<16xi32>
      %swap3A = arith.constant 0 : index
      %swap3A_44 = tpu.vector_load %arg7[%swap3A] {strides = array<i32>} : memref<80xi32, #tpu.memory_space<vmem>>, vector<16xi32>,
      tpu.vector_store %arg7[%swap3A], %select_n3A {strides = array<i32>} : memref<80xi32, #tpu.memory_space<vmem>>, vector<16xi32>,
      %get3A_45 = arith.constant 16 : index
      %get3A_46 = tpu.vector_load %arg6[%get3A_45] {strides = array<i32>} : memref<80xi32, #tpu.memory_space<vmem>>, vector<16xi32>,
      %sub3A_47 = vector.broadcast %mul3A_0 : i32 to vector<16xi32>
      %sub3A_48 = arith.subi %get3A_46, %sub3A_47 : vector<16xi32>
      %ge3A_49 = arith.constant 0 : i32
      %ge3A_50 = vector.broadcast %ge3A_49 : i32 to vector<16xi32>
      %ge3A_51 = arith.cmpi sge, %sub3A_48, %ge3A_50 : vector<16xi32>
      %lt3A_52 = arith.constant 25000 : i32
      %lt3A_53 = vector.broadcast %lt3A_52 : i32 to vector<16xi32>
      %lt3A_54 = arith.cmpi slt, %sub3A_48, %lt3A_53 : vector<16xi32>
      %and3A_55 = arith.andi %ge3A_51, %lt3A_54 : vector<16xi1>
      %jit3A_56 = arith.constant 26616 : i32
      %broadcast_in_dim3A_57 = vector.broadcast %jit3A_56 : i32 to vector<16xi32>
      %select_n3A_58 = arith.select %and3A_55, %sub3A_48, %broadcast_in_dim3A_57 : vector<16xi1>, vector<16xi32>
      %swap3A_59 = arith.constant 16 : index
      %swap3A_60 = tpu.vector_load %arg7[%swap3A_59] {strides = array<i32>} : memref<80xi32, #tpu.memory_space<vmem>>, vector<16xi32>,
      tpu.vector_store %arg7[%swap3A_59], %select_n3A_58 {strides = array<i32>} : memref<80xi32, #tpu.memory_space<vmem>>, vector<16xi32>,
      %get3A_61 = arith.constant 32 : index
      %get3A_62 = tpu.vector_load %arg6[%get3A_61] {strides = array<i32>} : memref<80xi32, #tpu.memory_space<vmem>>, vector<16xi32>,
      %sub3A_63 = vector.broadcast %mul3A_0 : i32 to vector<16xi32>
      %sub3A_64 = arith.subi %get3A_62, %sub3A_63 : vector<16xi32>
      %ge3A_65 = arith.constant 0 : i32
      %ge3A_66 = vector.broadcast %ge3A_65 : i32 to vector<16xi32>
      %ge3A_67 = arith.cmpi sge, %sub3A_64, %ge3A_66 : vector<16xi32>
      %lt3A_68 = arith.constant 25000 : i32
      %lt3A_69 = vector.broadcast %lt3A_68 : i32 to vector<16xi32>
      %lt3A_70 = arith.cmpi slt, %sub3A_64, %lt3A_69 : vector<16xi32>
      %and3A_71 = arith.andi %ge3A_67, %lt3A_70 : vector<16xi1>
      %jit3A_72 = arith.constant 26616 : i32
      %broadcast_in_dim3A_73 = vector.broadcast %jit3A_72 : i32 to vector<16xi32>
      %select_n3A_74 = arith.select %and3A_71, %sub3A_64, %broadcast_in_dim3A_73 : vector<16xi1>, vector<16xi32>
      %swap3A_75 = arith.constant 32 : index
      %swap3A_76 = tpu.vector_load %arg7[%swap3A_75] {strides = array<i32>} : memref<80xi32, #tpu.memory_space<vmem>>, vector<16xi32>,
      tpu.vector_store %arg7[%swap3A_75], %select_n3A_74 {strides = array<i32>} : memref<80xi32, #tpu.memory_space<vmem>>, vector<16xi32>,
      %get3A_77 = arith.constant 48 : index
      %get3A_78 = tpu.vector_load %arg6[%get3A_77] {strides = array<i32>} : memref<80xi32, #tpu.memory_space<vmem>>, vector<16xi32>,
      %sub3A_79 = vector.broadcast %mul3A_0 : i32 to vector<16xi32>
      %sub3A_80 = arith.subi %get3A_78, %sub3A_79 : vector<16xi32>
      %ge3A_81 = arith.constant 0 : i32
      %ge3A_82 = vector.broadcast %ge3A_81 : i32 to vector<16xi32>
      %ge3A_83 = arith.cmpi sge, %sub3A_80, %ge3A_82 : vector<16xi32>
      %lt3A_84 = arith.constant 25000 : i32
      %lt3A_85 = vector.broadcast %lt3A_84 : i32 to vector<16xi32>
      %lt3A_86 = arith.cmpi slt, %sub3A_80, %lt3A_85 : vector<16xi32>
      %and3A_87 = arith.andi %ge3A_83, %lt3A_86 : vector<16xi1>
      %jit3A_88 = arith.constant 26616 : i32
      %broadcast_in_dim3A_89 = vector.broadcast %jit3A_88 : i32 to vector<16xi32>
      %select_n3A_90 = arith.select %and3A_87, %sub3A_80, %broadcast_in_dim3A_89 : vector<16xi1>, vector<16xi32>
      %swap3A_91 = arith.constant 48 : index
      %swap3A_92 = tpu.vector_load %arg7[%swap3A_91] {strides = array<i32>} : memref<80xi32, #tpu.memory_space<vmem>>, vector<16xi32>,
      tpu.vector_store %arg7[%swap3A_91], %select_n3A_90 {strides = array<i32>} : memref<80xi32, #tpu.memory_space<vmem>>, vector<16xi32>,
      %get3A_93 = arith.constant 64 : index
      %get3A_94 = tpu.vector_load %arg6[%get3A_93] {strides = array<i32>} : memref<80xi32, #tpu.memory_space<vmem>>, vector<16xi32>,
      %sub3A_95 = vector.broadcast %mul3A_0 : i32 to vector<16xi32>
      %sub3A_96 = arith.subi %get3A_94, %sub3A_95 : vector<16xi32>
      %ge3A_97 = arith.constant 0 : i32
      %ge3A_98 = vector.broadcast %ge3A_97 : i32 to vector<16xi32>
      %ge3A_99 = arith.cmpi sge, %sub3A_96, %ge3A_98 : vector<16xi32>
      %lt3A_100 = arith.constant 25000 : i32
      %lt3A_101 = vector.broadcast %lt3A_100 : i32 to vector<16xi32>
      %lt3A_102 = arith.cmpi slt, %sub3A_96, %lt3A_101 : vector<16xi32>
      %and3A_103 = arith.andi %ge3A_99, %lt3A_102 : vector<16xi1>
      %jit3A_104 = arith.constant 26616 : i32
      %broadcast_in_dim3A_105 = vector.broadcast %jit3A_104 : i32 to vector<16xi32>
      %select_n3A_106 = arith.select %and3A_103, %sub3A_96, %broadcast_in_dim3A_105 : vector<16xi1>, vector<16xi32>
      %swap3A_107 = arith.constant 64 : index
      %swap3A_108 = tpu.vector_load %arg7[%swap3A_107] {strides = array<i32>} : memref<80xi32, #tpu.memory_space<vmem>>, vector<16xi32>,
      tpu.vector_store %arg7[%swap3A_107], %select_n3A_106 {strides = array<i32>} : memref<80xi32, #tpu.memory_space<vmem>>, vector<16xi32>,
      %dma_wait3A = arith.constant 0 : i32
      %dma_wait3A_109 = tpu.memref_slice %arg2[%add3A_33, %dma_wait3A] : memref<800000x64xf32, #tpu.memory_space<hbm>> -> memref<80x64xf32, #tpu.memory_space<hbm>>
      %dma_wait3A_110 = arith.constant 0 : i32
      %dma_wait3A_111 = tpu.memref_slice %arg2[%add3A_33, %dma_wait3A_110] : memref<800000x64xf32, #tpu.memory_space<hbm>> -> memref<80x64xf32, #tpu.memory_space<hbm>>
      tpu.wait_dma2 semaphore(%arg10 : memref<!tpu.dma_semaphore, #tpu.memory_space<semaphore_mem>>) src(%dma_wait3A_111 : memref<80x64xf32, #tpu.memory_space<hbm>>) dst(%arg8 : memref<80x64xf32, #tpu.memory_space<vmem>>)
      "tpu.region"() ({
        %run_scoped3A = tpu.sem_alloc : memref<!tpu.dma_semaphore, #tpu.memory_space<semaphore_mem>>
        %dma_start3A_112 = arith.constant 0 : i32
        %dma_start3A_113 = arith.constant 0 : i32
        %dma_start3A_114 = tpu.memref_slice %arg5[%dma_start3A_112, %dma_start3A_113] : memref<26624x64xf32, #tpu.memory_space<vmem_shared>> -> memref<26624x64xf32, #tpu.memory_space<vmem_shared>>
        tpu.enqueue_indirect_dma source(%arg8 : memref<80x64xf32, #tpu.memory_space<vmem>>) target(%dma_start3A_114 : memref<26624x64xf32, #tpu.memory_space<vmem_shared>>) offsets(%arg7 : memref<80xi32, #tpu.memory_space<vmem>>) semaphore(%run_scoped3A : memref<!tpu.dma_semaphore, #tpu.memory_space<semaphore_mem>>) {add = true}
        %dma_wait3A_115 = arith.constant 0 : i32
        %dma_wait3A_116 = arith.constant 0 : i32
        %dma_wait3A_117 = tpu.memref_slice %arg5[%dma_wait3A_115, %dma_wait3A_116] : memref<26624x64xf32, #tpu.memory_space<vmem_shared>> -> memref<26624x64xf32, #tpu.memory_space<vmem_shared>>
        tpu.wait_indirect_dma semaphore(%run_scoped3A : memref<!tpu.dma_semaphore, #tpu.memory_space<semaphore_mem>>) src(%arg8 : memref<80x64xf32, #tpu.memory_space<vmem>>) dst(%dma_wait3A_117 : memref<26624x64xf32, #tpu.memory_space<vmem_shared>>)
        tpu.yield
      }) : () -> ()
    }
    %scan3A_17 = arith.constant 625 : i32
    %barrier3A_18 = arith.constant 0 : index
    tpu.barrier barrier_id(%barrier3A_18)
    %mul3A_19 = arith.constant 1664 : i32
    %mul3A_20 = arith.muli %arg1, %mul3A_19 : i32
    %min3A = arith.constant 23336 : i32
    %min3A_21 = arith.minsi %mul3A_20, %min3A : i32
    %scan3A_22 = arith.constant 0 : i32
    %scan3A_23 = arith.constant 16 : i32
    %scan3A_24 = arith.addi %scan3A_22, %scan3A_23 : i32
    %scan3A_25 = arith.constant 1 : i32
    scf.for %scan3A_27 = %scan3A_22 to %scan3A_24 step %scan3A_25  : i32 {
      %mul3A_28 = arith.constant 1 : i32
      %mul3A_29 = arith.muli %scan3A_27, %mul3A_28 : i32
      %add3A = arith.constant 0 : i32
      %add3A_30 = arith.addi %add3A, %mul3A_29 : i32
      %mul3A_31 = arith.constant 104 : i32
      %mul3A_32 = arith.muli %add3A_30, %mul3A_31 : i32
      %add3A_33 = arith.addi %min3A_21, %mul3A_32 : i32
      "tpu.region"() ({
        %run_scoped3A = tpu.sem_alloc : memref<!tpu.dma_semaphore, #tpu.memory_space<semaphore_mem>>
        %dma_start3A = arith.constant 0 : i32
        %dma_start3A_35 = tpu.memref_slice %arg5[%add3A_33, %dma_start3A] : memref<26624x64xf32, #tpu.memory_space<vmem_shared>> -> memref<104x64xf32, #tpu.memory_space<vmem_shared>>
        %dma_start3A_36 = arith.constant 0 : i32
        %dma_start3A_37 = tpu.memref_slice %arg5[%add3A_33, %dma_start3A_36] : memref<26624x64xf32, #tpu.memory_space<vmem_shared>> -> memref<104x64xf32, #tpu.memory_space<vmem_shared>>
        tpu.enqueue_dma source(%dma_start3A_37 : memref<104x64xf32, #tpu.memory_space<vmem_shared>>) target(%arg9 : memref<104x64xf32, #tpu.memory_space<vmem>>) target_semaphore(%run_scoped3A : memref<!tpu.dma_semaphore, #tpu.memory_space<semaphore_mem>>)
        %dma_wait3A = arith.constant 0 : i32
        %dma_wait3A_38 = tpu.memref_slice %arg5[%add3A_33, %dma_wait3A] : memref<26624x64xf32, #tpu.memory_space<vmem_shared>> -> memref<104x64xf32, #tpu.memory_space<vmem_shared>>
        %dma_wait3A_39 = arith.constant 0 : i32
        %dma_wait3A_40 = tpu.memref_slice %arg5[%add3A_33, %dma_wait3A_39] : memref<26624x64xf32, #tpu.memory_space<vmem_shared>> -> memref<104x64xf32, #tpu.memory_space<vmem_shared>>
        tpu.wait_dma2 semaphore(%run_scoped3A : memref<!tpu.dma_semaphore, #tpu.memory_space<semaphore_mem>>) src(%dma_wait3A_40 : memref<104x64xf32, #tpu.memory_space<vmem_shared>>) dst(%arg9 : memref<104x64xf32, #tpu.memory_space<vmem>>)
        tpu.yield
      }) : () -> ()
      %add3A_34 = arith.addi %mul3A_0, %add3A_33 : i32
      "tpu.region"() ({
        %run_scoped3A = tpu.sem_alloc : memref<!tpu.dma_semaphore, #tpu.memory_space<semaphore_mem>>
        %dma_start3A = arith.constant 0 : i32
        %dma_start3A_35 = tpu.memref_slice %arg4[%add3A_34, %dma_start3A] : memref<50000x64xf32, #tpu.memory_space<hbm>> -> memref<104x64xf32, #tpu.memory_space<hbm>>
        %dma_start3A_36 = arith.constant 0 : i32
        %dma_start3A_37 = tpu.memref_slice %arg4[%add3A_34, %dma_start3A_36] : memref<50000x64xf32, #tpu.memory_space<hbm>> -> memref<104x64xf32, #tpu.memory_space<hbm>>
        tpu.enqueue_dma source(%arg9 : memref<104x64xf32, #tpu.memory_space<vmem>>) target(%dma_start3A_37 : memref<104x64xf32, #tpu.memory_space<hbm>>) target_semaphore(%run_scoped3A : memref<!tpu.dma_semaphore, #tpu.memory_space<semaphore_mem>>)
        %dma_wait3A = arith.constant 0 : i32
        %dma_wait3A_38 = tpu.memref_slice %arg4[%add3A_34, %dma_wait3A] : memref<50000x64xf32, #tpu.memory_space<hbm>> -> memref<104x64xf32, #tpu.memory_space<hbm>>
        %dma_wait3A_39 = arith.constant 0 : i32
        %dma_wait3A_40 = tpu.memref_slice %arg4[%add3A_34, %dma_wait3A_39] : memref<50000x64xf32, #tpu.memory_space<hbm>> -> memref<104x64xf32, #tpu.memory_space<hbm>>
        tpu.wait_dma2 semaphore(%run_scoped3A : memref<!tpu.dma_semaphore, #tpu.memory_space<semaphore_mem>>) src(%arg9 : memref<104x64xf32, #tpu.memory_space<vmem>>) dst(%dma_wait3A_40 : memref<104x64xf32, #tpu.memory_space<hbm>>)
        tpu.yield
      }) : () -> ()
    }
    %scan3A_26 = arith.constant 16 : i32
    return
  }
}

#map = affine_map<(d0, d1) -> (0, 0)>
#map1 = affine_map<(d0, d1) -> (0)>
module attributes {stable_mosaic.version = 14 : i64} {
  func.func @_gather_body(%arg0: i32, %arg1: i32, %arg2: memref<50000x64xf32, #tpu.memory_space<hbm>>, %arg3: memref<50000x64xf32, #tpu.memory_space<hbm>>, %arg4: memref<800000xi32, #tpu.memory_space<hbm>>, %arg5: memref<800000xi32, #tpu.memory_space<hbm>>, %arg6: memref<800000x64xf32, #tpu.memory_space<hbm>>, %arg7: memref<40xi32, #tpu.memory_space<vmem>>, %arg8: memref<40xi32, #tpu.memory_space<vmem>>, %arg9: memref<40x64xf32, #tpu.memory_space<vmem>>, %arg10: memref<40x64xf32, #tpu.memory_space<vmem>>, %arg11: memref<!tpu.dma_semaphore, #tpu.memory_space<semaphore_mem>>, %arg12: memref<!tpu.dma_semaphore, #tpu.memory_space<semaphore_mem>>) attributes {dimension_semantics = [#tpu.dimension_semantics<core_parallel>, #tpu.dimension_semantics<subcore_parallel>], iteration_bounds = array<i64: 2, 16>, scalar_prefetch = 0 : i64, scratch_operands = 6 : i64, tpu.core_type = #tpu.core_type<sc_vector_subcore>, window_params = [{transform_indices = #map}, {transform_indices = #map}, {transform_indices = #map1}, {transform_indices = #map1}, {transform_indices = #map}]} {
    %mul3A = arith.constant 2 : i32
    %mul3A_0 = arith.muli %arg1, %mul3A : i32
    %add3A = arith.addi %mul3A_0, %arg0 : i32
    %mul3A_1 = arith.constant 25000 : i32
    %mul3A_2 = arith.muli %add3A, %mul3A_1 : i32
    %scan3A = arith.constant 0 : i32
    %scan3A_3 = arith.constant 625 : i32
    %scan3A_4 = arith.addi %scan3A, %scan3A_3 : i32
    %scan3A_5 = arith.constant 1 : i32
    scf.for %scan3A_7 = %scan3A to %scan3A_4 step %scan3A_5  : i32 {
      %mul3A_8 = arith.constant 1 : i32
      %mul3A_9 = arith.muli %scan3A_7, %mul3A_8 : i32
      %add3A_10 = arith.constant 0 : i32
      %add3A_11 = arith.addi %add3A_10, %mul3A_9 : i32
      %mul3A_12 = arith.constant 40 : i32
      %mul3A_13 = arith.muli %add3A_11, %mul3A_12 : i32
      %add3A_14 = arith.addi %mul3A_2, %mul3A_13 : i32
      "tpu.region"() ({
        %run_scoped3A = tpu.sem_alloc : memref<!tpu.dma_semaphore, #tpu.memory_space<semaphore_mem>>
        %dma_start3A_30 = tpu.memref_slice %arg4[%add3A_14] : memref<800000xi32, #tpu.memory_space<hbm>> -> memref<40xi32, #tpu.memory_space<hbm>>
        %dma_start3A_31 = tpu.memref_slice %arg4[%add3A_14] : memref<800000xi32, #tpu.memory_space<hbm>> -> memref<40xi32, #tpu.memory_space<hbm>>
        tpu.enqueue_dma source(%dma_start3A_31 : memref<40xi32, #tpu.memory_space<hbm>>) target(%arg7 : memref<40xi32, #tpu.memory_space<vmem>>) target_semaphore(%run_scoped3A : memref<!tpu.dma_semaphore, #tpu.memory_space<semaphore_mem>>)
        %dma_wait3A_32 = tpu.memref_slice %arg4[%add3A_14] : memref<800000xi32, #tpu.memory_space<hbm>> -> memref<40xi32, #tpu.memory_space<hbm>>
        %dma_wait3A_33 = tpu.memref_slice %arg4[%add3A_14] : memref<800000xi32, #tpu.memory_space<hbm>> -> memref<40xi32, #tpu.memory_space<hbm>>
        tpu.wait_dma2 semaphore(%run_scoped3A : memref<!tpu.dma_semaphore, #tpu.memory_space<semaphore_mem>>) src(%dma_wait3A_33 : memref<40xi32, #tpu.memory_space<hbm>>) dst(%arg7 : memref<40xi32, #tpu.memory_space<vmem>>)
        tpu.yield
      }) : () -> ()
      "tpu.region"() ({
        %run_scoped3A = tpu.sem_alloc : memref<!tpu.dma_semaphore, #tpu.memory_space<semaphore_mem>>
        %dma_start3A_30 = tpu.memref_slice %arg5[%add3A_14] : memref<800000xi32, #tpu.memory_space<hbm>> -> memref<40xi32, #tpu.memory_space<hbm>>
        %dma_start3A_31 = tpu.memref_slice %arg5[%add3A_14] : memref<800000xi32, #tpu.memory_space<hbm>> -> memref<40xi32, #tpu.memory_space<hbm>>
        tpu.enqueue_dma source(%dma_start3A_31 : memref<40xi32, #tpu.memory_space<hbm>>) target(%arg8 : memref<40xi32, #tpu.memory_space<vmem>>) target_semaphore(%run_scoped3A : memref<!tpu.dma_semaphore, #tpu.memory_space<semaphore_mem>>)
        %dma_wait3A_32 = tpu.memref_slice %arg5[%add3A_14] : memref<800000xi32, #tpu.memory_space<hbm>> -> memref<40xi32, #tpu.memory_space<hbm>>
        %dma_wait3A_33 = tpu.memref_slice %arg5[%add3A_14] : memref<800000xi32, #tpu.memory_space<hbm>> -> memref<40xi32, #tpu.memory_space<hbm>>
        tpu.wait_dma2 semaphore(%run_scoped3A : memref<!tpu.dma_semaphore, #tpu.memory_space<semaphore_mem>>) src(%dma_wait3A_33 : memref<40xi32, #tpu.memory_space<hbm>>) dst(%arg8 : memref<40xi32, #tpu.memory_space<vmem>>)
        tpu.yield
      }) : () -> ()
      %dma_start3A = arith.constant 0 : i32
      %dma_start3A_15 = arith.constant 0 : i32
      %dma_start3A_16 = tpu.memref_slice %arg2[%dma_start3A, %dma_start3A_15] : memref<50000x64xf32, #tpu.memory_space<hbm>> -> memref<50000x64xf32, #tpu.memory_space<hbm>>
      tpu.enqueue_indirect_dma source(%dma_start3A_16 : memref<50000x64xf32, #tpu.memory_space<hbm>>) target(%arg9 : memref<40x64xf32, #tpu.memory_space<vmem>>) offsets(%arg7 : memref<40xi32, #tpu.memory_space<vmem>>) semaphore(%arg11 : memref<!tpu.dma_semaphore, #tpu.memory_space<semaphore_mem>>)
      %dma_start3A_17 = arith.constant 0 : i32
      %dma_start3A_18 = arith.constant 0 : i32
      %dma_start3A_19 = tpu.memref_slice %arg3[%dma_start3A_17, %dma_start3A_18] : memref<50000x64xf32, #tpu.memory_space<hbm>> -> memref<50000x64xf32, #tpu.memory_space<hbm>>
      tpu.enqueue_indirect_dma source(%dma_start3A_19 : memref<50000x64xf32, #tpu.memory_space<hbm>>) target(%arg10 : memref<40x64xf32, #tpu.memory_space<vmem>>) offsets(%arg8 : memref<40xi32, #tpu.memory_space<vmem>>) semaphore(%arg12 : memref<!tpu.dma_semaphore, #tpu.memory_space<semaphore_mem>>)
      %dma_wait3A = arith.constant 0 : i32
      %dma_wait3A_20 = arith.constant 0 : i32
      %dma_wait3A_21 = tpu.memref_slice %arg2[%dma_wait3A, %dma_wait3A_20] : memref<50000x64xf32, #tpu.memory_space<hbm>> -> memref<50000x64xf32, #tpu.memory_space<hbm>>
      tpu.wait_indirect_dma semaphore(%arg11 : memref<!tpu.dma_semaphore, #tpu.memory_space<semaphore_mem>>) src(%dma_wait3A_21 : memref<50000x64xf32, #tpu.memory_space<hbm>>) dst(%arg9 : memref<40x64xf32, #tpu.memory_space<vmem>>)
      %dma_wait3A_22 = arith.constant 0 : i32
      %dma_wait3A_23 = arith.constant 0 : i32
      %dma_wait3A_24 = tpu.memref_slice %arg3[%dma_wait3A_22, %dma_wait3A_23] : memref<50000x64xf32, #tpu.memory_space<hbm>> -> memref<50000x64xf32, #tpu.memory_space<hbm>>
      tpu.wait_indirect_dma semaphore(%arg12 : memref<!tpu.dma_semaphore, #tpu.memory_space<semaphore_mem>>) src(%dma_wait3A_24 : memref<50000x64xf32, #tpu.memory_space<hbm>>) dst(%arg10 : memref<40x64xf32, #tpu.memory_space<vmem>>)
      %scan3A_25 = arith.constant 0 : i32
      %scan3A_26 = arith.constant 40 : i32
      %scan3A_27 = arith.addi %scan3A_25, %scan3A_26 : i32
      %scan3A_28 = arith.constant 1 : i32
      scf.for %scan3A_30 = %scan3A_25 to %scan3A_27 step %scan3A_28  : i32 {
        %mul3A_31 = arith.constant 1 : i32
        %mul3A_32 = arith.muli %scan3A_30, %mul3A_31 : i32
        %add3A_33 = arith.constant 0 : i32
        %add3A_34 = arith.addi %add3A_33, %mul3A_32 : i32
        %get3A = arith.index_cast %add3A_34 : i32 to index
        %get3A_35 = arith.constant 0 : index
        %get3A_36 = tpu.vector_load %arg9[%get3A, %get3A_35] {strides = array<i32>} : memref<40x64xf32, #tpu.memory_space<vmem>>, vector<16xf32>,
        %get3A_37 = arith.index_cast %add3A_34 : i32 to index
        %get3A_38 = arith.constant 0 : index
        %get3A_39 = tpu.vector_load %arg10[%get3A_37, %get3A_38] {strides = array<i32>} : memref<40x64xf32, #tpu.memory_space<vmem>>, vector<16xf32>,
        %add3A_40 = arith.addf %get3A_36, %get3A_39 : vector<16xf32>
        %swap3A = arith.index_cast %add3A_34 : i32 to index
        %swap3A_41 = arith.constant 0 : index
        %swap3A_42 = tpu.vector_load %arg9[%swap3A, %swap3A_41] {strides = array<i32>} : memref<40x64xf32, #tpu.memory_space<vmem>>, vector<16xf32>,
        tpu.vector_store %arg9[%swap3A, %swap3A_41], %add3A_40 {strides = array<i32>} : memref<40x64xf32, #tpu.memory_space<vmem>>, vector<16xf32>,
        %get3A_43 = arith.index_cast %add3A_34 : i32 to index
        %get3A_44 = arith.constant 16 : index
        %get3A_45 = tpu.vector_load %arg9[%get3A_43, %get3A_44] {strides = array<i32>} : memref<40x64xf32, #tpu.memory_space<vmem>>, vector<16xf32>,
        %get3A_46 = arith.index_cast %add3A_34 : i32 to index
        %get3A_47 = arith.constant 16 : index
        %get3A_48 = tpu.vector_load %arg10[%get3A_46, %get3A_47] {strides = array<i32>} : memref<40x64xf32, #tpu.memory_space<vmem>>, vector<16xf32>,
        %add3A_49 = arith.addf %get3A_45, %get3A_48 : vector<16xf32>
        %swap3A_50 = arith.index_cast %add3A_34 : i32 to index
        %swap3A_51 = arith.constant 16 : index
        %swap3A_52 = tpu.vector_load %arg9[%swap3A_50, %swap3A_51] {strides = array<i32>} : memref<40x64xf32, #tpu.memory_space<vmem>>, vector<16xf32>,
        tpu.vector_store %arg9[%swap3A_50, %swap3A_51], %add3A_49 {strides = array<i32>} : memref<40x64xf32, #tpu.memory_space<vmem>>, vector<16xf32>,
        %get3A_53 = arith.index_cast %add3A_34 : i32 to index
        %get3A_54 = arith.constant 32 : index
        %get3A_55 = tpu.vector_load %arg9[%get3A_53, %get3A_54] {strides = array<i32>} : memref<40x64xf32, #tpu.memory_space<vmem>>, vector<16xf32>,
        %get3A_56 = arith.index_cast %add3A_34 : i32 to index
        %get3A_57 = arith.constant 32 : index
        %get3A_58 = tpu.vector_load %arg10[%get3A_56, %get3A_57] {strides = array<i32>} : memref<40x64xf32, #tpu.memory_space<vmem>>, vector<16xf32>,
        %add3A_59 = arith.addf %get3A_55, %get3A_58 : vector<16xf32>
        %swap3A_60 = arith.index_cast %add3A_34 : i32 to index
        %swap3A_61 = arith.constant 32 : index
        %swap3A_62 = tpu.vector_load %arg9[%swap3A_60, %swap3A_61] {strides = array<i32>} : memref<40x64xf32, #tpu.memory_space<vmem>>, vector<16xf32>,
        tpu.vector_store %arg9[%swap3A_60, %swap3A_61], %add3A_59 {strides = array<i32>} : memref<40x64xf32, #tpu.memory_space<vmem>>, vector<16xf32>,
        %get3A_63 = arith.index_cast %add3A_34 : i32 to index
        %get3A_64 = arith.constant 48 : index
        %get3A_65 = tpu.vector_load %arg9[%get3A_63, %get3A_64] {strides = array<i32>} : memref<40x64xf32, #tpu.memory_space<vmem>>, vector<16xf32>,
        %get3A_66 = arith.index_cast %add3A_34 : i32 to index
        %get3A_67 = arith.constant 48 : index
        %get3A_68 = tpu.vector_load %arg10[%get3A_66, %get3A_67] {strides = array<i32>} : memref<40x64xf32, #tpu.memory_space<vmem>>, vector<16xf32>,
        %add3A_69 = arith.addf %get3A_65, %get3A_68 : vector<16xf32>
        %swap3A_70 = arith.index_cast %add3A_34 : i32 to index
        %swap3A_71 = arith.constant 48 : index
        %swap3A_72 = tpu.vector_load %arg9[%swap3A_70, %swap3A_71] {strides = array<i32>} : memref<40x64xf32, #tpu.memory_space<vmem>>, vector<16xf32>,
        tpu.vector_store %arg9[%swap3A_70, %swap3A_71], %add3A_69 {strides = array<i32>} : memref<40x64xf32, #tpu.memory_space<vmem>>, vector<16xf32>,
      }
      %scan3A_29 = arith.constant 40 : i32
      "tpu.region"() ({
        %run_scoped3A = tpu.sem_alloc : memref<!tpu.dma_semaphore, #tpu.memory_space<semaphore_mem>>
        %dma_start3A_30 = arith.constant 0 : i32
        %dma_start3A_31 = tpu.memref_slice %arg6[%add3A_14, %dma_start3A_30] : memref<800000x64xf32, #tpu.memory_space<hbm>> -> memref<40x64xf32, #tpu.memory_space<hbm>>
        %dma_start3A_32 = arith.constant 0 : i32
        %dma_start3A_33 = tpu.memref_slice %arg6[%add3A_14, %dma_start3A_32] : memref<800000x64xf32, #tpu.memory_space<hbm>> -> memref<40x64xf32, #tpu.memory_space<hbm>>
        tpu.enqueue_dma source(%arg9 : memref<40x64xf32, #tpu.memory_space<vmem>>) target(%dma_start3A_33 : memref<40x64xf32, #tpu.memory_space<hbm>>) target_semaphore(%run_scoped3A : memref<!tpu.dma_semaphore, #tpu.memory_space<semaphore_mem>>)
        %dma_wait3A_34 = arith.constant 0 : i32
        %dma_wait3A_35 = tpu.memref_slice %arg6[%add3A_14, %dma_wait3A_34] : memref<800000x64xf32, #tpu.memory_space<hbm>> -> memref<40x64xf32, #tpu.memory_space<hbm>>
        %dma_wait3A_36 = arith.constant 0 : i32
        %dma_wait3A_37 = tpu.memref_slice %arg6[%add3A_14, %dma_wait3A_36] : memref<800000x64xf32, #tpu.memory_space<hbm>> -> memref<40x64xf32, #tpu.memory_space<hbm>>
        tpu.wait_dma2 semaphore(%run_scoped3A : memref<!tpu.dma_semaphore, #tpu.memory_space<semaphore_mem>>) src(%arg9 : memref<40x64xf32, #tpu.memory_space<vmem>>) dst(%dma_wait3A_37 : memref<40x64xf32, #tpu.memory_space<hbm>>)
        tpu.yield
      }) : () -> ()
    }
    %scan3A_6 = arith.constant 625 : i32
    return
  }
}

#map = affine_map<(d0, d1) -> (0, 0)>
#map1 = affine_map<(d0, d1) -> (0)>
module attributes {stable_mosaic.version = 14 : i64} {
  func.func @_scatter_body(%arg0: i32, %arg1: i32, %arg2: memref<800000x64xf32, #tpu.memory_space<hbm>>, %arg3: memref<800000xi32, #tpu.memory_space<hbm>>, %arg4: memref<50000x64xf32, #tpu.memory_space<hbm>>, %arg5: memref<26624x64xf32, #tpu.memory_space<vmem_shared>>, %arg6: memref<80xi32, #tpu.memory_space<vmem>>, %arg7: memref<80xi32, #tpu.memory_space<vmem>>, %arg8: memref<80x64xf32, #tpu.memory_space<vmem>>, %arg9: memref<104x64xf32, #tpu.memory_space<vmem>>, %arg10: memref<!tpu.dma_semaphore, #tpu.memory_space<semaphore_mem>>) attributes {dimension_semantics = [#tpu.dimension_semantics<core_parallel>, #tpu.dimension_semantics<subcore_parallel>], iteration_bounds = array<i64: 2, 16>, scalar_prefetch = 0 : i64, scratch_operands = 6 : i64, tpu.core_type = #tpu.core_type<sc_vector_subcore>, window_params = [{transform_indices = #map}, {transform_indices = #map1}, {transform_indices = #map}]} {
    %mul3A = arith.constant 25000 : i32
    %mul3A_0 = arith.muli %arg0, %mul3A : i32
    %broadcast_in_dim3A = arith.constant 0.000000e+00 : f32
    %broadcast_in_dim3A_1 = vector.broadcast %broadcast_in_dim3A : f32 to vector<16xf32>
    %scan3A = arith.constant 0 : i32
    %scan3A_2 = arith.constant 104 : i32
    %scan3A_3 = arith.addi %scan3A, %scan3A_2 : i32
    %scan3A_4 = arith.constant 1 : i32
    scf.for %scan3A_27 = %scan3A to %scan3A_3 step %scan3A_4  : i32 {
      %mul3A_28 = arith.constant 1 : i32
      %mul3A_29 = arith.muli %scan3A_27, %mul3A_28 : i32
      %add3A = arith.constant 0 : i32
      %add3A_30 = arith.addi %add3A, %mul3A_29 : i32
      %swap3A = arith.index_cast %add3A_30 : i32 to index
      %swap3A_31 = arith.constant 0 : index
      %swap3A_32 = tpu.vector_load %arg9[%swap3A, %swap3A_31] {strides = array<i32>} : memref<104x64xf32, #tpu.memory_space<vmem>>, vector<16xf32>,
      tpu.vector_store %arg9[%swap3A, %swap3A_31], %broadcast_in_dim3A_1 {strides = array<i32>} : memref<104x64xf32, #tpu.memory_space<vmem>>, vector<16xf32>,
      %swap3A_33 = arith.index_cast %add3A_30 : i32 to index
      %swap3A_34 = arith.constant 16 : index
      %swap3A_35 = tpu.vector_load %arg9[%swap3A_33, %swap3A_34] {strides = array<i32>} : memref<104x64xf32, #tpu.memory_space<vmem>>, vector<16xf32>,
      tpu.vector_store %arg9[%swap3A_33, %swap3A_34], %broadcast_in_dim3A_1 {strides = array<i32>} : memref<104x64xf32, #tpu.memory_space<vmem>>, vector<16xf32>,
      %swap3A_36 = arith.index_cast %add3A_30 : i32 to index
      %swap3A_37 = arith.constant 32 : index
      %swap3A_38 = tpu.vector_load %arg9[%swap3A_36, %swap3A_37] {strides = array<i32>} : memref<104x64xf32, #tpu.memory_space<vmem>>, vector<16xf32>,
      tpu.vector_store %arg9[%swap3A_36, %swap3A_37], %broadcast_in_dim3A_1 {strides = array<i32>} : memref<104x64xf32, #tpu.memory_space<vmem>>, vector<16xf32>,
      %swap3A_39 = arith.index_cast %add3A_30 : i32 to index
      %swap3A_40 = arith.constant 48 : index
      %swap3A_41 = tpu.vector_load %arg9[%swap3A_39, %swap3A_40] {strides = array<i32>} : memref<104x64xf32, #tpu.memory_space<vmem>>, vector<16xf32>,
      tpu.vector_store %arg9[%swap3A_39, %swap3A_40], %broadcast_in_dim3A_1 {strides = array<i32>} : memref<104x64xf32, #tpu.memory_space<vmem>>, vector<16xf32>,
    }
    %scan3A_5 = arith.constant 104 : i32
    %scan3A_6 = arith.constant 0 : i32
    %scan3A_7 = arith.constant 16 : i32
    %scan3A_8 = arith.addi %scan3A_6, %scan3A_7 : i32
    %scan3A_9 = arith.constant 1 : i32
    scf.for %scan3A_27 = %scan3A_6 to %scan3A_8 step %scan3A_9  : i32 {
      %mul3A_28 = arith.constant 1 : i32
      %mul3A_29 = arith.muli %scan3A_27, %mul3A_28 : i32
      %add3A = arith.constant 0 : i32
      %add3A_30 = arith.addi %add3A, %mul3A_29 : i32
      %mul3A_31 = arith.constant 1664 : i32
      %mul3A_32 = arith.muli %arg1, %mul3A_31 : i32
      %mul3A_33 = arith.constant 104 : i32
      %mul3A_34 = arith.muli %add3A_30, %mul3A_33 : i32
      %add3A_35 = arith.addi %mul3A_32, %mul3A_34 : i32
      "tpu.region"() ({
        %run_scoped3A = tpu.sem_alloc : memref<!tpu.dma_semaphore, #tpu.memory_space<semaphore_mem>>
        %dma_start3A = arith.constant 0 : i32
        %dma_start3A_36 = tpu.memref_slice %arg5[%add3A_35, %dma_start3A] : memref<26624x64xf32, #tpu.memory_space<vmem_shared>> -> memref<104x64xf32, #tpu.memory_space<vmem_shared>>
        %dma_start3A_37 = arith.constant 0 : i32
        %dma_start3A_38 = tpu.memref_slice %arg5[%add3A_35, %dma_start3A_37] : memref<26624x64xf32, #tpu.memory_space<vmem_shared>> -> memref<104x64xf32, #tpu.memory_space<vmem_shared>>
        tpu.enqueue_dma source(%arg9 : memref<104x64xf32, #tpu.memory_space<vmem>>) target(%dma_start3A_38 : memref<104x64xf32, #tpu.memory_space<vmem_shared>>) target_semaphore(%run_scoped3A : memref<!tpu.dma_semaphore, #tpu.memory_space<semaphore_mem>>)
        %dma_wait3A = arith.constant 0 : i32
        %dma_wait3A_39 = tpu.memref_slice %arg5[%add3A_35, %dma_wait3A] : memref<26624x64xf32, #tpu.memory_space<vmem_shared>> -> memref<104x64xf32, #tpu.memory_space<vmem_shared>>
        %dma_wait3A_40 = arith.constant 0 : i32
        %dma_wait3A_41 = tpu.memref_slice %arg5[%add3A_35, %dma_wait3A_40] : memref<26624x64xf32, #tpu.memory_space<vmem_shared>> -> memref<104x64xf32, #tpu.memory_space<vmem_shared>>
        tpu.wait_dma2 semaphore(%run_scoped3A : memref<!tpu.dma_semaphore, #tpu.memory_space<semaphore_mem>>) src(%arg9 : memref<104x64xf32, #tpu.memory_space<vmem>>) dst(%dma_wait3A_41 : memref<104x64xf32, #tpu.memory_space<vmem_shared>>)
        tpu.yield
      }) : () -> ()
    }
    %scan3A_10 = arith.constant 16 : i32
    %barrier3A = arith.constant 0 : index
    tpu.barrier barrier_id(%barrier3A)
    %mul3A_11 = arith.constant 50000 : i32
    %mul3A_12 = arith.muli %arg1, %mul3A_11 : i32
    %scan3A_13 = arith.constant 0 : i32
    %scan3A_14 = arith.constant 625 : i32
    %scan3A_15 = arith.addi %scan3A_13, %scan3A_14 : i32
    %scan3A_16 = arith.constant 1 : i32
    scf.for %scan3A_27 = %scan3A_13 to %scan3A_15 step %scan3A_16  : i32 {
      %mul3A_28 = arith.constant 1 : i32
      %mul3A_29 = arith.muli %scan3A_27, %mul3A_28 : i32
      %add3A = arith.constant 0 : i32
      %add3A_30 = arith.addi %add3A, %mul3A_29 : i32
      %mul3A_31 = arith.constant 80 : i32
      %mul3A_32 = arith.muli %add3A_30, %mul3A_31 : i32
      %add3A_33 = arith.addi %mul3A_12, %mul3A_32 : i32
      "tpu.region"() ({
        %run_scoped3A = tpu.sem_alloc : memref<!tpu.dma_semaphore, #tpu.memory_space<semaphore_mem>>
        %dma_start3A_112 = tpu.memref_slice %arg3[%add3A_33] : memref<800000xi32, #tpu.memory_space<hbm>> -> memref<80xi32, #tpu.memory_space<hbm>>
        %dma_start3A_113 = tpu.memref_slice %arg3[%add3A_33] : memref<800000xi32, #tpu.memory_space<hbm>> -> memref<80xi32, #tpu.memory_space<hbm>>
        tpu.enqueue_dma source(%dma_start3A_113 : memref<80xi32, #tpu.memory_space<hbm>>) target(%arg6 : memref<80xi32, #tpu.memory_space<vmem>>) target_semaphore(%run_scoped3A : memref<!tpu.dma_semaphore, #tpu.memory_space<semaphore_mem>>)
        %dma_wait3A_114 = tpu.memref_slice %arg3[%add3A_33] : memref<800000xi32, #tpu.memory_space<hbm>> -> memref<80xi32, #tpu.memory_space<hbm>>
        %dma_wait3A_115 = tpu.memref_slice %arg3[%add3A_33] : memref<800000xi32, #tpu.memory_space<hbm>> -> memref<80xi32, #tpu.memory_space<hbm>>
        tpu.wait_dma2 semaphore(%run_scoped3A : memref<!tpu.dma_semaphore, #tpu.memory_space<semaphore_mem>>) src(%dma_wait3A_115 : memref<80xi32, #tpu.memory_space<hbm>>) dst(%arg6 : memref<80xi32, #tpu.memory_space<vmem>>)
        tpu.yield
      }) : () -> ()
      %dma_start3A = arith.constant 0 : i32
      %dma_start3A_34 = tpu.memref_slice %arg2[%add3A_33, %dma_start3A] : memref<800000x64xf32, #tpu.memory_space<hbm>> -> memref<80x64xf32, #tpu.memory_space<hbm>>
      %dma_start3A_35 = arith.constant 0 : i32
      %dma_start3A_36 = tpu.memref_slice %arg2[%add3A_33, %dma_start3A_35] : memref<800000x64xf32, #tpu.memory_space<hbm>> -> memref<80x64xf32, #tpu.memory_space<hbm>>
      tpu.enqueue_dma source(%dma_start3A_36 : memref<80x64xf32, #tpu.memory_space<hbm>>) target(%arg8 : memref<80x64xf32, #tpu.memory_space<vmem>>) target_semaphore(%arg10 : memref<!tpu.dma_semaphore, #tpu.memory_space<semaphore_mem>>)
      %get3A = arith.constant 0 : index
      %get3A_37 = tpu.vector_load %arg6[%get3A] {strides = array<i32>} : memref<80xi32, #tpu.memory_space<vmem>>, vector<16xi32>,
      %sub3A = vector.broadcast %mul3A_0 : i32 to vector<16xi32>
      %sub3A_38 = arith.subi %get3A_37, %sub3A : vector<16xi32>
      %ge3A = arith.constant 0 : i32
      %ge3A_39 = vector.broadcast %ge3A : i32 to vector<16xi32>
      %ge3A_40 = arith.cmpi sge, %sub3A_38, %ge3A_39 : vector<16xi32>
      %lt3A = arith.constant 25000 : i32
      %lt3A_41 = vector.broadcast %lt3A : i32 to vector<16xi32>
      %lt3A_42 = arith.cmpi slt, %sub3A_38, %lt3A_41 : vector<16xi32>
      %and3A = arith.andi %ge3A_40, %lt3A_42 : vector<16xi1>
      %jit3A = arith.constant 26616 : i32
      %broadcast_in_dim3A_43 = vector.broadcast %jit3A : i32 to vector<16xi32>
      %select_n3A = arith.select %and3A, %sub3A_38, %broadcast_in_dim3A_43 : vector<16xi1>, vector<16xi32>
      %swap3A = arith.constant 0 : index
      %swap3A_44 = tpu.vector_load %arg7[%swap3A] {strides = array<i32>} : memref<80xi32, #tpu.memory_space<vmem>>, vector<16xi32>,
      tpu.vector_store %arg7[%swap3A], %select_n3A {strides = array<i32>} : memref<80xi32, #tpu.memory_space<vmem>>, vector<16xi32>,
      %get3A_45 = arith.constant 16 : index
      %get3A_46 = tpu.vector_load %arg6[%get3A_45] {strides = array<i32>} : memref<80xi32, #tpu.memory_space<vmem>>, vector<16xi32>,
      %sub3A_47 = vector.broadcast %mul3A_0 : i32 to vector<16xi32>
      %sub3A_48 = arith.subi %get3A_46, %sub3A_47 : vector<16xi32>
      %ge3A_49 = arith.constant 0 : i32
      %ge3A_50 = vector.broadcast %ge3A_49 : i32 to vector<16xi32>
      %ge3A_51 = arith.cmpi sge, %sub3A_48, %ge3A_50 : vector<16xi32>
      %lt3A_52 = arith.constant 25000 : i32
      %lt3A_53 = vector.broadcast %lt3A_52 : i32 to vector<16xi32>
      %lt3A_54 = arith.cmpi slt, %sub3A_48, %lt3A_53 : vector<16xi32>
      %and3A_55 = arith.andi %ge3A_51, %lt3A_54 : vector<16xi1>
      %jit3A_56 = arith.constant 26616 : i32
      %broadcast_in_dim3A_57 = vector.broadcast %jit3A_56 : i32 to vector<16xi32>
      %select_n3A_58 = arith.select %and3A_55, %sub3A_48, %broadcast_in_dim3A_57 : vector<16xi1>, vector<16xi32>
      %swap3A_59 = arith.constant 16 : index
      %swap3A_60 = tpu.vector_load %arg7[%swap3A_59] {strides = array<i32>} : memref<80xi32, #tpu.memory_space<vmem>>, vector<16xi32>,
      tpu.vector_store %arg7[%swap3A_59], %select_n3A_58 {strides = array<i32>} : memref<80xi32, #tpu.memory_space<vmem>>, vector<16xi32>,
      %get3A_61 = arith.constant 32 : index
      %get3A_62 = tpu.vector_load %arg6[%get3A_61] {strides = array<i32>} : memref<80xi32, #tpu.memory_space<vmem>>, vector<16xi32>,
      %sub3A_63 = vector.broadcast %mul3A_0 : i32 to vector<16xi32>
      %sub3A_64 = arith.subi %get3A_62, %sub3A_63 : vector<16xi32>
      %ge3A_65 = arith.constant 0 : i32
      %ge3A_66 = vector.broadcast %ge3A_65 : i32 to vector<16xi32>
      %ge3A_67 = arith.cmpi sge, %sub3A_64, %ge3A_66 : vector<16xi32>
      %lt3A_68 = arith.constant 25000 : i32
      %lt3A_69 = vector.broadcast %lt3A_68 : i32 to vector<16xi32>
      %lt3A_70 = arith.cmpi slt, %sub3A_64, %lt3A_69 : vector<16xi32>
      %and3A_71 = arith.andi %ge3A_67, %lt3A_70 : vector<16xi1>
      %jit3A_72 = arith.constant 26616 : i32
      %broadcast_in_dim3A_73 = vector.broadcast %jit3A_72 : i32 to vector<16xi32>
      %select_n3A_74 = arith.select %and3A_71, %sub3A_64, %broadcast_in_dim3A_73 : vector<16xi1>, vector<16xi32>
      %swap3A_75 = arith.constant 32 : index
      %swap3A_76 = tpu.vector_load %arg7[%swap3A_75] {strides = array<i32>} : memref<80xi32, #tpu.memory_space<vmem>>, vector<16xi32>,
      tpu.vector_store %arg7[%swap3A_75], %select_n3A_74 {strides = array<i32>} : memref<80xi32, #tpu.memory_space<vmem>>, vector<16xi32>,
      %get3A_77 = arith.constant 48 : index
      %get3A_78 = tpu.vector_load %arg6[%get3A_77] {strides = array<i32>} : memref<80xi32, #tpu.memory_space<vmem>>, vector<16xi32>,
      %sub3A_79 = vector.broadcast %mul3A_0 : i32 to vector<16xi32>
      %sub3A_80 = arith.subi %get3A_78, %sub3A_79 : vector<16xi32>
      %ge3A_81 = arith.constant 0 : i32
      %ge3A_82 = vector.broadcast %ge3A_81 : i32 to vector<16xi32>
      %ge3A_83 = arith.cmpi sge, %sub3A_80, %ge3A_82 : vector<16xi32>
      %lt3A_84 = arith.constant 25000 : i32
      %lt3A_85 = vector.broadcast %lt3A_84 : i32 to vector<16xi32>
      %lt3A_86 = arith.cmpi slt, %sub3A_80, %lt3A_85 : vector<16xi32>
      %and3A_87 = arith.andi %ge3A_83, %lt3A_86 : vector<16xi1>
      %jit3A_88 = arith.constant 26616 : i32
      %broadcast_in_dim3A_89 = vector.broadcast %jit3A_88 : i32 to vector<16xi32>
      %select_n3A_90 = arith.select %and3A_87, %sub3A_80, %broadcast_in_dim3A_89 : vector<16xi1>, vector<16xi32>
      %swap3A_91 = arith.constant 48 : index
      %swap3A_92 = tpu.vector_load %arg7[%swap3A_91] {strides = array<i32>} : memref<80xi32, #tpu.memory_space<vmem>>, vector<16xi32>,
      tpu.vector_store %arg7[%swap3A_91], %select_n3A_90 {strides = array<i32>} : memref<80xi32, #tpu.memory_space<vmem>>, vector<16xi32>,
      %get3A_93 = arith.constant 64 : index
      %get3A_94 = tpu.vector_load %arg6[%get3A_93] {strides = array<i32>} : memref<80xi32, #tpu.memory_space<vmem>>, vector<16xi32>,
      %sub3A_95 = vector.broadcast %mul3A_0 : i32 to vector<16xi32>
      %sub3A_96 = arith.subi %get3A_94, %sub3A_95 : vector<16xi32>
      %ge3A_97 = arith.constant 0 : i32
      %ge3A_98 = vector.broadcast %ge3A_97 : i32 to vector<16xi32>
      %ge3A_99 = arith.cmpi sge, %sub3A_96, %ge3A_98 : vector<16xi32>
      %lt3A_100 = arith.constant 25000 : i32
      %lt3A_101 = vector.broadcast %lt3A_100 : i32 to vector<16xi32>
      %lt3A_102 = arith.cmpi slt, %sub3A_96, %lt3A_101 : vector<16xi32>
      %and3A_103 = arith.andi %ge3A_99, %lt3A_102 : vector<16xi1>
      %jit3A_104 = arith.constant 26616 : i32
      %broadcast_in_dim3A_105 = vector.broadcast %jit3A_104 : i32 to vector<16xi32>
      %select_n3A_106 = arith.select %and3A_103, %sub3A_96, %broadcast_in_dim3A_105 : vector<16xi1>, vector<16xi32>
      %swap3A_107 = arith.constant 64 : index
      %swap3A_108 = tpu.vector_load %arg7[%swap3A_107] {strides = array<i32>} : memref<80xi32, #tpu.memory_space<vmem>>, vector<16xi32>,
      tpu.vector_store %arg7[%swap3A_107], %select_n3A_106 {strides = array<i32>} : memref<80xi32, #tpu.memory_space<vmem>>, vector<16xi32>,
      %dma_wait3A = arith.constant 0 : i32
      %dma_wait3A_109 = tpu.memref_slice %arg2[%add3A_33, %dma_wait3A] : memref<800000x64xf32, #tpu.memory_space<hbm>> -> memref<80x64xf32, #tpu.memory_space<hbm>>
      %dma_wait3A_110 = arith.constant 0 : i32
      %dma_wait3A_111 = tpu.memref_slice %arg2[%add3A_33, %dma_wait3A_110] : memref<800000x64xf32, #tpu.memory_space<hbm>> -> memref<80x64xf32, #tpu.memory_space<hbm>>
      tpu.wait_dma2 semaphore(%arg10 : memref<!tpu.dma_semaphore, #tpu.memory_space<semaphore_mem>>) src(%dma_wait3A_111 : memref<80x64xf32, #tpu.memory_space<hbm>>) dst(%arg8 : memref<80x64xf32, #tpu.memory_space<vmem>>)
      "tpu.region"() ({
        %run_scoped3A = tpu.sem_alloc : memref<!tpu.dma_semaphore, #tpu.memory_space<semaphore_mem>>
        %dma_start3A_112 = arith.constant 0 : i32
        %dma_start3A_113 = arith.constant 0 : i32
        %dma_start3A_114 = tpu.memref_slice %arg5[%dma_start3A_112, %dma_start3A_113] : memref<26624x64xf32, #tpu.memory_space<vmem_shared>> -> memref<26624x64xf32, #tpu.memory_space<vmem_shared>>
        tpu.enqueue_indirect_dma source(%arg8 : memref<80x64xf32, #tpu.memory_space<vmem>>) target(%dma_start3A_114 : memref<26624x64xf32, #tpu.memory_space<vmem_shared>>) offsets(%arg7 : memref<80xi32, #tpu.memory_space<vmem>>) semaphore(%run_scoped3A : memref<!tpu.dma_semaphore, #tpu.memory_space<semaphore_mem>>) {add = true}
        %dma_wait3A_115 = arith.constant 0 : i32
        %dma_wait3A_116 = arith.constant 0 : i32
        %dma_wait3A_117 = tpu.memref_slice %arg5[%dma_wait3A_115, %dma_wait3A_116] : memref<26624x64xf32, #tpu.memory_space<vmem_shared>> -> memref<26624x64xf32, #tpu.memory_space<vmem_shared>>
        tpu.wait_indirect_dma semaphore(%run_scoped3A : memref<!tpu.dma_semaphore, #tpu.memory_space<semaphore_mem>>) src(%arg8 : memref<80x64xf32, #tpu.memory_space<vmem>>) dst(%dma_wait3A_117 : memref<26624x64xf32, #tpu.memory_space<vmem_shared>>)
        tpu.yield
      }) : () -> ()
    }
    %scan3A_17 = arith.constant 625 : i32
    %barrier3A_18 = arith.constant 0 : index
    tpu.barrier barrier_id(%barrier3A_18)
    %mul3A_19 = arith.constant 1664 : i32
    %mul3A_20 = arith.muli %arg1, %mul3A_19 : i32
    %min3A = arith.constant 23336 : i32
    %min3A_21 = arith.minsi %mul3A_20, %min3A : i32
    %scan3A_22 = arith.constant 0 : i32
    %scan3A_23 = arith.constant 16 : i32
    %scan3A_24 = arith.addi %scan3A_22, %scan3A_23 : i32
    %scan3A_25 = arith.constant 1 : i32
    scf.for %scan3A_27 = %scan3A_22 to %scan3A_24 step %scan3A_25  : i32 {
      %mul3A_28 = arith.constant 1 : i32
      %mul3A_29 = arith.muli %scan3A_27, %mul3A_28 : i32
      %add3A = arith.constant 0 : i32
      %add3A_30 = arith.addi %add3A, %mul3A_29 : i32
      %mul3A_31 = arith.constant 104 : i32
      %mul3A_32 = arith.muli %add3A_30, %mul3A_31 : i32
      %add3A_33 = arith.addi %min3A_21, %mul3A_32 : i32
      "tpu.region"() ({
        %run_scoped3A = tpu.sem_alloc : memref<!tpu.dma_semaphore, #tpu.memory_space<semaphore_mem>>
        %dma_start3A = arith.constant 0 : i32
        %dma_start3A_35 = tpu.memref_slice %arg5[%add3A_33, %dma_start3A] : memref<26624x64xf32, #tpu.memory_space<vmem_shared>> -> memref<104x64xf32, #tpu.memory_space<vmem_shared>>
        %dma_start3A_36 = arith.constant 0 : i32
        %dma_start3A_37 = tpu.memref_slice %arg5[%add3A_33, %dma_start3A_36] : memref<26624x64xf32, #tpu.memory_space<vmem_shared>> -> memref<104x64xf32, #tpu.memory_space<vmem_shared>>
        tpu.enqueue_dma source(%dma_start3A_37 : memref<104x64xf32, #tpu.memory_space<vmem_shared>>) target(%arg9 : memref<104x64xf32, #tpu.memory_space<vmem>>) target_semaphore(%run_scoped3A : memref<!tpu.dma_semaphore, #tpu.memory_space<semaphore_mem>>)
        %dma_wait3A = arith.constant 0 : i32
        %dma_wait3A_38 = tpu.memref_slice %arg5[%add3A_33, %dma_wait3A] : memref<26624x64xf32, #tpu.memory_space<vmem_shared>> -> memref<104x64xf32, #tpu.memory_space<vmem_shared>>
        %dma_wait3A_39 = arith.constant 0 : i32
        %dma_wait3A_40 = tpu.memref_slice %arg5[%add3A_33, %dma_wait3A_39] : memref<26624x64xf32, #tpu.memory_space<vmem_shared>> -> memref<104x64xf32, #tpu.memory_space<vmem_shared>>
        tpu.wait_dma2 semaphore(%run_scoped3A : memref<!tpu.dma_semaphore, #tpu.memory_space<semaphore_mem>>) src(%dma_wait3A_40 : memref<104x64xf32, #tpu.memory_space<vmem_shared>>) dst(%arg9 : memref<104x64xf32, #tpu.memory_space<vmem>>)
        tpu.yield
      }) : () -> ()
      %add3A_34 = arith.addi %mul3A_0, %add3A_33 : i32
      "tpu.region"() ({
        %run_scoped3A = tpu.sem_alloc : memref<!tpu.dma_semaphore, #tpu.memory_space<semaphore_mem>>
        %dma_start3A = arith.constant 0 : i32
        %dma_start3A_35 = tpu.memref_slice %arg4[%add3A_34, %dma_start3A] : memref<50000x64xf32, #tpu.memory_space<hbm>> -> memref<104x64xf32, #tpu.memory_space<hbm>>
        %dma_start3A_36 = arith.constant 0 : i32
        %dma_start3A_37 = tpu.memref_slice %arg4[%add3A_34, %dma_start3A_36] : memref<50000x64xf32, #tpu.memory_space<hbm>> -> memref<104x64xf32, #tpu.memory_space<hbm>>
        tpu.enqueue_dma source(%arg9 : memref<104x64xf32, #tpu.memory_space<vmem>>) target(%dma_start3A_37 : memref<104x64xf32, #tpu.memory_space<hbm>>) target_semaphore(%run_scoped3A : memref<!tpu.dma_semaphore, #tpu.memory_space<semaphore_mem>>)
        %dma_wait3A = arith.constant 0 : i32
        %dma_wait3A_38 = tpu.memref_slice %arg4[%add3A_34, %dma_wait3A] : memref<50000x64xf32, #tpu.memory_space<hbm>> -> memref<104x64xf32, #tpu.memory_space<hbm>>
        %dma_wait3A_39 = arith.constant 0 : i32
        %dma_wait3A_40 = tpu.memref_slice %arg4[%add3A_34, %dma_wait3A_39] : memref<50000x64xf32, #tpu.memory_space<hbm>> -> memref<104x64xf32, #tpu.memory_space<hbm>>
        tpu.wait_dma2 semaphore(%run_scoped3A : memref<!tpu.dma_semaphore, #tpu.memory_space<semaphore_mem>>) src(%arg9 : memref<104x64xf32, #tpu.memory_space<vmem>>) dst(%dma_wait3A_40 : memref<104x64xf32, #tpu.memory_space<hbm>>)
        tpu.yield
      }) : () -> ()
    }
    %scan3A_26 = arith.constant 16 : i32
    return
  }
}

module attributes {stable_mosaic.version = 14 : i64} {
  func.func @_pro_body(%arg0: i32, %arg1: memref<400x8xf32, #tpu.memory_space<vmem>>, %arg2: memref<8x64xf32, #tpu.memory_space<vmem>>, %arg3: memref<1x64xf32, #tpu.memory_space<vmem>>, %arg4: memref<64x64xf32, #tpu.memory_space<vmem>>, %arg5: memref<64x64xf32, #tpu.memory_space<vmem>>, %arg6: memref<1x64xf32, #tpu.memory_space<vmem>>, %arg7: memref<400x64xf32, #tpu.memory_space<vmem>>, %arg8: memref<400x64xf32, #tpu.memory_space<vmem>>, %arg9: memref<400x64xf32, #tpu.memory_space<vmem>>) attributes {dimension_semantics = [#tpu.dimension_semantics<arbitrary>], iteration_bounds = array<i64: 125>, scalar_prefetch = 0 : i64, scratch_operands = 0 : i64, tpu.core_type = #tpu.core_type<tc>, window_params = [{transform_indices = @transform_0, window_bounds = array<i64: 400, 8>}, {pipeline_mode = #tpu.pipeline_mode<synchronous>, transform_indices = @transform_1, window_bounds = array<i64: 8, 64>}, {pipeline_mode = #tpu.pipeline_mode<synchronous>, transform_indices = @transform_2, window_bounds = array<i64: 1, 64>}, {pipeline_mode = #tpu.pipeline_mode<synchronous>, transform_indices = @transform_3, window_bounds = array<i64: 64, 64>}, {pipeline_mode = #tpu.pipeline_mode<synchronous>, transform_indices = @transform_4, window_bounds = array<i64: 64, 64>}, {pipeline_mode = #tpu.pipeline_mode<synchronous>, transform_indices = @transform_5, window_bounds = array<i64: 1, 64>}, {transform_indices = @transform_6, window_bounds = array<i64: 400, 64>}, {transform_indices = @transform_7, window_bounds = array<i64: 400, 64>}, {transform_indices = @transform_8, window_bounds = array<i64: 400, 64>}]} {
    %get3A = arith.constant 0 : index
    %get3A_0 = arith.constant 0 : index
    %get3A_1 = vector.load %arg1[%get3A, %get3A_0] : memref<400x8xf32, #tpu.memory_space<vmem>>, vector<400x8xf32>
    %get3A_2 = arith.constant 0 : index
    %get3A_3 = arith.constant 0 : index
    %get3A_4 = vector.load %arg2[%get3A_2, %get3A_3] : memref<8x64xf32, #tpu.memory_space<vmem>>, vector<8x64xf32>
    %dot_general3A = arith.constant dense<0.000000e+00> : vector<400x64xf32>
    %dot_general3A_5 = tpu.matmul %get3A_1, %get3A_4, %dot_general3A {dimension_numbers = #tpu.dot_dimension_numbers<[1], [0], [0], [1], [0, 0, 1, 1], [], []>, precision = #tpu.contract_precision<fp32>, transpose_lhs_hint = false} : vector<400x8xf32>, vector<8x64xf32>, vector<400x64xf32> -> vector<400x64xf32>
    %get3A_6 = arith.constant 0 : index
    %get3A_7 = arith.constant 0 : index
    %get3A_8 = vector.load %arg3[%get3A_6, %get3A_7] : memref<1x64xf32, #tpu.memory_space<vmem>>, vector<1x64xf32>
    %add3A = vector.broadcast %get3A_8 : vector<1x64xf32> to vector<400x64xf32>
    %add3A_9 = arith.addf %dot_general3A_5, %add3A : vector<400x64xf32>
    %swap3A = arith.constant 0 : index
    %swap3A_10 = arith.constant 0 : index
    %swap3A_11 = vector.load %arg7[%swap3A, %swap3A_10] : memref<400x64xf32, #tpu.memory_space<vmem>>, vector<400x64xf32>
    tpu.vector_store %arg7[%swap3A, %swap3A_10], %add3A_9 {strides = array<i32>} : memref<400x64xf32, #tpu.memory_space<vmem>>, vector<400x64xf32>,
    %get3A_12 = arith.constant 0 : index
    %get3A_13 = arith.constant 0 : index
    %get3A_14 = vector.load %arg4[%get3A_12, %get3A_13] : memref<64x64xf32, #tpu.memory_space<vmem>>, vector<64x64xf32>
    %convert_element_type3A = arith.truncf %add3A_9 : vector<400x64xf32> to vector<400x64xbf16>
    %convert_element_type3A_15 = arith.truncf %get3A_14 : vector<64x64xf32> to vector<64x64xbf16>
    %dot_general3A_16 = arith.constant dense<0.000000e+00> : vector<400x64xf32>
    %dot_general3A_17 = tpu.matmul %convert_element_type3A, %convert_element_type3A_15, %dot_general3A_16 {dimension_numbers = #tpu.dot_dimension_numbers<[1], [0], [0], [1], [0, 0, 1, 1], [], []>, transpose_lhs_hint = false} : vector<400x64xbf16>, vector<64x64xbf16>, vector<400x64xf32> -> vector<400x64xf32>
    %swap3A_18 = arith.constant 0 : index
    %swap3A_19 = arith.constant 0 : index
    %swap3A_20 = vector.load %arg8[%swap3A_18, %swap3A_19] : memref<400x64xf32, #tpu.memory_space<vmem>>, vector<400x64xf32>
    tpu.vector_store %arg8[%swap3A_18, %swap3A_19], %dot_general3A_17 {strides = array<i32>} : memref<400x64xf32, #tpu.memory_space<vmem>>, vector<400x64xf32>,
    %get3A_21 = arith.constant 0 : index
    %get3A_22 = arith.constant 0 : index
    %get3A_23 = vector.load %arg5[%get3A_21, %get3A_22] : memref<64x64xf32, #tpu.memory_space<vmem>>, vector<64x64xf32>
    %convert_element_type3A_24 = arith.truncf %add3A_9 : vector<400x64xf32> to vector<400x64xbf16>
    %convert_element_type3A_25 = arith.truncf %get3A_23 : vector<64x64xf32> to vector<64x64xbf16>
    %dot_general3A_26 = arith.constant dense<0.000000e+00> : vector<400x64xf32>
    %dot_general3A_27 = tpu.matmul %convert_element_type3A_24, %convert_element_type3A_25, %dot_general3A_26 {dimension_numbers = #tpu.dot_dimension_numbers<[1], [0], [0], [1], [0, 0, 1, 1], [], []>, transpose_lhs_hint = false} : vector<400x64xbf16>, vector<64x64xbf16>, vector<400x64xf32> -> vector<400x64xf32>
    %get3A_28 = arith.constant 0 : index
    %get3A_29 = arith.constant 0 : index
    %get3A_30 = vector.load %arg6[%get3A_28, %get3A_29] : memref<1x64xf32, #tpu.memory_space<vmem>>, vector<1x64xf32>
    %add3A_31 = vector.broadcast %get3A_30 : vector<1x64xf32> to vector<400x64xf32>
    %add3A_32 = arith.addf %dot_general3A_27, %add3A_31 : vector<400x64xf32>
    %swap3A_33 = arith.constant 0 : index
    %swap3A_34 = arith.constant 0 : index
    %swap3A_35 = vector.load %arg9[%swap3A_33, %swap3A_34] : memref<400x64xf32, #tpu.memory_space<vmem>>, vector<400x64xf32>
    tpu.vector_store %arg9[%swap3A_33, %swap3A_34], %add3A_32 {strides = array<i32>} : memref<400x64xf32, #tpu.memory_space<vmem>>, vector<400x64xf32>,
    return
  }
  func.func @transform_0(%arg0: i32) -> (i32, i32) {
    %c0_i32 = arith.constant 0 : i32
    %c0_i32_0 = arith.constant 0 : i32
    return %arg0, %c0_i32 : i32, i32
  }
  func.func @transform_1(%arg0: i32) -> (i32, i32) {
    %c0_i32 = arith.constant 0 : i32
    %c0_i32_0 = arith.constant 0 : i32
    %c0_i32_1 = arith.constant 0 : i32
    return %c0_i32, %c0_i32_0 : i32, i32
  }
  func.func @transform_2(%arg0: i32) -> (i32, i32) {
    %c0_i32 = arith.constant 0 : i32
    %c0_i32_0 = arith.constant 0 : i32
    %c0_i32_1 = arith.constant 0 : i32
    return %c0_i32, %c0_i32_0 : i32, i32
  }
  func.func @transform_3(%arg0: i32) -> (i32, i32) {
    %c0_i32 = arith.constant 0 : i32
    %c0_i32_0 = arith.constant 0 : i32
    %c0_i32_1 = arith.constant 0 : i32
    return %c0_i32, %c0_i32_0 : i32, i32
  }
  func.func @transform_4(%arg0: i32) -> (i32, i32) {
    %c0_i32 = arith.constant 0 : i32
    %c0_i32_0 = arith.constant 0 : i32
    %c0_i32_1 = arith.constant 0 : i32
    return %c0_i32, %c0_i32_0 : i32, i32
  }
  func.func @transform_5(%arg0: i32) -> (i32, i32) {
    %c0_i32 = arith.constant 0 : i32
    %c0_i32_0 = arith.constant 0 : i32
    %c0_i32_1 = arith.constant 0 : i32
    return %c0_i32, %c0_i32_0 : i32, i32
  }
  func.func @transform_6(%arg0: i32) -> (i32, i32) {
    %c0_i32 = arith.constant 0 : i32
    %c0_i32_0 = arith.constant 0 : i32
    return %arg0, %c0_i32 : i32, i32
  }
  func.func @transform_7(%arg0: i32) -> (i32, i32) {
    %c0_i32 = arith.constant 0 : i32
    %c0_i32_0 = arith.constant 0 : i32
    return %arg0, %c0_i32 : i32, i32
  }
  func.func @transform_8(%arg0: i32) -> (i32, i32) {
    %c0_i32 = arith.constant 0 : i32
    %c0_i32_0 = arith.constant 0 : i32
    return %arg0, %c0_i32 : i32, i32
  }
}

module attributes {stable_mosaic.version = 14 : i64} {
  func.func @_mid_body(%arg0: i32, %arg1: memref<400x64xf32, #tpu.memory_space<vmem>>, %arg2: memref<400x64xf32, #tpu.memory_space<vmem>>, %arg3: memref<64x64xf32, #tpu.memory_space<vmem>>, %arg4: memref<64x64xf32, #tpu.memory_space<vmem>>, %arg5: memref<1x64xf32, #tpu.memory_space<vmem>>, %arg6: memref<64x64xf32, #tpu.memory_space<vmem>>, %arg7: memref<1x64xf32, #tpu.memory_space<vmem>>, %arg8: memref<64x64xf32, #tpu.memory_space<vmem>>, %arg9: memref<64x64xf32, #tpu.memory_space<vmem>>, %arg10: memref<1x64xf32, #tpu.memory_space<vmem>>, %arg11: memref<400x64xf32, #tpu.memory_space<vmem>>, %arg12: memref<400x64xf32, #tpu.memory_space<vmem>>, %arg13: memref<400x64xf32, #tpu.memory_space<vmem>>) attributes {dimension_semantics = [#tpu.dimension_semantics<arbitrary>], iteration_bounds = array<i64: 125>, scalar_prefetch = 0 : i64, scratch_operands = 0 : i64, tpu.core_type = #tpu.core_type<tc>, window_params = [{transform_indices = @transform_0, window_bounds = array<i64: 400, 64>}, {transform_indices = @transform_1, window_bounds = array<i64: 400, 64>}, {pipeline_mode = #tpu.pipeline_mode<synchronous>, transform_indices = @transform_2, window_bounds = array<i64: 64, 64>}, {pipeline_mode = #tpu.pipeline_mode<synchronous>, transform_indices = @transform_3, window_bounds = array<i64: 64, 64>}, {pipeline_mode = #tpu.pipeline_mode<synchronous>, transform_indices = @transform_4, window_bounds = array<i64: 1, 64>}, {pipeline_mode = #tpu.pipeline_mode<synchronous>, transform_indices = @transform_5, window_bounds = array<i64: 64, 64>}, {pipeline_mode = #tpu.pipeline_mode<synchronous>, transform_indices = @transform_6, window_bounds = array<i64: 1, 64>}, {pipeline_mode = #tpu.pipeline_mode<synchronous>, transform_indices = @transform_7, window_bounds = array<i64: 64, 64>}, {pipeline_mode = #tpu.pipeline_mode<synchronous>, transform_indices = @transform_8, window_bounds = array<i64: 64, 64>}, {pipeline_mode = #tpu.pipeline_mode<synchronous>, transform_indices = @transform_9, window_bounds = array<i64: 1, 64>}, {transform_indices = @transform_10, window_bounds = array<i64: 400, 64>}, {transform_indices = @transform_11, window_bounds = array<i64: 400, 64>}, {transform_indices = @transform_12, window_bounds = array<i64: 400, 64>}]} {
    %get3A = arith.constant 0 : index
    %get3A_0 = arith.constant 0 : index
    %get3A_1 = vector.load %arg1[%get3A, %get3A_0] : memref<400x64xf32, #tpu.memory_space<vmem>>, vector<400x64xf32>
    %get3A_2 = arith.constant 0 : index
    %get3A_3 = arith.constant 0 : index
    %get3A_4 = vector.load %arg3[%get3A_2, %get3A_3] : memref<64x64xf32, #tpu.memory_space<vmem>>, vector<64x64xf32>
    %dot_general3A = arith.constant dense<0.000000e+00> : vector<400x64xf32>
    %dot_general3A_5 = tpu.matmul %get3A_1, %get3A_4, %dot_general3A {dimension_numbers = #tpu.dot_dimension_numbers<[1], [0], [0], [1], [0, 0, 1, 1], [], []>, precision = #tpu.contract_precision<fp32>, transpose_lhs_hint = false} : vector<400x64xf32>, vector<64x64xf32>, vector<400x64xf32> -> vector<400x64xf32>
    %get3A_6 = arith.constant 0 : index
    %get3A_7 = arith.constant 0 : index
    %get3A_8 = vector.load %arg2[%get3A_6, %get3A_7] : memref<400x64xf32, #tpu.memory_space<vmem>>, vector<400x64xf32>
    %get3A_9 = arith.constant 0 : index
    %get3A_10 = arith.constant 0 : index
    %get3A_11 = vector.load %arg4[%get3A_9, %get3A_10] : memref<64x64xf32, #tpu.memory_space<vmem>>, vector<64x64xf32>
    %dot_general3A_12 = arith.constant dense<0.000000e+00> : vector<400x64xf32>
    %dot_general3A_13 = tpu.matmul %get3A_8, %get3A_11, %dot_general3A_12 {dimension_numbers = #tpu.dot_dimension_numbers<[1], [0], [0], [1], [0, 0, 1, 1], [], []>, precision = #tpu.contract_precision<fp32>, transpose_lhs_hint = false} : vector<400x64xf32>, vector<64x64xf32>, vector<400x64xf32> -> vector<400x64xf32>
    %add3A = arith.addf %dot_general3A_5, %dot_general3A_13 : vector<400x64xf32>
    %get3A_14 = arith.constant 0 : index
    %get3A_15 = arith.constant 0 : index
    %get3A_16 = vector.load %arg5[%get3A_14, %get3A_15] : memref<1x64xf32, #tpu.memory_space<vmem>>, vector<1x64xf32>
    %add3A_17 = vector.broadcast %get3A_16 : vector<1x64xf32> to vector<400x64xf32>
    %add3A_18 = arith.addf %add3A, %add3A_17 : vector<400x64xf32>
    %neg3A = arith.constant 0.000000e+00 : f32
    %neg3A_19 = vector.broadcast %neg3A : f32 to vector<400x64xf32>
    %neg3A_20 = arith.subf %neg3A_19, %add3A_18 : vector<400x64xf32>
    %exp3A = math.exp %neg3A_20 : vector<400x64xf32>
    %add3A_21 = arith.constant 1.000000e+00 : f32
    %add3A_22 = vector.broadcast %add3A_21 : f32 to vector<400x64xf32>
    %add3A_23 = arith.addf %add3A_22, %exp3A : vector<400x64xf32>
    %div3A = arith.constant 1.000000e+00 : f32
    %div3A_24 = vector.broadcast %div3A : f32 to vector<400x64xf32>
    %div3A_25 = arith.divf %div3A_24, %add3A_23 : vector<400x64xf32>
    %mul3A = arith.mulf %add3A_18, %div3A_25 : vector<400x64xf32>
    %get3A_26 = arith.constant 0 : index
    %get3A_27 = arith.constant 0 : index
    %get3A_28 = vector.load %arg6[%get3A_26, %get3A_27] : memref<64x64xf32, #tpu.memory_space<vmem>>, vector<64x64xf32>
    %dot_general3A_29 = arith.constant dense<0.000000e+00> : vector<400x64xf32>
    %dot_general3A_30 = tpu.matmul %mul3A, %get3A_28, %dot_general3A_29 {dimension_numbers = #tpu.dot_dimension_numbers<[1], [0], [0], [1], [0, 0, 1, 1], [], []>, precision = #tpu.contract_precision<fp32>, transpose_lhs_hint = false} : vector<400x64xf32>, vector<64x64xf32>, vector<400x64xf32> -> vector<400x64xf32>
    %add3A_31 = arith.addf %get3A_1, %dot_general3A_30 : vector<400x64xf32>
    %get3A_32 = arith.constant 0 : index
    %get3A_33 = arith.constant 0 : index
    %get3A_34 = vector.load %arg7[%get3A_32, %get3A_33] : memref<1x64xf32, #tpu.memory_space<vmem>>, vector<1x64xf32>
    %add3A_35 = vector.broadcast %get3A_34 : vector<1x64xf32> to vector<400x64xf32>
    %add3A_36 = arith.addf %add3A_31, %add3A_35 : vector<400x64xf32>
    %swap3A = arith.constant 0 : index
    %swap3A_37 = arith.constant 0 : index
    %swap3A_38 = vector.load %arg11[%swap3A, %swap3A_37] : memref<400x64xf32, #tpu.memory_space<vmem>>, vector<400x64xf32>
    tpu.vector_store %arg11[%swap3A, %swap3A_37], %add3A_36 {strides = array<i32>} : memref<400x64xf32, #tpu.memory_space<vmem>>, vector<400x64xf32>,
    %get3A_39 = arith.constant 0 : index
    %get3A_40 = arith.constant 0 : index
    %get3A_41 = vector.load %arg8[%get3A_39, %get3A_40] : memref<64x64xf32, #tpu.memory_space<vmem>>, vector<64x64xf32>
    %convert_element_type3A = arith.truncf %add3A_36 : vector<400x64xf32> to vector<400x64xbf16>
    %convert_element_type3A_42 = arith.truncf %get3A_41 : vector<64x64xf32> to vector<64x64xbf16>
    %dot_general3A_43 = arith.constant dense<0.000000e+00> : vector<400x64xf32>
    %dot_general3A_44 = tpu.matmul %convert_element_type3A, %convert_element_type3A_42, %dot_general3A_43 {dimension_numbers = #tpu.dot_dimension_numbers<[1], [0], [0], [1], [0, 0, 1, 1], [], []>, transpose_lhs_hint = false} : vector<400x64xbf16>, vector<64x64xbf16>, vector<400x64xf32> -> vector<400x64xf32>
    %swap3A_45 = arith.constant 0 : index
    %swap3A_46 = arith.constant 0 : index
    %swap3A_47 = vector.load %arg12[%swap3A_45, %swap3A_46] : memref<400x64xf32, #tpu.memory_space<vmem>>, vector<400x64xf32>
    tpu.vector_store %arg12[%swap3A_45, %swap3A_46], %dot_general3A_44 {strides = array<i32>} : memref<400x64xf32, #tpu.memory_space<vmem>>, vector<400x64xf32>,
    %get3A_48 = arith.constant 0 : index
    %get3A_49 = arith.constant 0 : index
    %get3A_50 = vector.load %arg9[%get3A_48, %get3A_49] : memref<64x64xf32, #tpu.memory_space<vmem>>, vector<64x64xf32>
    %convert_element_type3A_51 = arith.truncf %add3A_36 : vector<400x64xf32> to vector<400x64xbf16>
    %convert_element_type3A_52 = arith.truncf %get3A_50 : vector<64x64xf32> to vector<64x64xbf16>
    %dot_general3A_53 = arith.constant dense<0.000000e+00> : vector<400x64xf32>
    %dot_general3A_54 = tpu.matmul %convert_element_type3A_51, %convert_element_type3A_52, %dot_general3A_53 {dimension_numbers = #tpu.dot_dimension_numbers<[1], [0], [0], [1], [0, 0, 1, 1], [], []>, transpose_lhs_hint = false} : vector<400x64xbf16>, vector<64x64xbf16>, vector<400x64xf32> -> vector<400x64xf32>
    %get3A_55 = arith.constant 0 : index
    %get3A_56 = arith.constant 0 : index
    %get3A_57 = vector.load %arg10[%get3A_55, %get3A_56] : memref<1x64xf32, #tpu.memory_space<vmem>>, vector<1x64xf32>
    %add3A_58 = vector.broadcast %get3A_57 : vector<1x64xf32> to vector<400x64xf32>
    %add3A_59 = arith.addf %dot_general3A_54, %add3A_58 : vector<400x64xf32>
    %swap3A_60 = arith.constant 0 : index
    %swap3A_61 = arith.constant 0 : index
    %swap3A_62 = vector.load %arg13[%swap3A_60, %swap3A_61] : memref<400x64xf32, #tpu.memory_space<vmem>>, vector<400x64xf32>
    tpu.vector_store %arg13[%swap3A_60, %swap3A_61], %add3A_59 {strides = array<i32>} : memref<400x64xf32, #tpu.memory_space<vmem>>, vector<400x64xf32>,
    return
  }
  func.func @transform_0(%arg0: i32) -> (i32, i32) {
    %c0_i32 = arith.constant 0 : i32
    %c0_i32_0 = arith.constant 0 : i32
    return %arg0, %c0_i32 : i32, i32
  }
  func.func @transform_1(%arg0: i32) -> (i32, i32) {
    %c0_i32 = arith.constant 0 : i32
    %c0_i32_0 = arith.constant 0 : i32
    return %arg0, %c0_i32 : i32, i32
  }
  func.func @transform_2(%arg0: i32) -> (i32, i32) {
    %c0_i32 = arith.constant 0 : i32
    %c0_i32_0 = arith.constant 0 : i32
    %c0_i32_1 = arith.constant 0 : i32
    return %c0_i32, %c0_i32_0 : i32, i32
  }
  func.func @transform_3(%arg0: i32) -> (i32, i32) {
    %c0_i32 = arith.constant 0 : i32
    %c0_i32_0 = arith.constant 0 : i32
    %c0_i32_1 = arith.constant 0 : i32
    return %c0_i32, %c0_i32_0 : i32, i32
  }
  func.func @transform_4(%arg0: i32) -> (i32, i32) {
    %c0_i32 = arith.constant 0 : i32
    %c0_i32_0 = arith.constant 0 : i32
    %c0_i32_1 = arith.constant 0 : i32
    return %c0_i32, %c0_i32_0 : i32, i32
  }
  func.func @transform_5(%arg0: i32) -> (i32, i32) {
    %c0_i32 = arith.constant 0 : i32
    %c0_i32_0 = arith.constant 0 : i32
    %c0_i32_1 = arith.constant 0 : i32
    return %c0_i32, %c0_i32_0 : i32, i32
  }
  func.func @transform_6(%arg0: i32) -> (i32, i32) {
    %c0_i32 = arith.constant 0 : i32
    %c0_i32_0 = arith.constant 0 : i32
    %c0_i32_1 = arith.constant 0 : i32
    return %c0_i32, %c0_i32_0 : i32, i32
  }
  func.func @transform_7(%arg0: i32) -> (i32, i32) {
    %c0_i32 = arith.constant 0 : i32
    %c0_i32_0 = arith.constant 0 : i32
    %c0_i32_1 = arith.constant 0 : i32
    return %c0_i32, %c0_i32_0 : i32, i32
  }
  func.func @transform_8(%arg0: i32) -> (i32, i32) {
    %c0_i32 = arith.constant 0 : i32
    %c0_i32_0 = arith.constant 0 : i32
    %c0_i32_1 = arith.constant 0 : i32
    return %c0_i32, %c0_i32_0 : i32, i32
  }
  func.func @transform_9(%arg0: i32) -> (i32, i32) {
    %c0_i32 = arith.constant 0 : i32
    %c0_i32_0 = arith.constant 0 : i32
    %c0_i32_1 = arith.constant 0 : i32
    return %c0_i32, %c0_i32_0 : i32, i32
  }
  func.func @transform_10(%arg0: i32) -> (i32, i32) {
    %c0_i32 = arith.constant 0 : i32
    %c0_i32_0 = arith.constant 0 : i32
    return %arg0, %c0_i32 : i32, i32
  }
  func.func @transform_11(%arg0: i32) -> (i32, i32) {
    %c0_i32 = arith.constant 0 : i32
    %c0_i32_0 = arith.constant 0 : i32
    return %arg0, %c0_i32 : i32, i32
  }
  func.func @transform_12(%arg0: i32) -> (i32, i32) {
    %c0_i32 = arith.constant 0 : i32
    %c0_i32_0 = arith.constant 0 : i32
    return %arg0, %c0_i32 : i32, i32
  }
}

module attributes {stable_mosaic.version = 14 : i64} {
  func.func @_fin_body(%arg0: i32, %arg1: memref<400x64xf32, #tpu.memory_space<vmem>>, %arg2: memref<400x64xf32, #tpu.memory_space<vmem>>, %arg3: memref<64x64xf32, #tpu.memory_space<vmem>>, %arg4: memref<64x64xf32, #tpu.memory_space<vmem>>, %arg5: memref<1x64xf32, #tpu.memory_space<vmem>>, %arg6: memref<64x64xf32, #tpu.memory_space<vmem>>, %arg7: memref<1x64xf32, #tpu.memory_space<vmem>>, %arg8: memref<64x64xf32, #tpu.memory_space<vmem>>, %arg9: memref<1x64xf32, #tpu.memory_space<vmem>>, %arg10: memref<64x1xf32, #tpu.memory_space<vmem>>, %arg11: memref<1x1xf32, #tpu.memory_space<vmem>>, %arg12: memref<400x1xf32, #tpu.memory_space<vmem>>) attributes {dimension_semantics = [#tpu.dimension_semantics<arbitrary>], iteration_bounds = array<i64: 125>, scalar_prefetch = 0 : i64, scratch_operands = 0 : i64, tpu.core_type = #tpu.core_type<tc>, window_params = [{transform_indices = @transform_0, window_bounds = array<i64: 400, 64>}, {transform_indices = @transform_1, window_bounds = array<i64: 400, 64>}, {pipeline_mode = #tpu.pipeline_mode<synchronous>, transform_indices = @transform_2, window_bounds = array<i64: 64, 64>}, {pipeline_mode = #tpu.pipeline_mode<synchronous>, transform_indices = @transform_3, window_bounds = array<i64: 64, 64>}, {pipeline_mode = #tpu.pipeline_mode<synchronous>, transform_indices = @transform_4, window_bounds = array<i64: 1, 64>}, {pipeline_mode = #tpu.pipeline_mode<synchronous>, transform_indices = @transform_5, window_bounds = array<i64: 64, 64>}, {pipeline_mode = #tpu.pipeline_mode<synchronous>, transform_indices = @transform_6, window_bounds = array<i64: 1, 64>}, {pipeline_mode = #tpu.pipeline_mode<synchronous>, transform_indices = @transform_7, window_bounds = array<i64: 64, 64>}, {pipeline_mode = #tpu.pipeline_mode<synchronous>, transform_indices = @transform_8, window_bounds = array<i64: 1, 64>}, {pipeline_mode = #tpu.pipeline_mode<synchronous>, transform_indices = @transform_9, window_bounds = array<i64: 64, 1>}, {pipeline_mode = #tpu.pipeline_mode<synchronous>, transform_indices = @transform_10, window_bounds = array<i64: 1, 1>}, {transform_indices = @transform_11, window_bounds = array<i64: 400, 1>}]} {
    %get3A = arith.constant 0 : index
    %get3A_0 = arith.constant 0 : index
    %get3A_1 = vector.load %arg1[%get3A, %get3A_0] : memref<400x64xf32, #tpu.memory_space<vmem>>, vector<400x64xf32>
    %get3A_2 = arith.constant 0 : index
    %get3A_3 = arith.constant 0 : index
    %get3A_4 = vector.load %arg3[%get3A_2, %get3A_3] : memref<64x64xf32, #tpu.memory_space<vmem>>, vector<64x64xf32>
    %dot_general3A = arith.constant dense<0.000000e+00> : vector<400x64xf32>
    %dot_general3A_5 = tpu.matmul %get3A_1, %get3A_4, %dot_general3A {dimension_numbers = #tpu.dot_dimension_numbers<[1], [0], [0], [1], [0, 0, 1, 1], [], []>, precision = #tpu.contract_precision<fp32>, transpose_lhs_hint = false} : vector<400x64xf32>, vector<64x64xf32>, vector<400x64xf32> -> vector<400x64xf32>
    %get3A_6 = arith.constant 0 : index
    %get3A_7 = arith.constant 0 : index
    %get3A_8 = vector.load %arg2[%get3A_6, %get3A_7] : memref<400x64xf32, #tpu.memory_space<vmem>>, vector<400x64xf32>
    %get3A_9 = arith.constant 0 : index
    %get3A_10 = arith.constant 0 : index
    %get3A_11 = vector.load %arg4[%get3A_9, %get3A_10] : memref<64x64xf32, #tpu.memory_space<vmem>>, vector<64x64xf32>
    %dot_general3A_12 = arith.constant dense<0.000000e+00> : vector<400x64xf32>
    %dot_general3A_13 = tpu.matmul %get3A_8, %get3A_11, %dot_general3A_12 {dimension_numbers = #tpu.dot_dimension_numbers<[1], [0], [0], [1], [0, 0, 1, 1], [], []>, precision = #tpu.contract_precision<fp32>, transpose_lhs_hint = false} : vector<400x64xf32>, vector<64x64xf32>, vector<400x64xf32> -> vector<400x64xf32>
    %add3A = arith.addf %dot_general3A_5, %dot_general3A_13 : vector<400x64xf32>
    %get3A_14 = arith.constant 0 : index
    %get3A_15 = arith.constant 0 : index
    %get3A_16 = vector.load %arg5[%get3A_14, %get3A_15] : memref<1x64xf32, #tpu.memory_space<vmem>>, vector<1x64xf32>
    %add3A_17 = vector.broadcast %get3A_16 : vector<1x64xf32> to vector<400x64xf32>
    %add3A_18 = arith.addf %add3A, %add3A_17 : vector<400x64xf32>
    %neg3A = arith.constant 0.000000e+00 : f32
    %neg3A_19 = vector.broadcast %neg3A : f32 to vector<400x64xf32>
    %neg3A_20 = arith.subf %neg3A_19, %add3A_18 : vector<400x64xf32>
    %exp3A = math.exp %neg3A_20 : vector<400x64xf32>
    %add3A_21 = arith.constant 1.000000e+00 : f32
    %add3A_22 = vector.broadcast %add3A_21 : f32 to vector<400x64xf32>
    %add3A_23 = arith.addf %add3A_22, %exp3A : vector<400x64xf32>
    %div3A = arith.constant 1.000000e+00 : f32
    %div3A_24 = vector.broadcast %div3A : f32 to vector<400x64xf32>
    %div3A_25 = arith.divf %div3A_24, %add3A_23 : vector<400x64xf32>
    %mul3A = arith.mulf %add3A_18, %div3A_25 : vector<400x64xf32>
    %get3A_26 = arith.constant 0 : index
    %get3A_27 = arith.constant 0 : index
    %get3A_28 = vector.load %arg6[%get3A_26, %get3A_27] : memref<64x64xf32, #tpu.memory_space<vmem>>, vector<64x64xf32>
    %dot_general3A_29 = arith.constant dense<0.000000e+00> : vector<400x64xf32>
    %dot_general3A_30 = tpu.matmul %mul3A, %get3A_28, %dot_general3A_29 {dimension_numbers = #tpu.dot_dimension_numbers<[1], [0], [0], [1], [0, 0, 1, 1], [], []>, precision = #tpu.contract_precision<fp32>, transpose_lhs_hint = false} : vector<400x64xf32>, vector<64x64xf32>, vector<400x64xf32> -> vector<400x64xf32>
    %add3A_31 = arith.addf %get3A_1, %dot_general3A_30 : vector<400x64xf32>
    %get3A_32 = arith.constant 0 : index
    %get3A_33 = arith.constant 0 : index
    %get3A_34 = vector.load %arg7[%get3A_32, %get3A_33] : memref<1x64xf32, #tpu.memory_space<vmem>>, vector<1x64xf32>
    %add3A_35 = vector.broadcast %get3A_34 : vector<1x64xf32> to vector<400x64xf32>
    %add3A_36 = arith.addf %add3A_31, %add3A_35 : vector<400x64xf32>
    %get3A_37 = arith.constant 0 : index
    %get3A_38 = arith.constant 0 : index
    %get3A_39 = vector.load %arg8[%get3A_37, %get3A_38] : memref<64x64xf32, #tpu.memory_space<vmem>>, vector<64x64xf32>
    %dot_general3A_40 = arith.constant dense<0.000000e+00> : vector<400x64xf32>
    %dot_general3A_41 = tpu.matmul %add3A_36, %get3A_39, %dot_general3A_40 {dimension_numbers = #tpu.dot_dimension_numbers<[1], [0], [0], [1], [0, 0, 1, 1], [], []>, precision = #tpu.contract_precision<fp32>, transpose_lhs_hint = false} : vector<400x64xf32>, vector<64x64xf32>, vector<400x64xf32> -> vector<400x64xf32>
    %get3A_42 = arith.constant 0 : index
    %get3A_43 = arith.constant 0 : index
    %get3A_44 = vector.load %arg9[%get3A_42, %get3A_43] : memref<1x64xf32, #tpu.memory_space<vmem>>, vector<1x64xf32>
    %add3A_45 = vector.broadcast %get3A_44 : vector<1x64xf32> to vector<400x64xf32>
    %add3A_46 = arith.addf %dot_general3A_41, %add3A_45 : vector<400x64xf32>
    %neg3A_47 = arith.constant 0.000000e+00 : f32
    %neg3A_48 = vector.broadcast %neg3A_47 : f32 to vector<400x64xf32>
    %neg3A_49 = arith.subf %neg3A_48, %add3A_46 : vector<400x64xf32>
    %exp3A_50 = math.exp %neg3A_49 : vector<400x64xf32>
    %add3A_51 = arith.constant 1.000000e+00 : f32
    %add3A_52 = vector.broadcast %add3A_51 : f32 to vector<400x64xf32>
    %add3A_53 = arith.addf %add3A_52, %exp3A_50 : vector<400x64xf32>
    %div3A_54 = arith.constant 1.000000e+00 : f32
    %div3A_55 = vector.broadcast %div3A_54 : f32 to vector<400x64xf32>
    %div3A_56 = arith.divf %div3A_55, %add3A_53 : vector<400x64xf32>
    %mul3A_57 = arith.mulf %add3A_46, %div3A_56 : vector<400x64xf32>
    %get3A_58 = arith.constant 0 : index
    %get3A_59 = arith.constant 0 : index
    %get3A_60 = vector.load %arg10[%get3A_58, %get3A_59] : memref<64x1xf32, #tpu.memory_space<vmem>>, vector<64x1xf32>
    %dot_general3A_61 = arith.constant dense<0.000000e+00> : vector<400x1xf32>
    %dot_general3A_62 = tpu.matmul %mul3A_57, %get3A_60, %dot_general3A_61 {dimension_numbers = #tpu.dot_dimension_numbers<[1], [0], [0], [1], [0, 0, 1, 1], [], []>, precision = #tpu.contract_precision<fp32>, transpose_lhs_hint = false} : vector<400x64xf32>, vector<64x1xf32>, vector<400x1xf32> -> vector<400x1xf32>
    %get3A_63 = arith.constant 0 : index
    %get3A_64 = arith.constant 0 : index
    %get3A_65 = vector.load %arg11[%get3A_63, %get3A_64] : memref<1x1xf32, #tpu.memory_space<vmem>>, vector<1x1xf32>
    %add3A_66 = vector.broadcast %get3A_65 : vector<1x1xf32> to vector<400x1xf32>
    %add3A_67 = arith.addf %dot_general3A_62, %add3A_66 : vector<400x1xf32>
    %swap3A = arith.constant 0 : index
    %swap3A_68 = arith.constant 0 : index
    %swap3A_69 = vector.load %arg12[%swap3A, %swap3A_68] : memref<400x1xf32, #tpu.memory_space<vmem>>, vector<400x1xf32>
    tpu.vector_store %arg12[%swap3A, %swap3A_68], %add3A_67 {strides = array<i32>} : memref<400x1xf32, #tpu.memory_space<vmem>>, vector<400x1xf32>,
    return
  }
  func.func @transform_0(%arg0: i32) -> (i32, i32) {
    %c0_i32 = arith.constant 0 : i32
    %c0_i32_0 = arith.constant 0 : i32
    return %arg0, %c0_i32 : i32, i32
  }
  func.func @transform_1(%arg0: i32) -> (i32, i32) {
    %c0_i32 = arith.constant 0 : i32
    %c0_i32_0 = arith.constant 0 : i32
    return %arg0, %c0_i32 : i32, i32
  }
  func.func @transform_2(%arg0: i32) -> (i32, i32) {
    %c0_i32 = arith.constant 0 : i32
    %c0_i32_0 = arith.constant 0 : i32
    %c0_i32_1 = arith.constant 0 : i32
    return %c0_i32, %c0_i32_0 : i32, i32
  }
  func.func @transform_3(%arg0: i32) -> (i32, i32) {
    %c0_i32 = arith.constant 0 : i32
    %c0_i32_0 = arith.constant 0 : i32
    %c0_i32_1 = arith.constant 0 : i32
    return %c0_i32, %c0_i32_0 : i32, i32
  }
  func.func @transform_4(%arg0: i32) -> (i32, i32) {
    %c0_i32 = arith.constant 0 : i32
    %c0_i32_0 = arith.constant 0 : i32
    %c0_i32_1 = arith.constant 0 : i32
    return %c0_i32, %c0_i32_0 : i32, i32
  }
  func.func @transform_5(%arg0: i32) -> (i32, i32) {
    %c0_i32 = arith.constant 0 : i32
    %c0_i32_0 = arith.constant 0 : i32
    %c0_i32_1 = arith.constant 0 : i32
    return %c0_i32, %c0_i32_0 : i32, i32
  }
  func.func @transform_6(%arg0: i32) -> (i32, i32) {
    %c0_i32 = arith.constant 0 : i32
    %c0_i32_0 = arith.constant 0 : i32
    %c0_i32_1 = arith.constant 0 : i32
    return %c0_i32, %c0_i32_0 : i32, i32
  }
  func.func @transform_7(%arg0: i32) -> (i32, i32) {
    %c0_i32 = arith.constant 0 : i32
    %c0_i32_0 = arith.constant 0 : i32
    %c0_i32_1 = arith.constant 0 : i32
    return %c0_i32, %c0_i32_0 : i32, i32
  }
  func.func @transform_8(%arg0: i32) -> (i32, i32) {
    %c0_i32 = arith.constant 0 : i32
    %c0_i32_0 = arith.constant 0 : i32
    %c0_i32_1 = arith.constant 0 : i32
    return %c0_i32, %c0_i32_0 : i32, i32
  }
  func.func @transform_9(%arg0: i32) -> (i32, i32) {
    %c0_i32 = arith.constant 0 : i32
    %c0_i32_0 = arith.constant 0 : i32
    %c0_i32_1 = arith.constant 0 : i32
    return %c0_i32, %c0_i32_0 : i32, i32
  }
  func.func @transform_10(%arg0: i32) -> (i32, i32) {
    %c0_i32 = arith.constant 0 : i32
    %c0_i32_0 = arith.constant 0 : i32
    %c0_i32_1 = arith.constant 0 : i32
    return %c0_i32, %c0_i32_0 : i32, i32
  }
  func.func @transform_11(%arg0: i32) -> (i32, i32) {
    %c0_i32 = arith.constant 0 : i32
    %c0_i32_0 = arith.constant 0 : i32
    return %arg0, %c0_i32 : i32, i32
  }
}

module attributes {stable_mosaic.version = 14 : i64} {
  func.func @_soft_body(%arg0: memref<400x125xf32, #tpu.memory_space<vmem>>, %arg1: memref<400x125xf32, #tpu.memory_space<vmem>>) attributes {dimension_semantics = [], scalar_prefetch = 0 : i64, scratch_operands = 0 : i64, tpu.core_type = #tpu.core_type<tc>} {
    %get3A = arith.constant 0 : index
    %get3A_0 = arith.constant 0 : index
    %get3A_1 = vector.load %arg0[%get3A, %get3A_0] : memref<400x125xf32, #tpu.memory_space<vmem>>, vector<400x125xf32>
    %reduce_max3A = vector.shape_cast %get3A_1 : vector<400x125xf32> to vector<1x400x125xf32>
    %reduce_max3A_2 = arith.constant dense<0xFF800000> : vector<1xf32>
    %reduce_max3A_3 = vector.multi_reduction <maximumf>, %reduce_max3A, %reduce_max3A_2 [1, 2] : vector<1x400x125xf32> to vector<1xf32>
    %reduce_max3A_4 = vector.shape_cast %reduce_max3A_3 : vector<1xf32> to vector<1x1x1xf32>
    %reduce_max3A_5 = vector.extract %reduce_max3A_4[0, 0, 0] : f32 from vector<1x1x1xf32>
    %sub3A = vector.broadcast %reduce_max3A_5 : f32 to vector<400x125xf32>
    %sub3A_6 = arith.subf %get3A_1, %sub3A : vector<400x125xf32>
    %exp3A = math.exp %sub3A_6 : vector<400x125xf32>
    %reduce_sum3A = vector.shape_cast %exp3A : vector<400x125xf32> to vector<1x400x125xf32>
    %reduce_sum3A_7 = arith.constant dense<0.000000e+00> : vector<1xf32>
    %reduce_sum3A_8 = vector.multi_reduction <add>, %reduce_sum3A, %reduce_sum3A_7 [1, 2] : vector<1x400x125xf32> to vector<1xf32>
    %reduce_sum3A_9 = vector.shape_cast %reduce_sum3A_8 : vector<1xf32> to vector<1x1x1xf32>
    %reduce_sum3A_10 = vector.extract %reduce_sum3A_9[0, 0, 0] : f32 from vector<1x1x1xf32>
    %div3A = vector.broadcast %reduce_sum3A_10 : f32 to vector<400x125xf32>
    %div3A_11 = arith.divf %exp3A, %div3A : vector<400x125xf32>
    %swap3A = arith.constant 0 : index
    %swap3A_12 = arith.constant 0 : index
    %swap3A_13 = vector.load %arg1[%swap3A, %swap3A_12] : memref<400x125xf32, #tpu.memory_space<vmem>>, vector<400x125xf32>
    tpu.vector_store %arg1[%swap3A, %swap3A_12], %div3A_11 {strides = array<i32>} : memref<400x125xf32, #tpu.memory_space<vmem>>, vector<400x125xf32>,
    return
  }
}

</mosaic_0001>

<sc_bundles>
// kernel: kernel.13.cloned.1.call-start
scs
__scs_entry_jumppad:
0x0: {  	(pc) =	sbr.rel $0x88, $3  }
0x1: {  	(tag) =	ssettag $0x0;
	lr =	simm.s32 $0x1  }
0x2: {  	[smem:$0x3F91] =	sst lr;
	_ =	strace $0xD0000000  }
0x3: {  	_ = 	snop  }
0x4: {  	_ = 	snop  }
0x5: {  	_ = 	snop  }
0x6: {  	_ = 	snop  }
0x7: {  	_ = 	snop  }
__scs_overlays_trampoline_lowered:
0x8: {  	[smem:$0x3FA0] =	sst s0  }
0x9: {  	[smem:$0x3FA1] =	sst s1  }
0xa: {  	[smem:$0x3FA2] =	sst s2  }
0xb: {  	[smem:$0x3FA3] =	sst s3  }
0xc: {  	[smem:$0x3FA4] =	sst s4  }
0xd: {  	[smem:$0x3FA5] =	sst s5  }
0xe: {  	[smem:$0x3FA6] =	sst s6  }
0xf: {  	[smem:$0x3FA7] =	sst s7  }
0x10: {  	[smem:$0x3FA8] =	sst s8  }
0x11: {  	[smem:$0x3FA9] =	sst s9;
	s0 =	simm.s32 @!p0 $0x0  }
0x12: {  	s1 =	sld [smem:$0x3F8F];
	s0 =	simm.s32 @p0 $0x1  }
0x13: {  	[smem:$0x3FAA] =	sst s0;
	s0 =	simm.s32 @!p1 $0x0  }
0x14: {  	s2 =	sld [smem:$0x3F8E];
	s0 =	simm.s32 @p1 $0x1  }
0x15: {  	[smem:$0x3FAB] =	sst s0;
	s0 =	simm.s32 @!p2 $0x0  }
0x16: {  	s3 =	sld [smem:$0x3FDB];
	s0 =	simm.s32 @p2 $0x1  }
0x17: {  	s4 =	simm.s32 $0x1BF5;
	[smem:$0x3FAD] =	sst s0  }
0x18: {  	s0 =	sld [smem:$0x3F90];
	_ =	swait.ge [sflag:s4], $0x0  }
0x19: {  	s7 =	sld [smem:$0x3F91]  }
0x1a: {  	s8 =	sadd.s32 $0xFFFFE003, lr  }
0x1b: {  	s9 =	sadd.s32 $0xFFFFFEF7, lr;
	s5 =	simm.s32 $0xFFFFFFFF;
	p2 =	slt.u32 s8, $0xFFFFF086  }
0x1c: {  	p1 =	slt.u32 s9, $0xF7A;
	s5 =	simm.s32 @!p2 $0x0  }
0x1d: {  	s5 =	simm.s32 @p1 $0x1;
	p0 =	seq.s32 s7, s2  }
0x1e: {  	s7 =	smul.u32 @!p0 $0xF7A, s2;
	p2 =	seq.s32 @!p0 s5, $0x0  }
0x1f: {  	s9 =	smul.u32 $0xF7A, s1;
	s8 =	simm.s32 @!p0 $0x1BF5;
	p2 =	por !p2, p0  }
0x20: {  	[sflag:s8] =	ssyncset.s32 @!p0 $0xFFFFF086;
	s6 =	sadd.s32 @!p0 s3, s7;
	s7 =	simm.s32 @!p0 $0x108  }
0x21: {  	s3 =	sadd.s32 s3, s9;
	s6 =	sadd.s32 @!p0 $0x88, s6;
	s7 =	simm.s32 @p2 $0x1082  }
0x22: {  	[simem:s7], [sflag:s8] =	dma.local @!p0 [hbm:s6], $0xF7A  }
0x23: {  	s9 =	sor.u32 $0xD0000000, s2;
	s6 =	simm.s32 $0x108;
	_ =	swait.ge @!p0 [sflag:s8], $0x0  }
0x24: {  	s3 =	sadd.s32 $0x88, s3;
	s6 =	simm.s32 @!p1 $0x1082;
	[sflag:s4] =	ssyncset.s32 $0xFFFFF086  }
0x25: {  	[simem:s6], [sflag:s4] =	dma.local [hbm:s3], $0xF7A  }
0x26: {  	[smem:$0x3F91] =	sst s1;
	(tag) =	ssettag s2;
	_ =	strace s9  }
0x27: {  	s1 =	sld [smem:$0x3FA1]  }
0x28: {  	s2 =	sld [smem:$0x3FA2]  }
0x29: {  	s4 =	sld [smem:$0x3FA4]  }
0x2a: {  	p0 =	seq.s32 s5, $0x0;
	s5 =	sld [smem:$0x3FA5]  }
0x2b: {  	s6 =	sld [smem:$0x3FA6]  }
0x2c: {  	s7 =	sld [smem:$0x3FA7]  }
0x2d: {  	s3 =	simm.s32 $0x108;
	s8 =	sld [smem:$0x3FA8]  }
0x2e: {  	s3 =	simm.s32 @!p0 $0x1082;
	s9 =	sld [smem:$0x3FA9]  }
0x2f: {  	lr =	sadd.s32 s0, s3;
	s0 =	sld [smem:$0x3FA0]  }
0x30: {  	s3 =	sld [smem:$0x3FA3]  }
0x31: {  	[smem:$0x3FAC] =	sst s10  }
0x32: {  	s10 =	sld [smem:$0x3FAA];
	_ =	sdelay $0x3  }
0x33: {  	p0 =	seq.s32 s10, $0x1;
	s10 =	sld [smem:$0x3FAC];
	_ =	sdelay $0x3  }
0x34: {  	[smem:$0x3FAC] =	sst s10  }
0x35: {  	s10 =	sld [smem:$0x3FAB];
	_ =	sdelay $0x3  }
0x36: {  	p1 =	seq.s32 s10, $0x1;
	s10 =	sld [smem:$0x3FAC];
	_ =	sdelay $0x3  }
0x37: {  	[smem:$0x3FAC] =	sst s10  }
0x38: {  	s10 =	sld [smem:$0x3FAD]  }
0x39: {  	_ = 	snop;
	(pc) =	sbr.ind lr, $3  }
0x3a: {  	_ = 	snop  }
0x3b: {  	_ = 	snop  }
0x3c: {  	p2 =	seq.s32 s10, $0x1;
	s10 =	sld [smem:$0x3FAC]  }
0x3d: {  	_ =	shalt  }
0x3e: {  	_ =	shalt  }
0x3f: {  	_ =	shalt  }
0x40: {  	_ =	shalt  }
0x41: {  	_ =	shalt  }
0x42: {  	_ =	shalt  }
0x43: {  	_ =	shalt  }
0x44: {  	_ =	shalt  }
0x45: {  	_ =	shalt  }
0x46: {  	_ =	shalt  }
0x47: {  	_ =	shalt  }
0x48: {  	_ =	shalt  }
0x49: {  	_ =	shalt  }
0x4a: {  	_ =	shalt  }
0x4b: {  	_ =	shalt  }
0x4c: {  	_ =	shalt  }
0x4d: {  	_ =	shalt  }
0x4e: {  	_ =	shalt  }
0x4f: {  	_ =	shalt  }
0x50: {  	_ =	shalt  }
0x51: {  	_ =	shalt  }
0x52: {  	_ =	shalt  }
0x53: {  	_ =	shalt  }
0x54: {  	_ =	shalt  }
0x55: {  	_ =	shalt  }
0x56: {  	_ =	shalt  }
0x57: {  	_ =	shalt  }
0x58: {  	_ =	shalt  }
0x59: {  	_ =	shalt  }
0x5a: {  	_ =	shalt  }
0x5b: {  	_ =	shalt  }
0x5c: {  	_ =	shalt  }
0x5d: {  	_ =	shalt  }
0x5e: {  	_ =	shalt  }
0x5f: {  	_ =	shalt  }
0x60: {  	_ =	shalt  }
0x61: {  	_ =	shalt  }
0x62: {  	_ =	shalt  }
0x63: {  	_ =	shalt  }
0x64: {  	_ =	shalt  }
0x65: {  	_ =	shalt  }
0x66: {  	_ =	shalt  }
0x67: {  	_ =	shalt  }
0x68: {  	_ =	shalt  }
0x69: {  	_ =	shalt  }
0x6a: {  	_ =	shalt  }
0x6b: {  	_ =	shalt  }
0x6c: {  	_ =	shalt  }
0x6d: {  	_ =	shalt  }
0x6e: {  	_ =	shalt  }
0x6f: {  	_ =	shalt  }
0x70: {  	_ =	shalt  }
0x71: {  	_ =	shalt  }
0x72: {  	_ =	shalt  }
0x73: {  	_ =	shalt  }
0x74: {  	_ =	shalt  }
0x75: {  	_ =	shalt  }
0x76: {  	_ =	shalt  }
0x77: {  	_ =	shalt  }
0x78: {  	_ =	shalt  }
0x79: {  	_ =	shalt  }
0x7a: {  	_ =	shalt  }
0x7b: {  	_ =	shalt  }
0x7c: {  	_ =	shalt  }
0x7d: {  	_ =	shalt  }
0x7e: {  	_ =	shalt  }
0x7f: {  	_ =	shalt  }
0x80: {  	_ =	shalt  }
0x81: {  	_ =	shalt  }
0x82: {  	_ =	shalt  }
0x83: {  	_ =	shalt  }
0x84: {  	_ =	shalt  }
0x85: {  	_ =	shalt  }
0x86: {  	_ =	shalt  }
0x87: {  	_ =	shalt  }
.Lfunc_end0:
.L_simem_size_0:
called_computation_lowered:
.L_overlay_start_0:
0x88: {  	s2 =	sld [smem:$0x3FD9]  }
0x89: {  	s3 =	sld [smem:$0x3FFE];
	_ =	sdelay $0x1  }
0x8a: {  	s1 =	srdreg.scid  }
0x8b: {  	s0 =	sand.u32 $0x1, s1  }
0x8c: {  	s16 =	sshll.u32 s0, $0xA;
	s2 =	sadd.s32 s3, s2  }
0x8d: {  	s2 =	sadd.s32 s2, s16  }
0x8e: {  	[smem:$0x3FB8] =	sst s2  }
0x8f: {  	_ = 	snop  }
0x90: {  	(tm) =	ssettm $0x1  }
0x91: {  	s17 =	sld [smem:$0x3FFB];
	_ =	sdelay $0x3  }
0x92: {  	_ =	strace s17  }
0x93: {  	s2 =	sld [smem:$0x3FFC];
	_ =	sdelay $0x3  }
0x94: {  	_ =	strace s2  }
0x95: {  	s2 =	sld [smem:$0x3FFD];
	_ =	sdelay $0x3  }
0x96: {  	_ =	strace s2  }
0x97: {  	_ =	strace $0x8FFFFFFF  }
0x98: {  	s18 =	sld [smem:$0x3FDB];
	_ =	sdelay $0x1  }
0x99: {  	s19 =	simm.s32 $_scs_section_size  }
0x9a: {  	s4 =	simm.s32 $_size__tile_overlayer_lowered;
	s5 =	simm.s32 $_tile_overlayer_lowered  }
0x9b: {  	s22 =	simm.s32 $0x1BFF;
	s21 =	sshll.u32 s5, $0x1;
	s2 =	sadd.s32 s19, s18  }
0x9c: {  	s6 =	simm.s32 $0x0;
	s20 =	sshll.u32 s4, $0x1;
	s4 =	sadd.s32 s21, s2  }
0x9d: {  	[timem:s6], [sflag:s22] =	dma.local [hbm:s4], s20  }
0x9e: {  	_ =	swait.ge [sflag:s22], s20  }
0x9f: {  	s3 =	ssub.s32 $0x0, s20;
	[sflag:s22] =	ssyncset.done $0x0  }
0xa0: {  	[sflag:s22] =	ssyncadd.s32 s3;
	_ =	sdelay $0x1  }
0xa1: {  	s23 =	simm.s32 $0x1B8B  }
0xa2: {  	_ =	swait.ge [sflag:s23], $0x1  }
0xa3: {  	[sflag:s23] =	ssyncset.done $0x0  }
0xa4: {  	s25 =	simm.s32 $0x1B8E;
	s24 =	sld [smem:$0x3FFE];
	[sflag:s23] =	ssyncadd.s32 $0xFFFFFFFF  }
0xa5: {  	s26 =	simm.s32 $execute0_lowered;
	[smem:$0x3FD2] =	sst s25  }
0xa6: {  	s4 =	sshll.u32 s26, $0x1;
	_ =	strace $0x80000046;
	[dreg:$0x1] =	wrdreg $0xFFFFFFFF  }
0xa7: {  	s28 =	simm.s32 $_size_execute0_lowered;
	s2 =	sadd.s32 s2, s4;
	[dreg:$0x0] =	wrdreg $0x0  }
0xa8: {  	s4 =	sshll.u32 s28, $0x1;
	[dreg:$0x2] =	wrdreg s2  }
0xa9: {  	[dreg:$0x3] =	wrdreg s4  }
0xaa: {  	[dreg:$0x4] =	wrdreg $0xC0  }
0xab: {  	_ =	task [dreg:s6], $0x5FFFF  }
0xac: {  	[dreg:$0x1] =	wrdreg $0xFFFFFFFF  }
0xad: {  	[dreg:$0x0] =	wrdreg $0x60  }
0xae: {  	[dreg:$0x2] =	wrdreg s24  }
0xaf: {  	[dreg:$0x3] =	wrdreg $0x9  }
0xb0: {  	_ =	task.clear_ibuf [dreg:s6], $0x4FFFF;
	_ =	strace $0x90000046  }
0xb1: {  	s29 =	simm.s32 $0x9;
	_ =	strace $0x80000048  }
0xb2: {  	_ =	swait.ge [sflag:s29], $0x1  }
0xb3: {  	[sflag:s29] =	ssyncadd.s32 $0xFFFFFFFF  }
0xb4: {  	_ =	strace $0x90000048  }
0xb5: {  	_ =	sfence  }
0xb6: {  	s30 =	sld [smem:$0x0];
	_ =	sdelay $0x2  }
0xb7: {  	s31 =	sshll.u32 s1, $0xD;
	s1 =	sshrl.u32 s1, $0x2  }
0xb8: {  	s3 =	sand.u32 $0x4000, s31;
	s1 =	sadd.s32 s1, s30  }
0xb9: {  	s0 =	sor.u32 s3, s0;
	s1 =	sshll.u32 s1, $0x11  }
0xba: {  	s0 =	sor.u32 s1, s0  }
0xbb: {  	s0 =	sadd.s32 $0x8F2B, s0  }
0xbc: {  	[sflag:s0] =	ssyncadd.remote.s32 $0x1  }
0xbd: {  	_ =	sfence.sel $0xFFFF  }
0xbe: {  	[dreg:$0x0] =	wrdreg $0xFFFFFFFF;
	(pc) =	sbr.abs _section_cstart, $3  }
0xbf: {  	[dreg:$0x1] =	wrdreg $0xFFFFFFFF  }
0xc0: {  	_ =	task.clear_ibuf [dreg:s6], $0x2FFFF;
	_ =	strace $0x9FFFFFFF  }
0xc1: {  	(tm) =	ssettm $0x7FFFFFFF  }
tec
execute0_lowered:
.L_overlay_start_1:
0x0: {  	(tag) =	ssettag $0x1  }
0x1: {  	s7 =	rddreg [dreg:$0x0]  }
0x2: {  	s0 =	rddreg [dreg:$0x1];
	s1 =	simm.s32 $0x0  }
0x3: {  	s2 =	srdreg.scid;
	s12 =	simm.s32 $0x50;
	s13 =	simm.s32 $0xA50  }
0x4: {  	s14 =	simm.s32 $0x1;
	s15 =	simm.s32 $0x2;
	s16 =	simm.s32 $0x0  }
0x5: {  	[smem:$0x7FF] =	sst s1;
	s3 =	sadd.s32 $0x6400, s7;
	s4 =	sadd.s32 $0xC9E00, s7  }
0x6: {  	s8 =	sand.u32 $0x1, s2;
	s5 =	sadd.s32 $0x68000, s7;
	s2 =	stileid.u32  }
0x7: {  	s6 =	sadd.s32 $0x80800, s7;
	s7 =	sadd.s32 $0x314000, s7;
	s9 =	ssub.s32 $0x2, s8  }
0x8: {  	_ =	strace $0x80000047;
	s11 =	sshll.u32 s2, $0x1;
	s10 =	sshrl.u32 s9, $0x1  }
0x9: {  	s8 =	sor.u32 s8, s11;
	s11 =	simm.s32 $0x28;
	s9 =	ssub.s32 s9, s10  }
0xa: {  	s8 =	smul.u32 $0x61A8, s8;
	s10 =	simm.s32 $0x3;
	s9 =	smax.u32 s9, $0x1  }
.LBB2_1:
0xb: {  	s17 =	simm.s32 $0x0  }
.LBB2_2:
0xc: {  	s18 =	smul.u32 $0x28, s17;
	_ =	sdelay $0x1  }
0xd: {  	s18 =	sadd.s32 s8, s18  }
0xe: {  	s19 =	sshrl.u32 s18, $0x3  }
0xf: {  	s21 =	simm.s32 $0x0;
	s20 =	sadd.s32 s5, s19  }
0x10: {  	[tilespmem:s21], [sflag:$0x3] =	stream.linear.gather [hbm4b:s20+s21], $0x28, $0x38;
	[tilespmem:$0x1450] =	vst v63  }
0x11: {  	_ =	swait.ge [sflag:s10], $0x28  }
0x12: {  	[sflag:s10] =	ssyncset.done $0x0  }
0x13: {  	s19 =	sadd.s32 s6, s19;
	[sflag:s10] =	ssyncadd.s32 $0xFFFFFFD8  }
0x14: {  	[tilespmem:s11], [sflag:$0x3] =	stream.linear.gather [hbm4b:s19+s21], $0x28, $0x38;
	[tilespmem:$0x1450] =	vst v63  }
0x15: {  	_ =	swait.ge [sflag:s10], $0x28  }
0x16: {  	[sflag:s10] =	ssyncset.done $0x0  }
0x17: {  	[sflag:s10] =	ssyncadd.s32 $0xFFFFFFD8  }
0x18: {  	[tilespmem:s12], [sflag:$0x1] =	stream.indirect.gather [hbm4b:s3+s11], $0x40, s21, s11, $0xb8;
	[tilespmem:$0x1450] =	vst v63  }
0x19: {  	_ = 	snop  }
0x1a: {  	[tilespmem:s13], [sflag:$0x2] =	stream.indirect.gather [hbm4b:s4+s11], $0x40, s11, s11, $0xb8;
	[tilespmem:$0x1450] =	vst v63  }
0x1b: {  	_ =	swait.ge [sflag:s14], $0xA00  }
0x1c: {  	[sflag:s14] =	ssyncset.done $0x0  }
0x1d: {  	[sflag:s14] =	ssyncadd.s32 $0xFFFFF600  }
0x1e: {  	_ =	swait.ge [sflag:s15], $0xA00  }
0x1f: {  	[sflag:s15] =	ssyncset.done $0x0  }
0x20: {  	s19 =	simm.s32 $0x0;
	[sflag:s15] =	ssyncadd.s32 $0xFFFFF600  }
0x21: {  	v5 =	vld [tilespmem:s19+$0xA50]  }
0x22: {  	v6 =	vld [tilespmem:s19+$0xA60]  }
0x23: {  	v1 =	vld [tilespmem:s19+$0xA70]  }
0x24: {  	v0 =	vld [tilespmem:s19+$0xA80]  }
0x25: {  	v2 =	vld [tilespmem:s19+$0x50]  }
0x26: {  	v4 =	vld [tilespmem:s19+$0x60]  }
0x27: {  	s20 =	simm.s32 $0x100;
	v3 =	vld [tilespmem:s19+$0x70]  }
.LBB2_3:
0x28: {  	s21 =	sshra.s32 s20, $0x2;
	p0 =	sne.s32 s20, $0x2700;
	v7 =	vld [tilespmem:s19+$0x80];
	v8 =	vmov v1  }
0x29: {  	v9 =	vld [tilespmem:s21+$0xA50];
	v10 =	vmov v0  }
0x2a: {  	v11 =	vld [tilespmem:s21+$0xA60];
	v2 =	vadd.f32 v5, v2  }
.Ltmp0:
0x2b: {  	v1 =	vld [tilespmem:s21+$0xA70];
	v4 =	vadd.f32 v6, v4;
	(pc) =	sbr.rel @p0 .LBB2_3-.Ltmp0, $4  }
0x2c: {  	v0 =	vld [tilespmem:s21+$0xA80];
	[tilespmem:s19+$0x50] =	vst v2;
	v3 =	vadd.f32 v8, v3  }
0x2d: {  	v2 =	vld [tilespmem:s21+$0x50];
	[tilespmem:s19+$0x60] =	vst v4;
	v7 =	vadd.f32 v10, v7  }
0x2e: {  	v4 =	vld [tilespmem:s21+$0x60];
	[tilespmem:s19+$0x70] =	vst v3;
	v5 =	vmov v9  }
0x2f: {  	s20 =	sadd.s32 $0x100, s20;
	v3 =	vld [tilespmem:s21+$0x70];
	[tilespmem:s19+$0x80] =	vst v7;
	v6 =	vmov v11;
	s19 =	smov.u32 s21  }
0x30: {  	v7 =	vld [tilespmem:s19+$0x80];
	_ =	sdelay $0x1  }
0x31: {  	v2 =	vadd.f32 v5, v2  }
0x32: {  	v4 =	vadd.f32 v6, v4  }
0x33: {  	[tilespmem:s19+$0x50] =	vst v2;
	v1 =	vadd.f32 v1, v3  }
0x34: {  	s17 =	sadd.s32 $0x1, s17;
	[tilespmem:s19+$0x60] =	vst v4;
	v0 =	vadd.f32 v0, v7  }
0x35: {  	s18 =	sshll.u32 s18, $0x3;
	p0 =	sne.s32 s17, $0x271;
	[tilespmem:s19+$0x70] =	vst v1  }
.Ltmp1:
0x36: {  	s18 =	sadd.s32 s7, s18;
	[tilespmem:s19+$0x80] =	vst v0;
	(pc) =	sbr.rel @p0 .LBB2_2-.Ltmp1, $4  }
0x37: {  	[hbm4b:s18+s1] =	stream.linear.scatter [tilespmem:s12], [sflag:$0x3], $0xA00, $0x38;
	[tilespmem:$0x1450] =	vst v63  }
0x38: {  	_ =	swait.ge [sflag:s10], $0xA00  }
0x39: {  	[sflag:s10] =	ssyncset.done $0x0  }
0x3a: {  	[sflag:s10] =	ssyncadd.s32 $0xFFFFF600  }
0x3b: {  	s16 =	sadd.s32 $0x1, s16  }
0x3c: {  	p0 =	sne.s32 s16, s9  }
.Ltmp2:
0x3d: {  	_ = 	snop;
	(pc) =	sbr.rel @p0 .LBB2_1-.Ltmp2, $1  }
0x3e: {  	_ =	sdelay $0x3  }
0x3f: {  	_ =	sfence.sel $0x180000  }
0x40: {  	[bflag:$0x0] =	sbarrier.arrive $0xFFFF  }
0x41: {  	p0 =	sne.s32 s2, $0x0;
	_ =	strace $0x90000047  }
0x42: {  	s0 =	sadd.s32 @!p0 $0x100000, s0;
	[bflag:$0x2] =	sbarrier.arrive $0xFFFF  }
0x43: {  	[sflag:s0] =	ssyncadd.tile.s32 @!p0 $0x1;
	_ =	shalt  }
.Lfunc_end2:
_tile_overlayer_lowered:
.L_overlay_start_2:
0x44: {  	(tag) =	ssettag $0x2  }
0x45: {  	s0 =	rddreg [dreg:$0x0];
	s2 =	stileid.u32  }
0x46: {  	s1 =	rddreg [dreg:$0x1];
	p0 =	sne.s32 s2, $0x0  }
0x47: {  	s3 =	rddreg [dreg:$0x2];
	[bflag:$0x3] =	sbarrier.arrive $0xFFFF;
	s2 =	simm.s32 @!p0 $0x1C03  }
0x48: {  	[timem:s3], [sflag:s2] =	dma.local @!p0 [hbm:s0], s1  }
0x49: {  	s0 =	simm.s32 @!p0 $0x3  }
0x4a: {  	_ =	swait.ge @!p0 [sflag:s0], s1  }
0x4b: {  	s1 =	ssub.s32 @!p0 $0x0, s1;
	[sflag:s0] =	ssyncset.done @!p0 $0x0  }
0x4c: {  	[sflag:s0] =	ssyncadd.s32 @!p0 s1  }
0x4d: {  	[bflag:$0x3] =	sbarrier.arrive $0xFFFF  }
0x4e: {  	_ =	shalt  }

// kernel: kernel.16.cloned.1.call-start
scs
__scs_entry_jumppad:
0x0: {  	(pc) =	sbr.rel $0x88, $3  }
0x1: {  	(tag) =	ssettag $0x0;
	lr =	simm.s32 $0x1  }
0x2: {  	[smem:$0x3F91] =	sst lr;
	_ =	strace $0xD0000000  }
0x3: {  	_ = 	snop  }
0x4: {  	_ = 	snop  }
0x5: {  	_ = 	snop  }
0x6: {  	_ = 	snop  }
0x7: {  	_ = 	snop  }
__scs_overlays_trampoline_lowered:
0x8: {  	[smem:$0x3FA0] =	sst s0  }
0x9: {  	[smem:$0x3FA1] =	sst s1  }
0xa: {  	[smem:$0x3FA2] =	sst s2  }
0xb: {  	[smem:$0x3FA3] =	sst s3  }
0xc: {  	[smem:$0x3FA4] =	sst s4  }
0xd: {  	[smem:$0x3FA5] =	sst s5  }
0xe: {  	[smem:$0x3FA6] =	sst s6  }
0xf: {  	[smem:$0x3FA7] =	sst s7  }
0x10: {  	[smem:$0x3FA8] =	sst s8  }
0x11: {  	[smem:$0x3FA9] =	sst s9;
	s0 =	simm.s32 @!p0 $0x0  }
0x12: {  	s1 =	sld [smem:$0x3F8F];
	s0 =	simm.s32 @p0 $0x1  }
0x13: {  	[smem:$0x3FAA] =	sst s0;
	s0 =	simm.s32 @!p1 $0x0  }
0x14: {  	s2 =	sld [smem:$0x3F8E];
	s0 =	simm.s32 @p1 $0x1  }
0x15: {  	[smem:$0x3FAB] =	sst s0;
	s0 =	simm.s32 @!p2 $0x0  }
0x16: {  	s3 =	sld [smem:$0x3FDB];
	s0 =	simm.s32 @p2 $0x1  }
0x17: {  	s4 =	simm.s32 $0x1BF5;
	[smem:$0x3FAD] =	sst s0  }
0x18: {  	s0 =	sld [smem:$0x3F90];
	_ =	swait.ge [sflag:s4], $0x0  }
0x19: {  	s7 =	sld [smem:$0x3F91]  }
0x1a: {  	s8 =	sadd.s32 $0xFFFFE003, lr  }
0x1b: {  	s9 =	sadd.s32 $0xFFFFFEF7, lr;
	s5 =	simm.s32 $0xFFFFFFFF;
	p2 =	slt.u32 s8, $0xFFFFF086  }
0x1c: {  	p1 =	slt.u32 s9, $0xF7A;
	s5 =	simm.s32 @!p2 $0x0  }
0x1d: {  	s5 =	simm.s32 @p1 $0x1;
	p0 =	seq.s32 s7, s2  }
0x1e: {  	s7 =	smul.u32 @!p0 $0xF7A, s2;
	p2 =	seq.s32 @!p0 s5, $0x0  }
0x1f: {  	s9 =	smul.u32 $0xF7A, s1;
	s8 =	simm.s32 @!p0 $0x1BF5;
	p2 =	por !p2, p0  }
0x20: {  	[sflag:s8] =	ssyncset.s32 @!p0 $0xFFFFF086;
	s6 =	sadd.s32 @!p0 s3, s7;
	s7 =	simm.s32 @!p0 $0x108  }
0x21: {  	s3 =	sadd.s32 s3, s9;
	s6 =	sadd.s32 @!p0 $0x88, s6;
	s7 =	simm.s32 @p2 $0x1082  }
0x22: {  	[simem:s7], [sflag:s8] =	dma.local @!p0 [hbm:s6], $0xF7A  }
0x23: {  	s9 =	sor.u32 $0xD0000000, s2;
	s6 =	simm.s32 $0x108;
	_ =	swait.ge @!p0 [sflag:s8], $0x0  }
0x24: {  	s3 =	sadd.s32 $0x88, s3;
	s6 =	simm.s32 @!p1 $0x1082;
	[sflag:s4] =	ssyncset.s32 $0xFFFFF086  }
0x25: {  	[simem:s6], [sflag:s4] =	dma.local [hbm:s3], $0xF7A  }
0x26: {  	[smem:$0x3F91] =	sst s1;
	(tag) =	ssettag s2;
	_ =	strace s9  }
0x27: {  	s1 =	sld [smem:$0x3FA1]  }
0x28: {  	s2 =	sld [smem:$0x3FA2]  }
0x29: {  	s4 =	sld [smem:$0x3FA4]  }
0x2a: {  	p0 =	seq.s32 s5, $0x0;
	s5 =	sld [smem:$0x3FA5]  }
0x2b: {  	s6 =	sld [smem:$0x3FA6]  }
0x2c: {  	s7 =	sld [smem:$0x3FA7]  }
0x2d: {  	s3 =	simm.s32 $0x108;
	s8 =	sld [smem:$0x3FA8]  }
0x2e: {  	s3 =	simm.s32 @!p0 $0x1082;
	s9 =	sld [smem:$0x3FA9]  }
0x2f: {  	lr =	sadd.s32 s0, s3;
	s0 =	sld [smem:$0x3FA0]  }
0x30: {  	s3 =	sld [smem:$0x3FA3]  }
0x31: {  	[smem:$0x3FAC] =	sst s10  }
0x32: {  	s10 =	sld [smem:$0x3FAA];
	_ =	sdelay $0x3  }
0x33: {  	p0 =	seq.s32 s10, $0x1;
	s10 =	sld [smem:$0x3FAC];
	_ =	sdelay $0x3  }
0x34: {  	[smem:$0x3FAC] =	sst s10  }
0x35: {  	s10 =	sld [smem:$0x3FAB];
	_ =	sdelay $0x3  }
0x36: {  	p1 =	seq.s32 s10, $0x1;
	s10 =	sld [smem:$0x3FAC];
	_ =	sdelay $0x3  }
0x37: {  	[smem:$0x3FAC] =	sst s10  }
0x38: {  	s10 =	sld [smem:$0x3FAD]  }
0x39: {  	_ = 	snop;
	(pc) =	sbr.ind lr, $3  }
0x3a: {  	_ = 	snop  }
0x3b: {  	_ = 	snop  }
0x3c: {  	p2 =	seq.s32 s10, $0x1;
	s10 =	sld [smem:$0x3FAC]  }
0x3d: {  	_ =	shalt  }
0x3e: {  	_ =	shalt  }
0x3f: {  	_ =	shalt  }
0x40: {  	_ =	shalt  }
0x41: {  	_ =	shalt  }
0x42: {  	_ =	shalt  }
0x43: {  	_ =	shalt  }
0x44: {  	_ =	shalt  }
0x45: {  	_ =	shalt  }
0x46: {  	_ =	shalt  }
0x47: {  	_ =	shalt  }
0x48: {  	_ =	shalt  }
0x49: {  	_ =	shalt  }
0x4a: {  	_ =	shalt  }
0x4b: {  	_ =	shalt  }
0x4c: {  	_ =	shalt  }
0x4d: {  	_ =	shalt  }
0x4e: {  	_ =	shalt  }
0x4f: {  	_ =	shalt  }
0x50: {  	_ =	shalt  }
0x51: {  	_ =	shalt  }
0x52: {  	_ =	shalt  }
0x53: {  	_ =	shalt  }
0x54: {  	_ =	shalt  }
0x55: {  	_ =	shalt  }
0x56: {  	_ =	shalt  }
0x57: {  	_ =	shalt  }
0x58: {  	_ =	shalt  }
0x59: {  	_ =	shalt  }
0x5a: {  	_ =	shalt  }
0x5b: {  	_ =	shalt  }
0x5c: {  	_ =	shalt  }
0x5d: {  	_ =	shalt  }
0x5e: {  	_ =	shalt  }
0x5f: {  	_ =	shalt  }
0x60: {  	_ =	shalt  }
0x61: {  	_ =	shalt  }
0x62: {  	_ =	shalt  }
0x63: {  	_ =	shalt  }
0x64: {  	_ =	shalt  }
0x65: {  	_ =	shalt  }
0x66: {  	_ =	shalt  }
0x67: {  	_ =	shalt  }
0x68: {  	_ =	shalt  }
0x69: {  	_ =	shalt  }
0x6a: {  	_ =	shalt  }
0x6b: {  	_ =	shalt  }
0x6c: {  	_ =	shalt  }
0x6d: {  	_ =	shalt  }
0x6e: {  	_ =	shalt  }
0x6f: {  	_ =	shalt  }
0x70: {  	_ =	shalt  }
0x71: {  	_ =	shalt  }
0x72: {  	_ =	shalt  }
0x73: {  	_ =	shalt  }
0x74: {  	_ =	shalt  }
0x75: {  	_ =	shalt  }
0x76: {  	_ =	shalt  }
0x77: {  	_ =	shalt  }
0x78: {  	_ =	shalt  }
0x79: {  	_ =	shalt  }
0x7a: {  	_ =	shalt  }
0x7b: {  	_ =	shalt  }
0x7c: {  	_ =	shalt  }
0x7d: {  	_ =	shalt  }
0x7e: {  	_ =	shalt  }
0x7f: {  	_ =	shalt  }
0x80: {  	_ =	shalt  }
0x81: {  	_ =	shalt  }
0x82: {  	_ =	shalt  }
0x83: {  	_ =	shalt  }
0x84: {  	_ =	shalt  }
0x85: {  	_ =	shalt  }
0x86: {  	_ =	shalt  }
0x87: {  	_ =	shalt  }
.Lfunc_end0:
.L_simem_size_0:
called_computation.1_lowered:
.L_overlay_start_0:
0x88: {  	s2 =	sld [smem:$0x3FD9]  }
0x89: {  	s3 =	sld [smem:$0x3FFE];
	_ =	sdelay $0x1  }
0x8a: {  	s1 =	srdreg.scid  }
0x8b: {  	s0 =	sand.u32 $0x1, s1  }
0x8c: {  	s16 =	sshll.u32 s0, $0xA;
	s2 =	sadd.s32 s3, s2  }
0x8d: {  	s2 =	sadd.s32 s2, s16  }
0x8e: {  	[smem:$0x3FB8] =	sst s2  }
0x8f: {  	_ = 	snop  }
0x90: {  	(tm) =	ssettm $0x1  }
0x91: {  	s17 =	sld [smem:$0x3FFB];
	_ =	sdelay $0x3  }
0x92: {  	_ =	strace s17  }
0x93: {  	s2 =	sld [smem:$0x3FFC];
	_ =	sdelay $0x3  }
0x94: {  	_ =	strace s2  }
0x95: {  	s2 =	sld [smem:$0x3FFD];
	_ =	sdelay $0x3  }
0x96: {  	_ =	strace s2  }
0x97: {  	_ =	strace $0x8FFFFFFF  }
0x98: {  	s18 =	sld [smem:$0x3FDB];
	_ =	sdelay $0x1  }
0x99: {  	s19 =	simm.s32 $_scs_section_size  }
0x9a: {  	s4 =	simm.s32 $_size__tile_overlayer_lowered;
	s5 =	simm.s32 $_tile_overlayer_lowered  }
0x9b: {  	s22 =	simm.s32 $0x1BFF;
	s21 =	sshll.u32 s5, $0x1;
	s2 =	sadd.s32 s19, s18  }
0x9c: {  	s6 =	simm.s32 $0x0;
	s20 =	sshll.u32 s4, $0x1;
	s4 =	sadd.s32 s21, s2  }
0x9d: {  	[timem:s6], [sflag:s22] =	dma.local [hbm:s4], s20  }
0x9e: {  	_ =	swait.ge [sflag:s22], s20  }
0x9f: {  	s3 =	ssub.s32 $0x0, s20;
	[sflag:s22] =	ssyncset.done $0x0  }
0xa0: {  	[sflag:s22] =	ssyncadd.s32 s3;
	_ =	sdelay $0x1  }
0xa1: {  	s23 =	simm.s32 $0x1B8B  }
0xa2: {  	_ =	swait.ge [sflag:s23], $0x1  }
0xa3: {  	[sflag:s23] =	ssyncset.done $0x0  }
0xa4: {  	s25 =	simm.s32 $0x1B8E;
	s24 =	sld [smem:$0x3FFE];
	[sflag:s23] =	ssyncadd.s32 $0xFFFFFFFF  }
0xa5: {  	s26 =	simm.s32 $execute0_lowered;
	[smem:$0x3FD2] =	sst s25  }
0xa6: {  	s4 =	sshll.u32 s26, $0x1;
	_ =	strace $0x80000049;
	[dreg:$0x1] =	wrdreg $0xFFFFFFFF  }
0xa7: {  	s28 =	simm.s32 $_size_execute0_lowered;
	s2 =	sadd.s32 s2, s4;
	[dreg:$0x0] =	wrdreg $0x0  }
0xa8: {  	s4 =	sshll.u32 s28, $0x1;
	[dreg:$0x2] =	wrdreg s2  }
0xa9: {  	[dreg:$0x3] =	wrdreg s4  }
0xaa: {  	[dreg:$0x4] =	wrdreg $0xC0  }
0xab: {  	_ =	task [dreg:s6], $0x5FFFF  }
0xac: {  	[dreg:$0x1] =	wrdreg $0xFFFFFFFF  }
0xad: {  	[dreg:$0x0] =	wrdreg $0x60  }
0xae: {  	[dreg:$0x2] =	wrdreg s24  }
0xaf: {  	[dreg:$0x3] =	wrdreg $0x0  }
0xb0: {  	[dreg:$0x4] =	wrdreg $0x9  }
0xb1: {  	_ =	task.clear_ibuf [dreg:s6], $0x5FFFF;
	_ =	strace $0x90000049  }
0xb2: {  	s29 =	simm.s32 $0x9;
	_ =	strace $0x8000004B  }
0xb3: {  	_ =	swait.ge [sflag:s29], $0x1  }
0xb4: {  	[sflag:s29] =	ssyncadd.s32 $0xFFFFFFFF  }
0xb5: {  	_ =	strace $0x9000004B  }
0xb6: {  	_ =	sfence  }
0xb7: {  	s30 =	sld [smem:$0x0];
	_ =	sdelay $0x2  }
0xb8: {  	s31 =	sshll.u32 s1, $0xD;
	s1 =	sshrl.u32 s1, $0x2  }
0xb9: {  	s3 =	sand.u32 $0x4000, s31;
	s1 =	sadd.s32 s1, s30  }
0xba: {  	s0 =	sor.u32 s3, s0;
	s1 =	sshll.u32 s1, $0x11  }
0xbb: {  	s0 =	sor.u32 s1, s0  }
0xbc: {  	s0 =	sadd.s32 $0x8F2B, s0  }
0xbd: {  	[sflag:s0] =	ssyncadd.remote.s32 $0x1  }
0xbe: {  	_ =	sfence.sel $0xFFFF  }
0xbf: {  	[dreg:$0x0] =	wrdreg $0xFFFFFFFF;
	(pc) =	sbr.abs _section_cstart, $3  }
0xc0: {  	[dreg:$0x1] =	wrdreg $0xFFFFFFFF  }
0xc1: {  	_ =	task.clear_ibuf [dreg:s6], $0x2FFFF;
	_ =	strace $0x9FFFFFFF  }
0xc2: {  	(tm) =	ssettm $0x7FFFFFFF  }
0xc3: {  	_ =	shalt  }
tec
execute0_lowered:
.L_overlay_start_1:
0x0: {  	(tag) =	ssettag $0x1  }
0x1: {  	s0 =	rddreg [dreg:$0x0]  }
0x2: {  	s2 =	rddreg [dreg:$0x1];
	s8 =	stileid.u32  }
0x3: {  	s3 =	simm.s32 $0x0;
	s4 =	srdreg.scid;
	s1 =	smul.u32 $0x61A80, s8  }
0x4: {  	s28 =	simm.s32 $0x1A000;
	s29 =	simm.s32 $0x1A0A0;
	s5 =	smul.u32 $0x186A, s8  }
0x5: {  	s30 =	simm.s32 $0x1;
	s31 =	simm.s32 $0x50;
	s7 =	smul.u32 $0x68000, s8  }
0x6: {  	[smem:$0x7FF] =	sst s3;
	s4 =	sand.u32 $0x1, s4;
	s8 =	smul.u32 $0x680, s8  }
0x7: {  	_ =	strace $0x8000004A;
	s6 =	smul.u32 $0x30D40, s4;
	s22 =	ssub.s32 $0x2, s4  }
0x8: {  	s4 =	smul.u32 $0x61A8, s4;
	s1 =	sadd.s32 s1, s0;
	s23 =	sshrl.u32 s22, $0x1  }
0x9: {  	s21 =	sadd.s32 s5, s0;
	s24 =	sshrl.u32 s7, $0x2;
	s5 =	ssub.s32 s22, s23  }
0xa: {  	s0 =	sadd.s32 s6, s0;
	s22 =	smin.u32 s8, $0x5B28;
	s5 =	smax.u32 s5, $0x1  }
0xb: {  	s26 =	sshll.u32 s22, $0x3;
	s23 =	sshll.u32 s22, $0x6;
	s22 =	sadd.s32 $0x80800, s21  }
0xc: {  	[dreg:$0x3] =	wrdreg s5;
	s5 =	sadd.s32 s24, s2;
	s0 =	sadd.s32 s26, s0  }
0xd: {  	s23 =	sadd.s32 s23, s2;
	s26 =	simm.s32 $0x2;
	s6 =	sadd.s32 $0x1A00, s5  }
0xe: {  	s25 =	sadd.s32 $0x3400, s5;
	s8 =	sadd.s32 $0x4E00, s5;
	s9 =	sadd.s32 $0x6800, s5  }
0xf: {  	s10 =	sadd.s32 $0x8200, s5;
	s11 =	sadd.s32 $0x9C00, s5;
	s12 =	sadd.s32 $0xB600, s5  }
0x10: {  	s13 =	sadd.s32 $0xD000, s5;
	s14 =	sadd.s32 $0xEA00, s5;
	s15 =	sadd.s32 $0x10400, s5  }
0x11: {  	s16 =	sadd.s32 $0x11E00, s5;
	s17 =	sadd.s32 $0x13800, s5;
	s18 =	sadd.s32 $0x15200, s5  }
0x12: {  	s19 =	sadd.s32 $0x16C00, s5;
	s20 =	sadd.s32 $0x18600, s5;
	[dreg:$0x4] =	wrdreg s6  }
0x13: {  	s24 =	sadd.s32 $0x6400, s0;
	s0 =	simm.s32 $0x1A050;
	[dreg:$0x5] =	wrdreg s25  }
0x14: {  	v1 =	vimm.f32 $0.0e+00;
	v0 =	vmov s4;
	s6 =	sadd.s32 $0x314000, s1;
	s25 =	simm.s32 $0x1B4A0;
	s1 =	simm.s32 $0x0  }
.LBB2_1:
0x15: {  	s21 =	simm.s32 $0x100;
	s4 =	simm.s32 $0x0  }
.LBB2_2:
0x16: {  	p0 =	sne.s32 s21, $0x6700;
	[tilespmem:s4+$0x1B4D0] =	vst v1;
	s7 =	smov.u32 s21;
	s21 =	sadd.s32 $0x100, s21  }
.Ltmp0:
0x17: {  	[tilespmem:s4+$0x1B4C0] =	vst v1;
	(pc) =	sbr.rel @p0 .LBB2_2-.Ltmp0, $3  }
0x18: {  	[tilespmem:s4+$0x1B4A0] =	vst v1  }
0x19: {  	[tilespmem:s4+$0x1B4B0] =	vst v1;
	_ =	sdelay $0x1  }
0x1a: {  	s4 =	sshra.s32 s7, $0x2  }
0x1b: {  	[tilespmem:s4+$0x1B4D0] =	vst v1  }
0x1c: {  	[tilespmem:s4+$0x1B4C0] =	vst v1  }
0x1d: {  	[tilespmem:s4+$0x1B4A0] =	vst v1  }
0x1e: {  	[tilespmem:s4+$0x1B4B0] =	vst v1  }
0x1f: {  	[spmem:s5] =	stream.linear.scatter [tilespmem:s25], [sflag:$0x2], $0x1A00, $0x38;
	[tilespmem:$0x1CEA0] =	vst v63  }
0x20: {  	_ =	swait.ge [sflag:s26], $0x1A00  }
0x21: {  	[sflag:s26] =	ssyncset.done $0x0  }
0x22: {  	s21 =	rddreg [dreg:$0x4];
	[sflag:s26] =	ssyncadd.s32 $0xFFFFE600  }
0x23: {  	[spmem:s21] =	stream.linear.scatter [tilespmem:s25], [sflag:$0x2], $0x1A00, $0x38;
	[tilespmem:$0x1CEA0] =	vst v63  }
0x24: {  	_ =	swait.ge [sflag:s26], $0x1A00  }
0x25: {  	[sflag:s26] =	ssyncset.done $0x0  }
0x26: {  	s7 =	rddreg [dreg:$0x5];
	[sflag:s26] =	ssyncadd.s32 $0xFFFFE600  }
0x27: {  	[spmem:s7] =	stream.linear.scatter [tilespmem:s25], [sflag:$0x2], $0x1A00, $0x38;
	[tilespmem:$0x1CEA0] =	vst v63  }
0x28: {  	_ =	swait.ge [sflag:s26], $0x1A00  }
0x29: {  	[sflag:s26] =	ssyncset.done $0x0  }
0x2a: {  	[sflag:s26] =	ssyncadd.s32 $0xFFFFE600  }
0x2b: {  	[spmem:s8] =	stream.linear.scatter [tilespmem:s25], [sflag:$0x2], $0x1A00, $0x38;
	[tilespmem:$0x1CEA0] =	vst v63  }
0x2c: {  	_ =	swait.ge [sflag:s26], $0x1A00  }
0x2d: {  	[sflag:s26] =	ssyncset.done $0x0  }
0x2e: {  	[sflag:s26] =	ssyncadd.s32 $0xFFFFE600  }
0x2f: {  	[spmem:s9] =	stream.linear.scatter [tilespmem:s25], [sflag:$0x2], $0x1A00, $0x38;
	[tilespmem:$0x1CEA0] =	vst v63  }
0x30: {  	_ =	swait.ge [sflag:s26], $0x1A00  }
0x31: {  	[sflag:s26] =	ssyncset.done $0x0  }
0x32: {  	[sflag:s26] =	ssyncadd.s32 $0xFFFFE600  }
0x33: {  	[spmem:s10] =	stream.linear.scatter [tilespmem:s25], [sflag:$0x2], $0x1A00, $0x38;
	[tilespmem:$0x1CEA0] =	vst v63  }
0x34: {  	_ =	swait.ge [sflag:s26], $0x1A00  }
0x35: {  	[sflag:s26] =	ssyncset.done $0x0  }
0x36: {  	[sflag:s26] =	ssyncadd.s32 $0xFFFFE600  }
0x37: {  	[spmem:s11] =	stream.linear.scatter [tilespmem:s25], [sflag:$0x2], $0x1A00, $0x38;
	[tilespmem:$0x1CEA0] =	vst v63  }
0x38: {  	_ =	swait.ge [sflag:s26], $0x1A00  }
0x39: {  	[sflag:s26] =	ssyncset.done $0x0  }
0x3a: {  	[sflag:s26] =	ssyncadd.s32 $0xFFFFE600  }
0x3b: {  	[spmem:s12] =	stream.linear.scatter [tilespmem:s25], [sflag:$0x2], $0x1A00, $0x38;
	[tilespmem:$0x1CEA0] =	vst v63  }
0x3c: {  	_ =	swait.ge [sflag:s26], $0x1A00  }
0x3d: {  	[sflag:s26] =	ssyncset.done $0x0  }
0x3e: {  	[sflag:s26] =	ssyncadd.s32 $0xFFFFE600  }
0x3f: {  	[spmem:s13] =	stream.linear.scatter [tilespmem:s25], [sflag:$0x2], $0x1A00, $0x38;
	[tilespmem:$0x1CEA0] =	vst v63  }
0x40: {  	_ =	swait.ge [sflag:s26], $0x1A00  }
0x41: {  	[sflag:s26] =	ssyncset.done $0x0  }
0x42: {  	[sflag:s26] =	ssyncadd.s32 $0xFFFFE600  }
0x43: {  	[spmem:s14] =	stream.linear.scatter [tilespmem:s25], [sflag:$0x2], $0x1A00, $0x38;
	[tilespmem:$0x1CEA0] =	vst v63  }
0x44: {  	_ =	swait.ge [sflag:s26], $0x1A00  }
0x45: {  	[sflag:s26] =	ssyncset.done $0x0  }
0x46: {  	[sflag:s26] =	ssyncadd.s32 $0xFFFFE600  }
0x47: {  	[spmem:s15] =	stream.linear.scatter [tilespmem:s25], [sflag:$0x2], $0x1A00, $0x38;
	[tilespmem:$0x1CEA0] =	vst v63  }
0x48: {  	_ =	swait.ge [sflag:s26], $0x1A00  }
0x49: {  	[sflag:s26] =	ssyncset.done $0x0  }
0x4a: {  	[sflag:s26] =	ssyncadd.s32 $0xFFFFE600  }
0x4b: {  	[spmem:s16] =	stream.linear.scatter [tilespmem:s25], [sflag:$0x2], $0x1A00, $0x38;
	[tilespmem:$0x1CEA0] =	vst v63  }
0x4c: {  	_ =	swait.ge [sflag:s26], $0x1A00  }
0x4d: {  	[sflag:s26] =	ssyncset.done $0x0  }
0x4e: {  	[sflag:s26] =	ssyncadd.s32 $0xFFFFE600  }
0x4f: {  	[spmem:s17] =	stream.linear.scatter [tilespmem:s25], [sflag:$0x2], $0x1A00, $0x38;
	[tilespmem:$0x1CEA0] =	vst v63  }
0x50: {  	_ =	swait.ge [sflag:s26], $0x1A00  }
0x51: {  	[sflag:s26] =	ssyncset.done $0x0  }
0x52: {  	[sflag:s26] =	ssyncadd.s32 $0xFFFFE600  }
0x53: {  	[spmem:s18] =	stream.linear.scatter [tilespmem:s25], [sflag:$0x2], $0x1A00, $0x38;
	[tilespmem:$0x1CEA0] =	vst v63  }
0x54: {  	_ =	swait.ge [sflag:s26], $0x1A00  }
0x55: {  	[sflag:s26] =	ssyncset.done $0x0  }
0x56: {  	[sflag:s26] =	ssyncadd.s32 $0xFFFFE600  }
0x57: {  	[spmem:s19] =	stream.linear.scatter [tilespmem:s25], [sflag:$0x2], $0x1A00, $0x38;
	[tilespmem:$0x1CEA0] =	vst v63  }
0x58: {  	_ =	swait.ge [sflag:s26], $0x1A00  }
0x59: {  	[sflag:s26] =	ssyncset.done $0x0  }
0x5a: {  	[sflag:s26] =	ssyncadd.s32 $0xFFFFE600  }
0x5b: {  	[spmem:s20] =	stream.linear.scatter [tilespmem:s25], [sflag:$0x2], $0x1A00, $0x38;
	[tilespmem:$0x1CEA0] =	vst v63  }
0x5c: {  	_ =	swait.ge [sflag:s26], $0x1A00  }
0x5d: {  	[sflag:s26] =	ssyncset.done $0x0  }
0x5e: {  	[sflag:s26] =	ssyncadd.s32 $0xFFFFE600  }
0x5f: {  	s21 =	sadd.s32 $0x0, s22;
	[bflag:$0x0] =	sbarrier.arrive $0xFFFF  }
0x60: {  	[tilespmem:s28], [sflag:$0x2] =	stream.linear.gather [hbm4b:s21+s3], $0x50, $0x38;
	[tilespmem:$0x1CEA0] =	vst v63  }
0x61: {  	_ =	swait.ge [sflag:s26], $0x50  }
0x62: {  	[sflag:s26] =	ssyncset.done $0x0  }
0x63: {  	[sflag:s26] =	ssyncadd.s32 $0xFFFFFFB0  }
0x64: {  	[tilespmem:s29], [sflag:$0x1] =	stream.linear.gather [hbm4b:s6+s3], $0x1400, $0x38;
	[tilespmem:$0x1CEA0] =	vst v63  }
0x65: {  	v2 =	vld [tilespmem:$0x1A040]  }
0x66: {  	v3 =	vld [tilespmem:$0x1A030]  }
0x67: {  	v4 =	vld [tilespmem:$0x1A020]  }
0x68: {  	v5 =	vld [tilespmem:$0x1A010]  }
0x69: {  	v6 =	vld [tilespmem:$0x1A000]  }
0x6a: {  	v2 =	vsub.s32 v2, v0  }
0x6b: {  	v3 =	vsub.s32 v3, v0;
	vm0 =	vlt.u32 v2, $0x61A8  }
0x6c: {  	v4 =	vsub.s32 v4, v0;
	vm1 =	vlt.u32 v3, $0x61A8;
	v2 =	vnsel vm0, $0x67F8, v2  }
0x6d: {  	v5 =	vsub.s32 v5, v0;
	vm13 =	vlt.u32 v4, $0x61A8;
	v3 =	vnsel vm1, $0x67F8, v3;
	[tilespmem:$0x1A090] =	vst v2  }
0x6e: {  	vm14 =	vlt.u32 v5, $0x61A8;
	v4 =	vnsel vm13, $0x67F8, v4;
	v2 =	vsub.s32 v6, v0;
	[tilespmem:$0x1A080] =	vst v3  }
0x6f: {  	v3 =	vnsel vm14, $0x67F8, v5;
	[tilespmem:$0x1A070] =	vst v4;
	vm15 =	vlt.u32 v2, $0x61A8  }
0x70: {  	[tilespmem:$0x1A060] =	vst v3;
	v2 =	vnsel vm15, $0x67F8, v2  }
0x71: {  	[tilespmem:$0x1A050] =	vst v2  }
0x72: {  	_ =	swait.ge [sflag:s30], $0x1400  }
0x73: {  	s4 =	simm.s32 $0xA;
	s21 =	smov.u32 s6;
	[sflag:s30] =	ssyncset.done $0x0  }
.LBB2_4:
0x74: {  	p0 =	sne.s32 s4, $0x1860;
	[sflag:s30] =	ssyncadd.s32 $0xFFFFEC00;
	s21 =	sadd.s32 $0x280, s21  }
0x75: {  	[spmem:s2] =	stream.indirect.scatter.add.f32 [tilespmem:s29], [sflag:$0x2], $0x40, s0, s31, $0xb8;
	[tilespmem:$0x1CEA0] =	vst v63  }
0x76: {  	s7 =	smov.u32 s4;
	s4 =	sadd.s32 $0xA, s4;
	_ =	swait.ge [sflag:s26], $0x1400  }
0x77: {  	[sflag:s26] =	ssyncset.done $0x0  }
0x78: {  	s7 =	sadd.s32 s7, s22;
	[sflag:s26] =	ssyncadd.s32 $0xFFFFEC00  }
0x79: {  	[tilespmem:s28], [sflag:$0x2] =	stream.linear.gather [hbm4b:s7+s3], $0x50, $0x38;
	[tilespmem:$0x1CEA0] =	vst v63  }
0x7a: {  	_ =	swait.ge [sflag:s26], $0x50  }
0x7b: {  	[sflag:s26] =	ssyncset.done $0x0  }
0x7c: {  	[sflag:s26] =	ssyncadd.s32 $0xFFFFFFB0  }
0x7d: {  	[tilespmem:s29], [sflag:$0x1] =	stream.linear.gather [hbm4b:s21+s3], $0x1400, $0x38;
	[tilespmem:$0x1CEA0] =	vst v63  }
0x7e: {  	v2 =	vld [tilespmem:$0x1A040]  }
0x7f: {  	v3 =	vld [tilespmem:$0x1A030]  }
0x80: {  	v4 =	vld [tilespmem:$0x1A020]  }
0x81: {  	v5 =	vld [tilespmem:$0x1A010]  }
0x82: {  	v6 =	vld [tilespmem:$0x1A000]  }
0x83: {  	v2 =	vsub.s32 v2, v0  }
0x84: {  	v3 =	vsub.s32 v3, v0;
	vm0 =	vlt.u32 v2, $0x61A8  }
0x85: {  	v4 =	vsub.s32 v4, v0;
	vm1 =	vlt.u32 v3, $0x61A8;
	v2 =	vnsel vm0, $0x67F8, v2  }
0x86: {  	v5 =	vsub.s32 v5, v0;
	vm0 =	vlt.u32 v4, $0x61A8;
	v3 =	vnsel vm1, $0x67F8, v3;
	[tilespmem:$0x1A090] =	vst v2  }
0x87: {  	v2 =	vsub.s32 v6, v0;
	vm1 =	vlt.u32 v5, $0x61A8;
	v4 =	vnsel vm0, $0x67F8, v4;
	[tilespmem:$0x1A080] =	vst v3  }
.Ltmp1:
0x88: {  	vm0 =	vlt.u32 v2, $0x61A8;
	v3 =	vnsel vm1, $0x67F8, v5;
	[tilespmem:$0x1A070] =	vst v4;
	(pc) =	sbr.rel @p0 .LBB2_4-.Ltmp1, $4  }
0x89: {  	v2 =	vnsel vm0, $0x67F8, v2;
	[tilespmem:$0x1A060] =	vst v3  }
0x8a: {  	[tilespmem:$0x1A050] =	vst v2  }
0x8b: {  	_ =	swait.ge [sflag:s30], $0x1400  }
0x8c: {  	[sflag:s30] =	ssyncset.done $0x0  }
0x8d: {  	[sflag:s30] =	ssyncadd.s32 $0xFFFFEC00  }
0x8e: {  	[spmem:s2] =	stream.indirect.scatter.add.f32 [tilespmem:s29], [sflag:$0x2], $0x40, s0, s31, $0xb8;
	[tilespmem:$0x1CEA0] =	vst v63  }
0x8f: {  	_ =	swait.ge [sflag:s26], $0x1400  }
0x90: {  	[sflag:s26] =	ssyncset.done $0x0  }
0x91: {  	[sflag:s26] =	ssyncadd.s32 $0xFFFFEC00  }
0x92: {  	[bflag:$0x0] =	sbarrier.arrive $0xFFFF  }
0x93: {  	[tilespmem:s25], [sflag:$0x2] =	stream.linear.gather [spmem:s23], $0x1A00, $0x38;
	[tilespmem:$0x1CEA0] =	vst v63  }
0x94: {  	_ =	swait.ge [sflag:s26], $0x1A00  }
0x95: {  	[sflag:s26] =	ssyncset.done $0x0  }
0x96: {  	s4 =	sadd.s32 $0x0, s24;
	[sflag:s26] =	ssyncadd.s32 $0xFFFFE600  }
0x97: {  	[hbm4b:s4+s3] =	stream.linear.scatter [tilespmem:s25], [sflag:$0x2], $0x1A00, $0x38;
	[tilespmem:$0x1CEA0] =	vst v63  }
0x98: {  	_ =	swait.ge [sflag:s26], $0x1A00  }
0x99: {  	s21 =	smov.u32 s23;
	s4 =	simm.s32 $0x340;
	[sflag:s26] =	ssyncset.done $0x0  }
.LBB2_6:
0x9a: {  	p0 =	sne.s32 s4, $0x30C0;
	[sflag:s26] =	ssyncadd.s32 $0xFFFFE600;
	s21 =	sadd.s32 $0x1A00, s21  }
0x9b: {  	[tilespmem:s25], [sflag:$0x2] =	stream.linear.gather [spmem:s21], $0x1A00, $0x38;
	[tilespmem:$0x1CEA0] =	vst v63  }
0x9c: {  	s7 =	smov.u32 s4;
	s4 =	sadd.s32 $0x340, s4;
	_ =	swait.ge [sflag:s26], $0x1A00  }
.Ltmp2:
0x9d: {  	[sflag:s26] =	ssyncset.done $0x0;
	(pc) =	sbr.rel @p0 .LBB2_6-.Ltmp2, $4  }
0x9e: {  	s7 =	sadd.s32 s7, s24;
	[sflag:s26] =	ssyncadd.s32 $0xFFFFE600  }
0x9f: {  	[hbm4b:s7+s3] =	stream.linear.scatter [tilespmem:s25], [sflag:$0x2], $0x1A00, $0x38;
	[tilespmem:$0x1CEA0] =	vst v63  }
0xa0: {  	_ =	swait.ge [sflag:s26], $0x1A00  }
0xa1: {  	[sflag:s26] =	ssyncset.done $0x0  }
0xa2: {  	s1 =	sadd.s32 $0x1, s1;
	s4 =	rddreg [dreg:$0x3]  }
0xa3: {  	p0 =	sne.s32 s1, s4  }
.Ltmp3:
0xa4: {  	_ = 	snop;
	(pc) =	sbr.rel @p0 .LBB2_1-.Ltmp3, $2  }
0xa5: {  	_ =	sdelay $0x2  }
0xa6: {  	[sflag:s26] =	ssyncadd.s32 $0xFFFFE600  }
0xa7: {  	_ =	sfence.sel $0x180000  }
0xa8: {  	[bflag:$0x0] =	sbarrier.arrive $0xFFFF  }
0xa9: {  	_ =	strace $0x9000004A  }
0xaa: {  	s0 =	stileid.u32;
	[bflag:$0x2] =	sbarrier.arrive $0xFFFF  }
0xab: {  	p0 =	sne.s32 s0, $0x0;
	s0 =	rddreg [dreg:$0x2]  }
0xac: {  	s0 =	sadd.s32 @!p0 $0x100000, s0  }
0xad: {  	[sflag:s0] =	ssyncadd.tile.s32 @!p0 $0x1;
	_ =	shalt  }
.Lfunc_end2:
_tile_overlayer_lowered:
.L_overlay_start_2:
0xae: {  	(tag) =	ssettag $0x2  }
0xaf: {  	s0 =	rddreg [dreg:$0x0];
	s2 =	stileid.u32  }
0xb0: {  	s1 =	rddreg [dreg:$0x1];
	p0 =	sne.s32 s2, $0x0  }
0xb1: {  	s3 =	rddreg [dreg:$0x2];
	[bflag:$0x3] =	sbarrier.arrive $0xFFFF;
	s2 =	simm.s32 @!p0 $0x1C02  }
0xb2: {  	[timem:s3], [sflag:s2] =	dma.local @!p0 [hbm:s0], s1  }
0xb3: {  	s0 =	simm.s32 @!p0 $0x2  }
0xb4: {  	_ =	swait.ge @!p0 [sflag:s0], s1  }
0xb5: {  	s1 =	ssub.s32 @!p0 $0x0, s1;
	[sflag:s0] =	ssyncset.done @!p0 $0x0  }
0xb6: {  	[sflag:s0] =	ssyncadd.s32 @!p0 s1  }
0xb7: {  	[bflag:$0x3] =	sbarrier.arrive $0xFFFF  }
0xb8: {  	_ =	shalt  }

// kernel: kernel.19.cloned.1.call-start
scs
__scs_entry_jumppad:
0x0: {  	(pc) =	sbr.rel $0x88, $3  }
0x1: {  	(tag) =	ssettag $0x0;
	lr =	simm.s32 $0x1  }
0x2: {  	[smem:$0x3F91] =	sst lr;
	_ =	strace $0xD0000000  }
0x3: {  	_ = 	snop  }
0x4: {  	_ = 	snop  }
0x5: {  	_ = 	snop  }
0x6: {  	_ = 	snop  }
0x7: {  	_ = 	snop  }
__scs_overlays_trampoline_lowered:
0x8: {  	[smem:$0x3FA0] =	sst s0  }
0x9: {  	[smem:$0x3FA1] =	sst s1  }
0xa: {  	[smem:$0x3FA2] =	sst s2  }
0xb: {  	[smem:$0x3FA3] =	sst s3  }
0xc: {  	[smem:$0x3FA4] =	sst s4  }
0xd: {  	[smem:$0x3FA5] =	sst s5  }
0xe: {  	[smem:$0x3FA6] =	sst s6  }
0xf: {  	[smem:$0x3FA7] =	sst s7  }
0x10: {  	[smem:$0x3FA8] =	sst s8  }
0x11: {  	[smem:$0x3FA9] =	sst s9;
	s0 =	simm.s32 @!p0 $0x0  }
0x12: {  	s1 =	sld [smem:$0x3F8F];
	s0 =	simm.s32 @p0 $0x1  }
0x13: {  	[smem:$0x3FAA] =	sst s0;
	s0 =	simm.s32 @!p1 $0x0  }
0x14: {  	s2 =	sld [smem:$0x3F8E];
	s0 =	simm.s32 @p1 $0x1  }
0x15: {  	[smem:$0x3FAB] =	sst s0;
	s0 =	simm.s32 @!p2 $0x0  }
0x16: {  	s3 =	sld [smem:$0x3FDB];
	s0 =	simm.s32 @p2 $0x1  }
0x17: {  	s4 =	simm.s32 $0x1BF5;
	[smem:$0x3FAD] =	sst s0  }
0x18: {  	s0 =	sld [smem:$0x3F90];
	_ =	swait.ge [sflag:s4], $0x0  }
0x19: {  	s7 =	sld [smem:$0x3F91]  }
0x1a: {  	s8 =	sadd.s32 $0xFFFFE003, lr  }
0x1b: {  	s9 =	sadd.s32 $0xFFFFFEF7, lr;
	s5 =	simm.s32 $0xFFFFFFFF;
	p2 =	slt.u32 s8, $0xFFFFF086  }
0x1c: {  	p1 =	slt.u32 s9, $0xF7A;
	s5 =	simm.s32 @!p2 $0x0  }
0x1d: {  	s5 =	simm.s32 @p1 $0x1;
	p0 =	seq.s32 s7, s2  }
0x1e: {  	s7 =	smul.u32 @!p0 $0xF7A, s2;
	p2 =	seq.s32 @!p0 s5, $0x0  }
0x1f: {  	s9 =	smul.u32 $0xF7A, s1;
	s8 =	simm.s32 @!p0 $0x1BF5;
	p2 =	por !p2, p0  }
0x20: {  	[sflag:s8] =	ssyncset.s32 @!p0 $0xFFFFF086;
	s6 =	sadd.s32 @!p0 s3, s7;
	s7 =	simm.s32 @!p0 $0x108  }
0x21: {  	s3 =	sadd.s32 s3, s9;
	s6 =	sadd.s32 @!p0 $0x88, s6;
	s7 =	simm.s32 @p2 $0x1082  }
0x22: {  	[simem:s7], [sflag:s8] =	dma.local @!p0 [hbm:s6], $0xF7A  }
0x23: {  	s9 =	sor.u32 $0xD0000000, s2;
	s6 =	simm.s32 $0x108;
	_ =	swait.ge @!p0 [sflag:s8], $0x0  }
0x24: {  	s3 =	sadd.s32 $0x88, s3;
	s6 =	simm.s32 @!p1 $0x1082;
	[sflag:s4] =	ssyncset.s32 $0xFFFFF086  }
0x25: {  	[simem:s6], [sflag:s4] =	dma.local [hbm:s3], $0xF7A  }
0x26: {  	[smem:$0x3F91] =	sst s1;
	(tag) =	ssettag s2;
	_ =	strace s9  }
0x27: {  	s1 =	sld [smem:$0x3FA1]  }
0x28: {  	s2 =	sld [smem:$0x3FA2]  }
0x29: {  	s4 =	sld [smem:$0x3FA4]  }
0x2a: {  	p0 =	seq.s32 s5, $0x0;
	s5 =	sld [smem:$0x3FA5]  }
0x2b: {  	s6 =	sld [smem:$0x3FA6]  }
0x2c: {  	s7 =	sld [smem:$0x3FA7]  }
0x2d: {  	s3 =	simm.s32 $0x108;
	s8 =	sld [smem:$0x3FA8]  }
0x2e: {  	s3 =	simm.s32 @!p0 $0x1082;
	s9 =	sld [smem:$0x3FA9]  }
0x2f: {  	lr =	sadd.s32 s0, s3;
	s0 =	sld [smem:$0x3FA0]  }
0x30: {  	s3 =	sld [smem:$0x3FA3]  }
0x31: {  	[smem:$0x3FAC] =	sst s10  }
0x32: {  	s10 =	sld [smem:$0x3FAA];
	_ =	sdelay $0x3  }
0x33: {  	p0 =	seq.s32 s10, $0x1;
	s10 =	sld [smem:$0x3FAC];
	_ =	sdelay $0x3  }
0x34: {  	[smem:$0x3FAC] =	sst s10  }
0x35: {  	s10 =	sld [smem:$0x3FAB];
	_ =	sdelay $0x3  }
0x36: {  	p1 =	seq.s32 s10, $0x1;
	s10 =	sld [smem:$0x3FAC];
	_ =	sdelay $0x3  }
0x37: {  	[smem:$0x3FAC] =	sst s10  }
0x38: {  	s10 =	sld [smem:$0x3FAD]  }
0x39: {  	_ = 	snop;
	(pc) =	sbr.ind lr, $3  }
0x3a: {  	_ = 	snop  }
0x3b: {  	_ = 	snop  }
0x3c: {  	p2 =	seq.s32 s10, $0x1;
	s10 =	sld [smem:$0x3FAC]  }
0x3d: {  	_ =	shalt  }
0x3e: {  	_ =	shalt  }
0x3f: {  	_ =	shalt  }
0x40: {  	_ =	shalt  }
0x41: {  	_ =	shalt  }
0x42: {  	_ =	shalt  }
0x43: {  	_ =	shalt  }
0x44: {  	_ =	shalt  }
0x45: {  	_ =	shalt  }
0x46: {  	_ =	shalt  }
0x47: {  	_ =	shalt  }
0x48: {  	_ =	shalt  }
0x49: {  	_ =	shalt  }
0x4a: {  	_ =	shalt  }
0x4b: {  	_ =	shalt  }
0x4c: {  	_ =	shalt  }
0x4d: {  	_ =	shalt  }
0x4e: {  	_ =	shalt  }
0x4f: {  	_ =	shalt  }
0x50: {  	_ =	shalt  }
0x51: {  	_ =	shalt  }
0x52: {  	_ =	shalt  }
0x53: {  	_ =	shalt  }
0x54: {  	_ =	shalt  }
0x55: {  	_ =	shalt  }
0x56: {  	_ =	shalt  }
0x57: {  	_ =	shalt  }
0x58: {  	_ =	shalt  }
0x59: {  	_ =	shalt  }
0x5a: {  	_ =	shalt  }
0x5b: {  	_ =	shalt  }
0x5c: {  	_ =	shalt  }
0x5d: {  	_ =	shalt  }
0x5e: {  	_ =	shalt  }
0x5f: {  	_ =	shalt  }
0x60: {  	_ =	shalt  }
0x61: {  	_ =	shalt  }
0x62: {  	_ =	shalt  }
0x63: {  	_ =	shalt  }
0x64: {  	_ =	shalt  }
0x65: {  	_ =	shalt  }
0x66: {  	_ =	shalt  }
0x67: {  	_ =	shalt  }
0x68: {  	_ =	shalt  }
0x69: {  	_ =	shalt  }
0x6a: {  	_ =	shalt  }
0x6b: {  	_ =	shalt  }
0x6c: {  	_ =	shalt  }
0x6d: {  	_ =	shalt  }
0x6e: {  	_ =	shalt  }
0x6f: {  	_ =	shalt  }
0x70: {  	_ =	shalt  }
0x71: {  	_ =	shalt  }
0x72: {  	_ =	shalt  }
0x73: {  	_ =	shalt  }
0x74: {  	_ =	shalt  }
0x75: {  	_ =	shalt  }
0x76: {  	_ =	shalt  }
0x77: {  	_ =	shalt  }
0x78: {  	_ =	shalt  }
0x79: {  	_ =	shalt  }
0x7a: {  	_ =	shalt  }
0x7b: {  	_ =	shalt  }
0x7c: {  	_ =	shalt  }
0x7d: {  	_ =	shalt  }
0x7e: {  	_ =	shalt  }
0x7f: {  	_ =	shalt  }
0x80: {  	_ =	shalt  }
0x81: {  	_ =	shalt  }
0x82: {  	_ =	shalt  }
0x83: {  	_ =	shalt  }
0x84: {  	_ =	shalt  }
0x85: {  	_ =	shalt  }
0x86: {  	_ =	shalt  }
0x87: {  	_ =	shalt  }
.Lfunc_end0:
.L_simem_size_0:
called_computation.2_lowered:
.L_overlay_start_0:
0x88: {  	s2 =	sld [smem:$0x3FD9]  }
0x89: {  	s3 =	sld [smem:$0x3FFE];
	_ =	sdelay $0x1  }
0x8a: {  	s1 =	srdreg.scid  }
0x8b: {  	s0 =	sand.u32 $0x1, s1  }
0x8c: {  	s16 =	sshll.u32 s0, $0xA;
	s2 =	sadd.s32 s3, s2  }
0x8d: {  	s2 =	sadd.s32 s2, s16  }
0x8e: {  	[smem:$0x3FB8] =	sst s2  }
0x8f: {  	_ = 	snop  }
0x90: {  	(tm) =	ssettm $0x1  }
0x91: {  	s17 =	sld [smem:$0x3FFB];
	_ =	sdelay $0x3  }
0x92: {  	_ =	strace s17  }
0x93: {  	s2 =	sld [smem:$0x3FFC];
	_ =	sdelay $0x3  }
0x94: {  	_ =	strace s2  }
0x95: {  	s2 =	sld [smem:$0x3FFD];
	_ =	sdelay $0x3  }
0x96: {  	_ =	strace s2  }
0x97: {  	_ =	strace $0x8FFFFFFF  }
0x98: {  	s18 =	sld [smem:$0x3FDB];
	_ =	sdelay $0x1  }
0x99: {  	s19 =	simm.s32 $_scs_section_size  }
0x9a: {  	s4 =	simm.s32 $_size__tile_overlayer_lowered;
	s5 =	simm.s32 $_tile_overlayer_lowered  }
0x9b: {  	s22 =	simm.s32 $0x1BFF;
	s21 =	sshll.u32 s5, $0x1;
	s2 =	sadd.s32 s19, s18  }
0x9c: {  	s6 =	simm.s32 $0x0;
	s20 =	sshll.u32 s4, $0x1;
	s4 =	sadd.s32 s21, s2  }
0x9d: {  	[timem:s6], [sflag:s22] =	dma.local [hbm:s4], s20  }
0x9e: {  	_ =	swait.ge [sflag:s22], s20  }
0x9f: {  	s3 =	ssub.s32 $0x0, s20;
	[sflag:s22] =	ssyncset.done $0x0  }
0xa0: {  	[sflag:s22] =	ssyncadd.s32 s3;
	_ =	sdelay $0x1  }
0xa1: {  	s23 =	simm.s32 $0x1B8B  }
0xa2: {  	_ =	swait.ge [sflag:s23], $0x1  }
0xa3: {  	[sflag:s23] =	ssyncset.done $0x0  }
0xa4: {  	s25 =	simm.s32 $0x1B8E;
	s24 =	sld [smem:$0x3FFE];
	[sflag:s23] =	ssyncadd.s32 $0xFFFFFFFF  }
0xa5: {  	s26 =	simm.s32 $execute0_lowered;
	[smem:$0x3FD2] =	sst s25  }
0xa6: {  	s4 =	sshll.u32 s26, $0x1;
	_ =	strace $0x8000004C;
	[dreg:$0x1] =	wrdreg $0xFFFFFFFF  }
0xa7: {  	s28 =	simm.s32 $_size_execute0_lowered;
	s2 =	sadd.s32 s2, s4;
	[dreg:$0x0] =	wrdreg $0x0  }
0xa8: {  	s4 =	sshll.u32 s28, $0x1;
	[dreg:$0x2] =	wrdreg s2  }
0xa9: {  	[dreg:$0x3] =	wrdreg s4  }
0xaa: {  	[dreg:$0x4] =	wrdreg $0xC0  }
0xab: {  	_ =	task [dreg:s6], $0x5FFFF  }
0xac: {  	[dreg:$0x1] =	wrdreg $0xFFFFFFFF  }
0xad: {  	[dreg:$0x0] =	wrdreg $0x60  }
0xae: {  	[dreg:$0x2] =	wrdreg s24  }
0xaf: {  	[dreg:$0x3] =	wrdreg $0x9  }
0xb0: {  	_ =	task.clear_ibuf [dreg:s6], $0x4FFFF;
	_ =	strace $0x9000004C  }
0xb1: {  	s29 =	simm.s32 $0x9;
	_ =	strace $0x8000004E  }
0xb2: {  	_ =	swait.ge [sflag:s29], $0x1  }
0xb3: {  	[sflag:s29] =	ssyncadd.s32 $0xFFFFFFFF  }
0xb4: {  	_ =	strace $0x9000004E  }
0xb5: {  	_ =	sfence  }
0xb6: {  	s30 =	sld [smem:$0x0];
	_ =	sdelay $0x2  }
0xb7: {  	s31 =	sshll.u32 s1, $0xD;
	s1 =	sshrl.u32 s1, $0x2  }
0xb8: {  	s3 =	sand.u32 $0x4000, s31;
	s1 =	sadd.s32 s1, s30  }
0xb9: {  	s0 =	sor.u32 s3, s0;
	s1 =	sshll.u32 s1, $0x11  }
0xba: {  	s0 =	sor.u32 s1, s0  }
0xbb: {  	s0 =	sadd.s32 $0x8F2B, s0  }
0xbc: {  	[sflag:s0] =	ssyncadd.remote.s32 $0x1  }
0xbd: {  	_ =	sfence.sel $0xFFFF  }
0xbe: {  	[dreg:$0x0] =	wrdreg $0xFFFFFFFF;
	(pc) =	sbr.abs _section_cstart, $3  }
0xbf: {  	[dreg:$0x1] =	wrdreg $0xFFFFFFFF  }
0xc0: {  	_ =	task.clear_ibuf [dreg:s6], $0x2FFFF;
	_ =	strace $0x9FFFFFFF  }
0xc1: {  	(tm) =	ssettm $0x7FFFFFFF  }
tec
execute0_lowered:
.L_overlay_start_1:
0x0: {  	(tag) =	ssettag $0x1  }
0x1: {  	s7 =	rddreg [dreg:$0x0]  }
0x2: {  	s0 =	rddreg [dreg:$0x1];
	s1 =	simm.s32 $0x0  }
0x3: {  	s2 =	srdreg.scid;
	s12 =	simm.s32 $0x50;
	s13 =	simm.s32 $0xA50  }
0x4: {  	s14 =	simm.s32 $0x1;
	s15 =	simm.s32 $0x2;
	s16 =	simm.s32 $0x0  }
0x5: {  	[smem:$0x7FF] =	sst s1;
	s3 =	sadd.s32 $0x6400, s7;
	s4 =	sadd.s32 $0xC9E00, s7  }
0x6: {  	s8 =	sand.u32 $0x1, s2;
	s5 =	sadd.s32 $0x68000, s7;
	s2 =	stileid.u32  }
0x7: {  	s6 =	sadd.s32 $0x80800, s7;
	s7 =	sadd.s32 $0x49AC00, s7;
	s9 =	ssub.s32 $0x2, s8  }
0x8: {  	_ =	strace $0x8000004D;
	s11 =	sshll.u32 s2, $0x1;
	s10 =	sshrl.u32 s9, $0x1  }
0x9: {  	s8 =	sor.u32 s8, s11;
	s11 =	simm.s32 $0x28;
	s9 =	ssub.s32 s9, s10  }
0xa: {  	s8 =	smul.u32 $0x61A8, s8;
	s10 =	simm.s32 $0x3;
	s9 =	smax.u32 s9, $0x1  }
.LBB2_1:
0xb: {  	s17 =	simm.s32 $0x0  }
.LBB2_2:
0xc: {  	s18 =	smul.u32 $0x28, s17;
	_ =	sdelay $0x1  }
0xd: {  	s18 =	sadd.s32 s8, s18  }
0xe: {  	s19 =	sshrl.u32 s18, $0x3  }
0xf: {  	s21 =	simm.s32 $0x0;
	s20 =	sadd.s32 s5, s19  }
0x10: {  	[tilespmem:s21], [sflag:$0x3] =	stream.linear.gather [hbm4b:s20+s21], $0x28, $0x38;
	[tilespmem:$0x1450] =	vst v63  }
0x11: {  	_ =	swait.ge [sflag:s10], $0x28  }
0x12: {  	[sflag:s10] =	ssyncset.done $0x0  }
0x13: {  	s19 =	sadd.s32 s6, s19;
	[sflag:s10] =	ssyncadd.s32 $0xFFFFFFD8  }
0x14: {  	[tilespmem:s11], [sflag:$0x3] =	stream.linear.gather [hbm4b:s19+s21], $0x28, $0x38;
	[tilespmem:$0x1450] =	vst v63  }
0x15: {  	_ =	swait.ge [sflag:s10], $0x28  }
0x16: {  	[sflag:s10] =	ssyncset.done $0x0  }
0x17: {  	[sflag:s10] =	ssyncadd.s32 $0xFFFFFFD8  }
0x18: {  	[tilespmem:s12], [sflag:$0x1] =	stream.indirect.gather [hbm4b:s3+s11], $0x40, s21, s11, $0xb8;
	[tilespmem:$0x1450] =	vst v63  }
0x19: {  	_ = 	snop  }
0x1a: {  	[tilespmem:s13], [sflag:$0x2] =	stream.indirect.gather [hbm4b:s4+s11], $0x40, s11, s11, $0xb8;
	[tilespmem:$0x1450] =	vst v63  }
0x1b: {  	_ =	swait.ge [sflag:s14], $0xA00  }
0x1c: {  	[sflag:s14] =	ssyncset.done $0x0  }
0x1d: {  	[sflag:s14] =	ssyncadd.s32 $0xFFFFF600  }
0x1e: {  	_ =	swait.ge [sflag:s15], $0xA00  }
0x1f: {  	[sflag:s15] =	ssyncset.done $0x0  }
0x20: {  	s19 =	simm.s32 $0x0;
	[sflag:s15] =	ssyncadd.s32 $0xFFFFF600  }
0x21: {  	v5 =	vld [tilespmem:s19+$0xA50]  }
0x22: {  	v6 =	vld [tilespmem:s19+$0xA60]  }
0x23: {  	v1 =	vld [tilespmem:s19+$0xA70]  }
0x24: {  	v0 =	vld [tilespmem:s19+$0xA80]  }
0x25: {  	v2 =	vld [tilespmem:s19+$0x50]  }
0x26: {  	v4 =	vld [tilespmem:s19+$0x60]  }
0x27: {  	s20 =	simm.s32 $0x100;
	v3 =	vld [tilespmem:s19+$0x70]  }
.LBB2_3:
0x28: {  	s21 =	sshra.s32 s20, $0x2;
	p0 =	sne.s32 s20, $0x2700;
	v7 =	vld [tilespmem:s19+$0x80];
	v8 =	vmov v1  }
0x29: {  	v9 =	vld [tilespmem:s21+$0xA50];
	v10 =	vmov v0  }
0x2a: {  	v11 =	vld [tilespmem:s21+$0xA60];
	v2 =	vadd.f32 v5, v2  }
.Ltmp0:
0x2b: {  	v1 =	vld [tilespmem:s21+$0xA70];
	v4 =	vadd.f32 v6, v4;
	(pc) =	sbr.rel @p0 .LBB2_3-.Ltmp0, $4  }
0x2c: {  	v0 =	vld [tilespmem:s21+$0xA80];
	[tilespmem:s19+$0x50] =	vst v2;
	v3 =	vadd.f32 v8, v3  }
0x2d: {  	v2 =	vld [tilespmem:s21+$0x50];
	[tilespmem:s19+$0x60] =	vst v4;
	v7 =	vadd.f32 v10, v7  }
0x2e: {  	v4 =	vld [tilespmem:s21+$0x60];
	[tilespmem:s19+$0x70] =	vst v3;
	v5 =	vmov v9  }
0x2f: {  	s20 =	sadd.s32 $0x100, s20;
	v3 =	vld [tilespmem:s21+$0x70];
	[tilespmem:s19+$0x80] =	vst v7;
	v6 =	vmov v11;
	s19 =	smov.u32 s21  }
0x30: {  	v7 =	vld [tilespmem:s19+$0x80];
	_ =	sdelay $0x1  }
0x31: {  	v2 =	vadd.f32 v5, v2  }
0x32: {  	v4 =	vadd.f32 v6, v4  }
0x33: {  	[tilespmem:s19+$0x50] =	vst v2;
	v1 =	vadd.f32 v1, v3  }
0x34: {  	s17 =	sadd.s32 $0x1, s17;
	[tilespmem:s19+$0x60] =	vst v4;
	v0 =	vadd.f32 v0, v7  }
0x35: {  	s18 =	sshll.u32 s18, $0x3;
	p0 =	sne.s32 s17, $0x271;
	[tilespmem:s19+$0x70] =	vst v1  }
.Ltmp1:
0x36: {  	s18 =	sadd.s32 s7, s18;
	[tilespmem:s19+$0x80] =	vst v0;
	(pc) =	sbr.rel @p0 .LBB2_2-.Ltmp1, $4  }
0x37: {  	[hbm4b:s18+s1] =	stream.linear.scatter [tilespmem:s12], [sflag:$0x3], $0xA00, $0x38;
	[tilespmem:$0x1450] =	vst v63  }
0x38: {  	_ =	swait.ge [sflag:s10], $0xA00  }
0x39: {  	[sflag:s10] =	ssyncset.done $0x0  }
0x3a: {  	[sflag:s10] =	ssyncadd.s32 $0xFFFFF600  }
0x3b: {  	s16 =	sadd.s32 $0x1, s16  }
0x3c: {  	p0 =	sne.s32 s16, s9  }
.Ltmp2:
0x3d: {  	_ = 	snop;
	(pc) =	sbr.rel @p0 .LBB2_1-.Ltmp2, $1  }
0x3e: {  	_ =	sdelay $0x3  }
0x3f: {  	_ =	sfence.sel $0x180000  }
0x40: {  	[bflag:$0x0] =	sbarrier.arrive $0xFFFF  }
0x41: {  	p0 =	sne.s32 s2, $0x0;
	_ =	strace $0x9000004D  }
0x42: {  	s0 =	sadd.s32 @!p0 $0x100000, s0;
	[bflag:$0x2] =	sbarrier.arrive $0xFFFF  }
0x43: {  	[sflag:s0] =	ssyncadd.tile.s32 @!p0 $0x1;
	_ =	shalt  }
.Lfunc_end2:
_tile_overlayer_lowered:
.L_overlay_start_2:
0x44: {  	(tag) =	ssettag $0x2  }
0x45: {  	s0 =	rddreg [dreg:$0x0];
	s2 =	stileid.u32  }
0x46: {  	s1 =	rddreg [dreg:$0x1];
	p0 =	sne.s32 s2, $0x0  }
0x47: {  	s3 =	rddreg [dreg:$0x2];
	[bflag:$0x3] =	sbarrier.arrive $0xFFFF;
	s2 =	simm.s32 @!p0 $0x1C03  }
0x48: {  	[timem:s3], [sflag:s2] =	dma.local @!p0 [hbm:s0], s1  }
0x49: {  	s0 =	simm.s32 @!p0 $0x3  }
0x4a: {  	_ =	swait.ge @!p0 [sflag:s0], s1  }
0x4b: {  	s1 =	ssub.s32 @!p0 $0x0, s1;
	[sflag:s0] =	ssyncset.done @!p0 $0x0  }
0x4c: {  	[sflag:s0] =	ssyncadd.s32 @!p0 s1  }
0x4d: {  	[bflag:$0x3] =	sbarrier.arrive $0xFFFF  }
0x4e: {  	_ =	shalt  }

// kernel: kernel.22.cloned.1.call-start
scs
__scs_entry_jumppad:
0x0: {  	(pc) =	sbr.rel $0x88, $3  }
0x1: {  	(tag) =	ssettag $0x0;
	lr =	simm.s32 $0x1  }
0x2: {  	[smem:$0x3F91] =	sst lr;
	_ =	strace $0xD0000000  }
0x3: {  	_ = 	snop  }
0x4: {  	_ = 	snop  }
0x5: {  	_ = 	snop  }
0x6: {  	_ = 	snop  }
0x7: {  	_ = 	snop  }
__scs_overlays_trampoline_lowered:
0x8: {  	[smem:$0x3FA0] =	sst s0  }
0x9: {  	[smem:$0x3FA1] =	sst s1  }
0xa: {  	[smem:$0x3FA2] =	sst s2  }
0xb: {  	[smem:$0x3FA3] =	sst s3  }
0xc: {  	[smem:$0x3FA4] =	sst s4  }
0xd: {  	[smem:$0x3FA5] =	sst s5  }
0xe: {  	[smem:$0x3FA6] =	sst s6  }
0xf: {  	[smem:$0x3FA7] =	sst s7  }
0x10: {  	[smem:$0x3FA8] =	sst s8  }
0x11: {  	[smem:$0x3FA9] =	sst s9;
	s0 =	simm.s32 @!p0 $0x0  }
0x12: {  	s1 =	sld [smem:$0x3F8F];
	s0 =	simm.s32 @p0 $0x1  }
0x13: {  	[smem:$0x3FAA] =	sst s0;
	s0 =	simm.s32 @!p1 $0x0  }
0x14: {  	s2 =	sld [smem:$0x3F8E];
	s0 =	simm.s32 @p1 $0x1  }
0x15: {  	[smem:$0x3FAB] =	sst s0;
	s0 =	simm.s32 @!p2 $0x0  }
0x16: {  	s3 =	sld [smem:$0x3FDB];
	s0 =	simm.s32 @p2 $0x1  }
0x17: {  	s4 =	simm.s32 $0x1BF5;
	[smem:$0x3FAD] =	sst s0  }
0x18: {  	s0 =	sld [smem:$0x3F90];
	_ =	swait.ge [sflag:s4], $0x0  }
0x19: {  	s7 =	sld [smem:$0x3F91]  }
0x1a: {  	s8 =	sadd.s32 $0xFFFFE003, lr  }
0x1b: {  	s9 =	sadd.s32 $0xFFFFFEF7, lr;
	s5 =	simm.s32 $0xFFFFFFFF;
	p2 =	slt.u32 s8, $0xFFFFF086  }
0x1c: {  	p1 =	slt.u32 s9, $0xF7A;
	s5 =	simm.s32 @!p2 $0x0  }
0x1d: {  	s5 =	simm.s32 @p1 $0x1;
	p0 =	seq.s32 s7, s2  }
0x1e: {  	s7 =	smul.u32 @!p0 $0xF7A, s2;
	p2 =	seq.s32 @!p0 s5, $0x0  }
0x1f: {  	s9 =	smul.u32 $0xF7A, s1;
	s8 =	simm.s32 @!p0 $0x1BF5;
	p2 =	por !p2, p0  }
0x20: {  	[sflag:s8] =	ssyncset.s32 @!p0 $0xFFFFF086;
	s6 =	sadd.s32 @!p0 s3, s7;
	s7 =	simm.s32 @!p0 $0x108  }
0x21: {  	s3 =	sadd.s32 s3, s9;
	s6 =	sadd.s32 @!p0 $0x88, s6;
	s7 =	simm.s32 @p2 $0x1082  }
0x22: {  	[simem:s7], [sflag:s8] =	dma.local @!p0 [hbm:s6], $0xF7A  }
0x23: {  	s9 =	sor.u32 $0xD0000000, s2;
	s6 =	simm.s32 $0x108;
	_ =	swait.ge @!p0 [sflag:s8], $0x0  }
0x24: {  	s3 =	sadd.s32 $0x88, s3;
	s6 =	simm.s32 @!p1 $0x1082;
	[sflag:s4] =	ssyncset.s32 $0xFFFFF086  }
0x25: {  	[simem:s6], [sflag:s4] =	dma.local [hbm:s3], $0xF7A  }
0x26: {  	[smem:$0x3F91] =	sst s1;
	(tag) =	ssettag s2;
	_ =	strace s9  }
0x27: {  	s1 =	sld [smem:$0x3FA1]  }
0x28: {  	s2 =	sld [smem:$0x3FA2]  }
0x29: {  	s4 =	sld [smem:$0x3FA4]  }
0x2a: {  	p0 =	seq.s32 s5, $0x0;
	s5 =	sld [smem:$0x3FA5]  }
0x2b: {  	s6 =	sld [smem:$0x3FA6]  }
0x2c: {  	s7 =	sld [smem:$0x3FA7]  }
0x2d: {  	s3 =	simm.s32 $0x108;
	s8 =	sld [smem:$0x3FA8]  }
0x2e: {  	s3 =	simm.s32 @!p0 $0x1082;
	s9 =	sld [smem:$0x3FA9]  }
0x2f: {  	lr =	sadd.s32 s0, s3;
	s0 =	sld [smem:$0x3FA0]  }
0x30: {  	s3 =	sld [smem:$0x3FA3]  }
0x31: {  	[smem:$0x3FAC] =	sst s10  }
0x32: {  	s10 =	sld [smem:$0x3FAA];
	_ =	sdelay $0x3  }
0x33: {  	p0 =	seq.s32 s10, $0x1;
	s10 =	sld [smem:$0x3FAC];
	_ =	sdelay $0x3  }
0x34: {  	[smem:$0x3FAC] =	sst s10  }
0x35: {  	s10 =	sld [smem:$0x3FAB];
	_ =	sdelay $0x3  }
0x36: {  	p1 =	seq.s32 s10, $0x1;
	s10 =	sld [smem:$0x3FAC];
	_ =	sdelay $0x3  }
0x37: {  	[smem:$0x3FAC] =	sst s10  }
0x38: {  	s10 =	sld [smem:$0x3FAD]  }
0x39: {  	_ = 	snop;
	(pc) =	sbr.ind lr, $3  }
0x3a: {  	_ = 	snop  }
0x3b: {  	_ = 	snop  }
0x3c: {  	p2 =	seq.s32 s10, $0x1;
	s10 =	sld [smem:$0x3FAC]  }
0x3d: {  	_ =	shalt  }
0x3e: {  	_ =	shalt  }
0x3f: {  	_ =	shalt  }
0x40: {  	_ =	shalt  }
0x41: {  	_ =	shalt  }
0x42: {  	_ =	shalt  }
0x43: {  	_ =	shalt  }
0x44: {  	_ =	shalt  }
0x45: {  	_ =	shalt  }
0x46: {  	_ =	shalt  }
0x47: {  	_ =	shalt  }
0x48: {  	_ =	shalt  }
0x49: {  	_ =	shalt  }
0x4a: {  	_ =	shalt  }
0x4b: {  	_ =	shalt  }
0x4c: {  	_ =	shalt  }
0x4d: {  	_ =	shalt  }
0x4e: {  	_ =	shalt  }
0x4f: {  	_ =	shalt  }
0x50: {  	_ =	shalt  }
0x51: {  	_ =	shalt  }
0x52: {  	_ =	shalt  }
0x53: {  	_ =	shalt  }
0x54: {  	_ =	shalt  }
0x55: {  	_ =	shalt  }
0x56: {  	_ =	shalt  }
0x57: {  	_ =	shalt  }
0x58: {  	_ =	shalt  }
0x59: {  	_ =	shalt  }
0x5a: {  	_ =	shalt  }
0x5b: {  	_ =	shalt  }
0x5c: {  	_ =	shalt  }
0x5d: {  	_ =	shalt  }
0x5e: {  	_ =	shalt  }
0x5f: {  	_ =	shalt  }
0x60: {  	_ =	shalt  }
0x61: {  	_ =	shalt  }
0x62: {  	_ =	shalt  }
0x63: {  	_ =	shalt  }
0x64: {  	_ =	shalt  }
0x65: {  	_ =	shalt  }
0x66: {  	_ =	shalt  }
0x67: {  	_ =	shalt  }
0x68: {  	_ =	shalt  }
0x69: {  	_ =	shalt  }
0x6a: {  	_ =	shalt  }
0x6b: {  	_ =	shalt  }
0x6c: {  	_ =	shalt  }
0x6d: {  	_ =	shalt  }
0x6e: {  	_ =	shalt  }
0x6f: {  	_ =	shalt  }
0x70: {  	_ =	shalt  }
0x71: {  	_ =	shalt  }
0x72: {  	_ =	shalt  }
0x73: {  	_ =	shalt  }
0x74: {  	_ =	shalt  }
0x75: {  	_ =	shalt  }
0x76: {  	_ =	shalt  }
0x77: {  	_ =	shalt  }
0x78: {  	_ =	shalt  }
0x79: {  	_ =	shalt  }
0x7a: {  	_ =	shalt  }
0x7b: {  	_ =	shalt  }
0x7c: {  	_ =	shalt  }
0x7d: {  	_ =	shalt  }
0x7e: {  	_ =	shalt  }
0x7f: {  	_ =	shalt  }
0x80: {  	_ =	shalt  }
0x81: {  	_ =	shalt  }
0x82: {  	_ =	shalt  }
0x83: {  	_ =	shalt  }
0x84: {  	_ =	shalt  }
0x85: {  	_ =	shalt  }
0x86: {  	_ =	shalt  }
0x87: {  	_ =	shalt  }
.Lfunc_end0:
.L_simem_size_0:
called_computation.3_lowered:
.L_overlay_start_0:
0x88: {  	s2 =	sld [smem:$0x3FD9]  }
0x89: {  	s3 =	sld [smem:$0x3FFE];
	_ =	sdelay $0x1  }
0x8a: {  	s1 =	srdreg.scid  }
0x8b: {  	s0 =	sand.u32 $0x1, s1  }
0x8c: {  	s16 =	sshll.u32 s0, $0xA;
	s2 =	sadd.s32 s3, s2  }
0x8d: {  	s2 =	sadd.s32 s2, s16  }
0x8e: {  	[smem:$0x3FB8] =	sst s2  }
0x8f: {  	_ = 	snop  }
0x90: {  	(tm) =	ssettm $0x1  }
0x91: {  	s17 =	sld [smem:$0x3FFB];
	_ =	sdelay $0x3  }
0x92: {  	_ =	strace s17  }
0x93: {  	s2 =	sld [smem:$0x3FFC];
	_ =	sdelay $0x3  }
0x94: {  	_ =	strace s2  }
0x95: {  	s2 =	sld [smem:$0x3FFD];
	_ =	sdelay $0x3  }
0x96: {  	_ =	strace s2  }
0x97: {  	_ =	strace $0x8FFFFFFF  }
0x98: {  	s18 =	sld [smem:$0x3FDB];
	_ =	sdelay $0x1  }
0x99: {  	s19 =	simm.s32 $_scs_section_size  }
0x9a: {  	s4 =	simm.s32 $_size__tile_overlayer_lowered;
	s5 =	simm.s32 $_tile_overlayer_lowered  }
0x9b: {  	s22 =	simm.s32 $0x1BFF;
	s21 =	sshll.u32 s5, $0x1;
	s2 =	sadd.s32 s19, s18  }
0x9c: {  	s6 =	simm.s32 $0x0;
	s20 =	sshll.u32 s4, $0x1;
	s4 =	sadd.s32 s21, s2  }
0x9d: {  	[timem:s6], [sflag:s22] =	dma.local [hbm:s4], s20  }
0x9e: {  	_ =	swait.ge [sflag:s22], s20  }
0x9f: {  	s3 =	ssub.s32 $0x0, s20;
	[sflag:s22] =	ssyncset.done $0x0  }
0xa0: {  	[sflag:s22] =	ssyncadd.s32 s3;
	_ =	sdelay $0x1  }
0xa1: {  	s23 =	simm.s32 $0x1B8B  }
0xa2: {  	_ =	swait.ge [sflag:s23], $0x1  }
0xa3: {  	[sflag:s23] =	ssyncset.done $0x0  }
0xa4: {  	s25 =	simm.s32 $0x1B8E;
	s24 =	sld [smem:$0x3FFE];
	[sflag:s23] =	ssyncadd.s32 $0xFFFFFFFF  }
0xa5: {  	s26 =	simm.s32 $execute0_lowered;
	[smem:$0x3FD2] =	sst s25  }
0xa6: {  	s4 =	sshll.u32 s26, $0x1;
	_ =	strace $0x8000004F;
	[dreg:$0x1] =	wrdreg $0xFFFFFFFF  }
0xa7: {  	s28 =	simm.s32 $_size_execute0_lowered;
	s2 =	sadd.s32 s2, s4;
	[dreg:$0x0] =	wrdreg $0x0  }
0xa8: {  	s4 =	sshll.u32 s28, $0x1;
	[dreg:$0x2] =	wrdreg s2  }
0xa9: {  	[dreg:$0x3] =	wrdreg s4  }
0xaa: {  	[dreg:$0x4] =	wrdreg $0xC0  }
0xab: {  	_ =	task [dreg:s6], $0x5FFFF  }
0xac: {  	[dreg:$0x1] =	wrdreg $0xFFFFFFFF  }
0xad: {  	[dreg:$0x0] =	wrdreg $0x60  }
0xae: {  	[dreg:$0x2] =	wrdreg s24  }
0xaf: {  	[dreg:$0x3] =	wrdreg $0x0  }
0xb0: {  	[dreg:$0x4] =	wrdreg $0x9  }
0xb1: {  	_ =	task.clear_ibuf [dreg:s6], $0x5FFFF;
	_ =	strace $0x9000004F  }
0xb2: {  	s29 =	simm.s32 $0x9;
	_ =	strace $0x80000051  }
0xb3: {  	_ =	swait.ge [sflag:s29], $0x1  }
0xb4: {  	[sflag:s29] =	ssyncadd.s32 $0xFFFFFFFF  }
0xb5: {  	_ =	strace $0x90000051  }
0xb6: {  	_ =	sfence  }
0xb7: {  	s30 =	sld [smem:$0x0];
	_ =	sdelay $0x2  }
0xb8: {  	s31 =	sshll.u32 s1, $0xD;
	s1 =	sshrl.u32 s1, $0x2  }
0xb9: {  	s3 =	sand.u32 $0x4000, s31;
	s1 =	sadd.s32 s1, s30  }
0xba: {  	s0 =	sor.u32 s3, s0;
	s1 =	sshll.u32 s1, $0x11  }
0xbb: {  	s0 =	sor.u32 s1, s0  }
0xbc: {  	s0 =	sadd.s32 $0x8F2B, s0  }
0xbd: {  	[sflag:s0] =	ssyncadd.remote.s32 $0x1  }
0xbe: {  	_ =	sfence.sel $0xFFFF  }
0xbf: {  	[dreg:$0x0] =	wrdreg $0xFFFFFFFF;
	(pc) =	sbr.abs _section_cstart, $3  }
0xc0: {  	[dreg:$0x1] =	wrdreg $0xFFFFFFFF  }
0xc1: {  	_ =	task.clear_ibuf [dreg:s6], $0x2FFFF;
	_ =	strace $0x9FFFFFFF  }
0xc2: {  	(tm) =	ssettm $0x7FFFFFFF  }
0xc3: {  	_ =	shalt  }
tec
execute0_lowered:
.L_overlay_start_1:
0x0: {  	(tag) =	ssettag $0x1  }
0x1: {  	s0 =	rddreg [dreg:$0x0]  }
0x2: {  	s2 =	rddreg [dreg:$0x1];
	s8 =	stileid.u32  }
0x3: {  	s3 =	simm.s32 $0x0;
	s4 =	srdreg.scid;
	s1 =	smul.u32 $0x61A80, s8  }
0x4: {  	s28 =	simm.s32 $0x1A000;
	s29 =	simm.s32 $0x1A0A0;
	s5 =	smul.u32 $0x186A, s8  }
0x5: {  	s30 =	simm.s32 $0x1;
	s31 =	simm.s32 $0x50;
	s7 =	smul.u32 $0x68000, s8  }
0x6: {  	[smem:$0x7FF] =	sst s3;
	s4 =	sand.u32 $0x1, s4;
	s8 =	smul.u32 $0x680, s8  }
0x7: {  	_ =	strace $0x80000050;
	s6 =	smul.u32 $0x30D40, s4;
	s22 =	ssub.s32 $0x2, s4  }
0x8: {  	s4 =	smul.u32 $0x61A8, s4;
	s1 =	sadd.s32 s1, s0;
	s23 =	sshrl.u32 s22, $0x1  }
0x9: {  	s21 =	sadd.s32 s5, s0;
	s24 =	sshrl.u32 s7, $0x2;
	s5 =	ssub.s32 s22, s23  }
0xa: {  	s0 =	sadd.s32 s6, s0;
	s22 =	smin.u32 s8, $0x5B28;
	s5 =	smax.u32 s5, $0x1  }
0xb: {  	s26 =	sshll.u32 s22, $0x3;
	s23 =	sshll.u32 s22, $0x6;
	s22 =	sadd.s32 $0x80800, s21  }
0xc: {  	[dreg:$0x3] =	wrdreg s5;
	s5 =	sadd.s32 s24, s2;
	s0 =	sadd.s32 s26, s0  }
0xd: {  	s23 =	sadd.s32 s23, s2;
	s26 =	simm.s32 $0x2;
	s6 =	sadd.s32 $0x1A00, s5  }
0xe: {  	s25 =	sadd.s32 $0x3400, s5;
	s8 =	sadd.s32 $0x4E00, s5;
	s9 =	sadd.s32 $0x6800, s5  }
0xf: {  	s10 =	sadd.s32 $0x8200, s5;
	s11 =	sadd.s32 $0x9C00, s5;
	s12 =	sadd.s32 $0xB600, s5  }
0x10: {  	s13 =	sadd.s32 $0xD000, s5;
	s14 =	sadd.s32 $0xEA00, s5;
	s15 =	sadd.s32 $0x10400, s5  }
0x11: {  	s16 =	sadd.s32 $0x11E00, s5;
	s17 =	sadd.s32 $0x13800, s5;
	s18 =	sadd.s32 $0x15200, s5  }
0x12: {  	s19 =	sadd.s32 $0x16C00, s5;
	s20 =	sadd.s32 $0x18600, s5;
	[dreg:$0x4] =	wrdreg s6  }
0x13: {  	s24 =	sadd.s32 $0x6400, s0;
	s0 =	simm.s32 $0x1A050;
	[dreg:$0x5] =	wrdreg s25  }
0x14: {  	v1 =	vimm.f32 $0.0e+00;
	v0 =	vmov s4;
	s6 =	sadd.s32 $0x49AC00, s1;
	s25 =	simm.s32 $0x1B4A0;
	s1 =	simm.s32 $0x0  }
.LBB2_1:
0x15: {  	s21 =	simm.s32 $0x100;
	s4 =	simm.s32 $0x0  }
.LBB2_2:
0x16: {  	p0 =	sne.s32 s21, $0x6700;
	[tilespmem:s4+$0x1B4D0] =	vst v1;
	s7 =	smov.u32 s21;
	s21 =	sadd.s32 $0x100, s21  }
.Ltmp0:
0x17: {  	[tilespmem:s4+$0x1B4C0] =	vst v1;
	(pc) =	sbr.rel @p0 .LBB2_2-.Ltmp0, $3  }
0x18: {  	[tilespmem:s4+$0x1B4A0] =	vst v1  }
0x19: {  	[tilespmem:s4+$0x1B4B0] =	vst v1;
	_ =	sdelay $0x1  }
0x1a: {  	s4 =	sshra.s32 s7, $0x2  }
0x1b: {  	[tilespmem:s4+$0x1B4D0] =	vst v1  }
0x1c: {  	[tilespmem:s4+$0x1B4C0] =	vst v1  }
0x1d: {  	[tilespmem:s4+$0x1B4A0] =	vst v1  }
0x1e: {  	[tilespmem:s4+$0x1B4B0] =	vst v1  }
0x1f: {  	[spmem:s5] =	stream.linear.scatter [tilespmem:s25], [sflag:$0x2], $0x1A00, $0x38;
	[tilespmem:$0x1CEA0] =	vst v63  }
0x20: {  	_ =	swait.ge [sflag:s26], $0x1A00  }
0x21: {  	[sflag:s26] =	ssyncset.done $0x0  }
0x22: {  	s21 =	rddreg [dreg:$0x4];
	[sflag:s26] =	ssyncadd.s32 $0xFFFFE600  }
0x23: {  	[spmem:s21] =	stream.linear.scatter [tilespmem:s25], [sflag:$0x2], $0x1A00, $0x38;
	[tilespmem:$0x1CEA0] =	vst v63  }
0x24: {  	_ =	swait.ge [sflag:s26], $0x1A00  }
0x25: {  	[sflag:s26] =	ssyncset.done $0x0  }
0x26: {  	s7 =	rddreg [dreg:$0x5];
	[sflag:s26] =	ssyncadd.s32 $0xFFFFE600  }
0x27: {  	[spmem:s7] =	stream.linear.scatter [tilespmem:s25], [sflag:$0x2], $0x1A00, $0x38;
	[tilespmem:$0x1CEA0] =	vst v63  }
0x28: {  	_ =	swait.ge [sflag:s26], $0x1A00  }
0x29: {  	[sflag:s26] =	ssyncset.done $0x0  }
0x2a: {  	[sflag:s26] =	ssyncadd.s32 $0xFFFFE600  }
0x2b: {  	[spmem:s8] =	stream.linear.scatter [tilespmem:s25], [sflag:$0x2], $0x1A00, $0x38;
	[tilespmem:$0x1CEA0] =	vst v63  }
0x2c: {  	_ =	swait.ge [sflag:s26], $0x1A00  }
0x2d: {  	[sflag:s26] =	ssyncset.done $0x0  }
0x2e: {  	[sflag:s26] =	ssyncadd.s32 $0xFFFFE600  }
0x2f: {  	[spmem:s9] =	stream.linear.scatter [tilespmem:s25], [sflag:$0x2], $0x1A00, $0x38;
	[tilespmem:$0x1CEA0] =	vst v63  }
0x30: {  	_ =	swait.ge [sflag:s26], $0x1A00  }
0x31: {  	[sflag:s26] =	ssyncset.done $0x0  }
0x32: {  	[sflag:s26] =	ssyncadd.s32 $0xFFFFE600  }
0x33: {  	[spmem:s10] =	stream.linear.scatter [tilespmem:s25], [sflag:$0x2], $0x1A00, $0x38;
	[tilespmem:$0x1CEA0] =	vst v63  }
0x34: {  	_ =	swait.ge [sflag:s26], $0x1A00  }
0x35: {  	[sflag:s26] =	ssyncset.done $0x0  }
0x36: {  	[sflag:s26] =	ssyncadd.s32 $0xFFFFE600  }
0x37: {  	[spmem:s11] =	stream.linear.scatter [tilespmem:s25], [sflag:$0x2], $0x1A00, $0x38;
	[tilespmem:$0x1CEA0] =	vst v63  }
0x38: {  	_ =	swait.ge [sflag:s26], $0x1A00  }
0x39: {  	[sflag:s26] =	ssyncset.done $0x0  }
0x3a: {  	[sflag:s26] =	ssyncadd.s32 $0xFFFFE600  }
0x3b: {  	[spmem:s12] =	stream.linear.scatter [tilespmem:s25], [sflag:$0x2], $0x1A00, $0x38;
	[tilespmem:$0x1CEA0] =	vst v63  }
0x3c: {  	_ =	swait.ge [sflag:s26], $0x1A00  }
0x3d: {  	[sflag:s26] =	ssyncset.done $0x0  }
0x3e: {  	[sflag:s26] =	ssyncadd.s32 $0xFFFFE600  }
0x3f: {  	[spmem:s13] =	stream.linear.scatter [tilespmem:s25], [sflag:$0x2], $0x1A00, $0x38;
	[tilespmem:$0x1CEA0] =	vst v63  }
0x40: {  	_ =	swait.ge [sflag:s26], $0x1A00  }
0x41: {  	[sflag:s26] =	ssyncset.done $0x0  }
0x42: {  	[sflag:s26] =	ssyncadd.s32 $0xFFFFE600  }
0x43: {  	[spmem:s14] =	stream.linear.scatter [tilespmem:s25], [sflag:$0x2], $0x1A00, $0x38;
	[tilespmem:$0x1CEA0] =	vst v63  }
0x44: {  	_ =	swait.ge [sflag:s26], $0x1A00  }
0x45: {  	[sflag:s26] =	ssyncset.done $0x0  }
0x46: {  	[sflag:s26] =	ssyncadd.s32 $0xFFFFE600  }
0x47: {  	[spmem:s15] =	stream.linear.scatter [tilespmem:s25], [sflag:$0x2], $0x1A00, $0x38;
	[tilespmem:$0x1CEA0] =	vst v63  }
0x48: {  	_ =	swait.ge [sflag:s26], $0x1A00  }
0x49: {  	[sflag:s26] =	ssyncset.done $0x0  }
0x4a: {  	[sflag:s26] =	ssyncadd.s32 $0xFFFFE600  }
0x4b: {  	[spmem:s16] =	stream.linear.scatter [tilespmem:s25], [sflag:$0x2], $0x1A00, $0x38;
	[tilespmem:$0x1CEA0] =	vst v63  }
0x4c: {  	_ =	swait.ge [sflag:s26], $0x1A00  }
0x4d: {  	[sflag:s26] =	ssyncset.done $0x0  }
0x4e: {  	[sflag:s26] =	ssyncadd.s32 $0xFFFFE600  }
0x4f: {  	[spmem:s17] =	stream.linear.scatter [tilespmem:s25], [sflag:$0x2], $0x1A00, $0x38;
	[tilespmem:$0x1CEA0] =	vst v63  }
0x50: {  	_ =	swait.ge [sflag:s26], $0x1A00  }
0x51: {  	[sflag:s26] =	ssyncset.done $0x0  }
0x52: {  	[sflag:s26] =	ssyncadd.s32 $0xFFFFE600  }
0x53: {  	[spmem:s18] =	stream.linear.scatter [tilespmem:s25], [sflag:$0x2], $0x1A00, $0x38;
	[tilespmem:$0x1CEA0] =	vst v63  }
0x54: {  	_ =	swait.ge [sflag:s26], $0x1A00  }
0x55: {  	[sflag:s26] =	ssyncset.done $0x0  }
0x56: {  	[sflag:s26] =	ssyncadd.s32 $0xFFFFE600  }
0x57: {  	[spmem:s19] =	stream.linear.scatter [tilespmem:s25], [sflag:$0x2], $0x1A00, $0x38;
	[tilespmem:$0x1CEA0] =	vst v63  }
0x58: {  	_ =	swait.ge [sflag:s26], $0x1A00  }
0x59: {  	[sflag:s26] =	ssyncset.done $0x0  }
0x5a: {  	[sflag:s26] =	ssyncadd.s32 $0xFFFFE600  }
0x5b: {  	[spmem:s20] =	stream.linear.scatter [tilespmem:s25], [sflag:$0x2], $0x1A00, $0x38;
	[tilespmem:$0x1CEA0] =	vst v63  }
0x5c: {  	_ =	swait.ge [sflag:s26], $0x1A00  }
0x5d: {  	[sflag:s26] =	ssyncset.done $0x0  }
0x5e: {  	[sflag:s26] =	ssyncadd.s32 $0xFFFFE600  }
0x5f: {  	s21 =	sadd.s32 $0x0, s22;
	[bflag:$0x0] =	sbarrier.arrive $0xFFFF  }
0x60: {  	[tilespmem:s28], [sflag:$0x2] =	stream.linear.gather [hbm4b:s21+s3], $0x50, $0x38;
	[tilespmem:$0x1CEA0] =	vst v63  }
0x61: {  	_ =	swait.ge [sflag:s26], $0x50  }
0x62: {  	[sflag:s26] =	ssyncset.done $0x0  }
0x63: {  	[sflag:s26] =	ssyncadd.s32 $0xFFFFFFB0  }
0x64: {  	[tilespmem:s29], [sflag:$0x1] =	stream.linear.gather [hbm4b:s6+s3], $0x1400, $0x38;
	[tilespmem:$0x1CEA0] =	vst v63  }
0x65: {  	v2 =	vld [tilespmem:$0x1A040]  }
0x66: {  	v3 =	vld [tilespmem:$0x1A030]  }
0x67: {  	v4 =	vld [tilespmem:$0x1A020]  }
0x68: {  	v5 =	vld [tilespmem:$0x1A010]  }
0x69: {  	v6 =	vld [tilespmem:$0x1A000]  }
0x6a: {  	v2 =	vsub.s32 v2, v0  }
0x6b: {  	v3 =	vsub.s32 v3, v0;
	vm0 =	vlt.u32 v2, $0x61A8  }
0x6c: {  	v4 =	vsub.s32 v4, v0;
	vm1 =	vlt.u32 v3, $0x61A8;
	v2 =	vnsel vm0, $0x67F8, v2  }
0x6d: {  	v5 =	vsub.s32 v5, v0;
	vm13 =	vlt.u32 v4, $0x61A8;
	v3 =	vnsel vm1, $0x67F8, v3;
	[tilespmem:$0x1A090] =	vst v2  }
0x6e: {  	vm14 =	vlt.u32 v5, $0x61A8;
	v4 =	vnsel vm13, $0x67F8, v4;
	v2 =	vsub.s32 v6, v0;
	[tilespmem:$0x1A080] =	vst v3  }
0x6f: {  	v3 =	vnsel vm14, $0x67F8, v5;
	[tilespmem:$0x1A070] =	vst v4;
	vm15 =	vlt.u32 v2, $0x61A8  }
0x70: {  	[tilespmem:$0x1A060] =	vst v3;
	v2 =	vnsel vm15, $0x67F8, v2  }
0x71: {  	[tilespmem:$0x1A050] =	vst v2  }
0x72: {  	_ =	swait.ge [sflag:s30], $0x1400  }
0x73: {  	s4 =	simm.s32 $0xA;
	s21 =	smov.u32 s6;
	[sflag:s30] =	ssyncset.done $0x0  }
.LBB2_4:
0x74: {  	p0 =	sne.s32 s4, $0x1860;
	[sflag:s30] =	ssyncadd.s32 $0xFFFFEC00;
	s21 =	sadd.s32 $0x280, s21  }
0x75: {  	[spmem:s2] =	stream.indirect.scatter.add.f32 [tilespmem:s29], [sflag:$0x2], $0x40, s0, s31, $0xb8;
	[tilespmem:$0x1CEA0] =	vst v63  }
0x76: {  	s7 =	smov.u32 s4;
	s4 =	sadd.s32 $0xA, s4;
	_ =	swait.ge [sflag:s26], $0x1400  }
0x77: {  	[sflag:s26] =	ssyncset.done $0x0  }
0x78: {  	s7 =	sadd.s32 s7, s22;
	[sflag:s26] =	ssyncadd.s32 $0xFFFFEC00  }
0x79: {  	[tilespmem:s28], [sflag:$0x2] =	stream.linear.gather [hbm4b:s7+s3], $0x50, $0x38;
	[tilespmem:$0x1CEA0] =	vst v63  }
0x7a: {  	_ =	swait.ge [sflag:s26], $0x50  }
0x7b: {  	[sflag:s26] =	ssyncset.done $0x0  }
0x7c: {  	[sflag:s26] =	ssyncadd.s32 $0xFFFFFFB0  }
0x7d: {  	[tilespmem:s29], [sflag:$0x1] =	stream.linear.gather [hbm4b:s21+s3], $0x1400, $0x38;
	[tilespmem:$0x1CEA0] =	vst v63  }
0x7e: {  	v2 =	vld [tilespmem:$0x1A040]  }
0x7f: {  	v3 =	vld [tilespmem:$0x1A030]  }
0x80: {  	v4 =	vld [tilespmem:$0x1A020]  }
0x81: {  	v5 =	vld [tilespmem:$0x1A010]  }
0x82: {  	v6 =	vld [tilespmem:$0x1A000]  }
0x83: {  	v2 =	vsub.s32 v2, v0  }
0x84: {  	v3 =	vsub.s32 v3, v0;
	vm0 =	vlt.u32 v2, $0x61A8  }
0x85: {  	v4 =	vsub.s32 v4, v0;
	vm1 =	vlt.u32 v3, $0x61A8;
	v2 =	vnsel vm0, $0x67F8, v2  }
0x86: {  	v5 =	vsub.s32 v5, v0;
	vm0 =	vlt.u32 v4, $0x61A8;
	v3 =	vnsel vm1, $0x67F8, v3;
	[tilespmem:$0x1A090] =	vst v2  }
0x87: {  	v2 =	vsub.s32 v6, v0;
	vm1 =	vlt.u32 v5, $0x61A8;
	v4 =	vnsel vm0, $0x67F8, v4;
	[tilespmem:$0x1A080] =	vst v3  }
.Ltmp1:
0x88: {  	vm0 =	vlt.u32 v2, $0x61A8;
	v3 =	vnsel vm1, $0x67F8, v5;
	[tilespmem:$0x1A070] =	vst v4;
	(pc) =	sbr.rel @p0 .LBB2_4-.Ltmp1, $4  }
0x89: {  	v2 =	vnsel vm0, $0x67F8, v2;
	[tilespmem:$0x1A060] =	vst v3  }
0x8a: {  	[tilespmem:$0x1A050] =	vst v2  }
0x8b: {  	_ =	swait.ge [sflag:s30], $0x1400  }
0x8c: {  	[sflag:s30] =	ssyncset.done $0x0  }
0x8d: {  	[sflag:s30] =	ssyncadd.s32 $0xFFFFEC00  }
0x8e: {  	[spmem:s2] =	stream.indirect.scatter.add.f32 [tilespmem:s29], [sflag:$0x2], $0x40, s0, s31, $0xb8;
	[tilespmem:$0x1CEA0] =	vst v63  }
0x8f: {  	_ =	swait.ge [sflag:s26], $0x1400  }
0x90: {  	[sflag:s26] =	ssyncset.done $0x0  }
0x91: {  	[sflag:s26] =	ssyncadd.s32 $0xFFFFEC00  }
0x92: {  	[bflag:$0x0] =	sbarrier.arrive $0xFFFF  }
0x93: {  	[tilespmem:s25], [sflag:$0x2] =	stream.linear.gather [spmem:s23], $0x1A00, $0x38;
	[tilespmem:$0x1CEA0] =	vst v63  }
0x94: {  	_ =	swait.ge [sflag:s26], $0x1A00  }
0x95: {  	[sflag:s26] =	ssyncset.done $0x0  }
0x96: {  	s4 =	sadd.s32 $0x0, s24;
	[sflag:s26] =	ssyncadd.s32 $0xFFFFE600  }
0x97: {  	[hbm4b:s4+s3] =	stream.linear.scatter [tilespmem:s25], [sflag:$0x2], $0x1A00, $0x38;
	[tilespmem:$0x1CEA0] =	vst v63  }
0x98: {  	_ =	swait.ge [sflag:s26], $0x1A00  }
0x99: {  	s21 =	smov.u32 s23;
	s4 =	simm.s32 $0x340;
	[sflag:s26] =	ssyncset.done $0x0  }
.LBB2_6:
0x9a: {  	p0 =	sne.s32 s4, $0x30C0;
	[sflag:s26] =	ssyncadd.s32 $0xFFFFE600;
	s21 =	sadd.s32 $0x1A00, s21  }
0x9b: {  	[tilespmem:s25], [sflag:$0x2] =	stream.linear.gather [spmem:s21], $0x1A00, $0x38;
	[tilespmem:$0x1CEA0] =	vst v63  }
0x9c: {  	s7 =	smov.u32 s4;
	s4 =	sadd.s32 $0x340, s4;
	_ =	swait.ge [sflag:s26], $0x1A00  }
.Ltmp2:
0x9d: {  	[sflag:s26] =	ssyncset.done $0x0;
	(pc) =	sbr.rel @p0 .LBB2_6-.Ltmp2, $4  }
0x9e: {  	s7 =	sadd.s32 s7, s24;
	[sflag:s26] =	ssyncadd.s32 $0xFFFFE600  }
0x9f: {  	[hbm4b:s7+s3] =	stream.linear.scatter [tilespmem:s25], [sflag:$0x2], $0x1A00, $0x38;
	[tilespmem:$0x1CEA0] =	vst v63  }
0xa0: {  	_ =	swait.ge [sflag:s26], $0x1A00  }
0xa1: {  	[sflag:s26] =	ssyncset.done $0x0  }
0xa2: {  	s1 =	sadd.s32 $0x1, s1;
	s4 =	rddreg [dreg:$0x3]  }
0xa3: {  	p0 =	sne.s32 s1, s4  }
.Ltmp3:
0xa4: {  	_ = 	snop;
	(pc) =	sbr.rel @p0 .LBB2_1-.Ltmp3, $2  }
0xa5: {  	_ =	sdelay $0x2  }
0xa6: {  	[sflag:s26] =	ssyncadd.s32 $0xFFFFE600  }
0xa7: {  	_ =	sfence.sel $0x180000  }
0xa8: {  	[bflag:$0x0] =	sbarrier.arrive $0xFFFF  }
0xa9: {  	_ =	strace $0x90000050  }
0xaa: {  	s0 =	stileid.u32;
	[bflag:$0x2] =	sbarrier.arrive $0xFFFF  }
0xab: {  	p0 =	sne.s32 s0, $0x0;
	s0 =	rddreg [dreg:$0x2]  }
0xac: {  	s0 =	sadd.s32 @!p0 $0x100000, s0  }
0xad: {  	[sflag:s0] =	ssyncadd.tile.s32 @!p0 $0x1;
	_ =	shalt  }
.Lfunc_end2:
_tile_overlayer_lowered:
.L_overlay_start_2:
0xae: {  	(tag) =	ssettag $0x2  }
0xaf: {  	s0 =	rddreg [dreg:$0x0];
	s2 =	stileid.u32  }
0xb0: {  	s1 =	rddreg [dreg:$0x1];
	p0 =	sne.s32 s2, $0x0  }
0xb1: {  	s3 =	rddreg [dreg:$0x2];
	[bflag:$0x3] =	sbarrier.arrive $0xFFFF;
	s2 =	simm.s32 @!p0 $0x1C02  }
0xb2: {  	[timem:s3], [sflag:s2] =	dma.local @!p0 [hbm:s0], s1  }
0xb3: {  	s0 =	simm.s32 @!p0 $0x2  }
0xb4: {  	_ =	swait.ge @!p0 [sflag:s0], s1  }
0xb5: {  	s1 =	ssub.s32 @!p0 $0x0, s1;
	[sflag:s0] =	ssyncset.done @!p0 $0x0  }
0xb6: {  	[sflag:s0] =	ssyncadd.s32 @!p0 s1  }
0xb7: {  	[bflag:$0x3] =	sbarrier.arrive $0xFFFF  }
0xb8: {  	_ =	shalt  }

// kernel: kernel.25.cloned.1.call-start
scs
__scs_entry_jumppad:
0x0: {  	(pc) =	sbr.rel $0x88, $3  }
0x1: {  	(tag) =	ssettag $0x0;
	lr =	simm.s32 $0x1  }
0x2: {  	[smem:$0x3F91] =	sst lr;
	_ =	strace $0xD0000000  }
0x3: {  	_ = 	snop  }
0x4: {  	_ = 	snop  }
0x5: {  	_ = 	snop  }
0x6: {  	_ = 	snop  }
0x7: {  	_ = 	snop  }
__scs_overlays_trampoline_lowered:
0x8: {  	[smem:$0x3FA0] =	sst s0  }
0x9: {  	[smem:$0x3FA1] =	sst s1  }
0xa: {  	[smem:$0x3FA2] =	sst s2  }
0xb: {  	[smem:$0x3FA3] =	sst s3  }
0xc: {  	[smem:$0x3FA4] =	sst s4  }
0xd: {  	[smem:$0x3FA5] =	sst s5  }
0xe: {  	[smem:$0x3FA6] =	sst s6  }
0xf: {  	[smem:$0x3FA7] =	sst s7  }
0x10: {  	[smem:$0x3FA8] =	sst s8  }
0x11: {  	[smem:$0x3FA9] =	sst s9;
	s0 =	simm.s32 @!p0 $0x0  }
0x12: {  	s1 =	sld [smem:$0x3F8F];
	s0 =	simm.s32 @p0 $0x1  }
0x13: {  	[smem:$0x3FAA] =	sst s0;
	s0 =	simm.s32 @!p1 $0x0  }
0x14: {  	s2 =	sld [smem:$0x3F8E];
	s0 =	simm.s32 @p1 $0x1  }
0x15: {  	[smem:$0x3FAB] =	sst s0;
	s0 =	simm.s32 @!p2 $0x0  }
0x16: {  	s3 =	sld [smem:$0x3FDB];
	s0 =	simm.s32 @p2 $0x1  }
0x17: {  	s4 =	simm.s32 $0x1BF5;
	[smem:$0x3FAD] =	sst s0  }
0x18: {  	s0 =	sld [smem:$0x3F90];
	_ =	swait.ge [sflag:s4], $0x0  }
0x19: {  	s7 =	sld [smem:$0x3F91]  }
0x1a: {  	s8 =	sadd.s32 $0xFFFFE003, lr  }
0x1b: {  	s9 =	sadd.s32 $0xFFFFFEF7, lr;
	s5 =	simm.s32 $0xFFFFFFFF;
	p2 =	slt.u32 s8, $0xFFFFF086  }
0x1c: {  	p1 =	slt.u32 s9, $0xF7A;
	s5 =	simm.s32 @!p2 $0x0  }
0x1d: {  	s5 =	simm.s32 @p1 $0x1;
	p0 =	seq.s32 s7, s2  }
0x1e: {  	s7 =	smul.u32 @!p0 $0xF7A, s2;
	p2 =	seq.s32 @!p0 s5, $0x0  }
0x1f: {  	s9 =	smul.u32 $0xF7A, s1;
	s8 =	simm.s32 @!p0 $0x1BF5;
	p2 =	por !p2, p0  }
0x20: {  	[sflag:s8] =	ssyncset.s32 @!p0 $0xFFFFF086;
	s6 =	sadd.s32 @!p0 s3, s7;
	s7 =	simm.s32 @!p0 $0x108  }
0x21: {  	s3 =	sadd.s32 s3, s9;
	s6 =	sadd.s32 @!p0 $0x88, s6;
	s7 =	simm.s32 @p2 $0x1082  }
0x22: {  	[simem:s7], [sflag:s8] =	dma.local @!p0 [hbm:s6], $0xF7A  }
0x23: {  	s9 =	sor.u32 $0xD0000000, s2;
	s6 =	simm.s32 $0x108;
	_ =	swait.ge @!p0 [sflag:s8], $0x0  }
0x24: {  	s3 =	sadd.s32 $0x88, s3;
	s6 =	simm.s32 @!p1 $0x1082;
	[sflag:s4] =	ssyncset.s32 $0xFFFFF086  }
0x25: {  	[simem:s6], [sflag:s4] =	dma.local [hbm:s3], $0xF7A  }
0x26: {  	[smem:$0x3F91] =	sst s1;
	(tag) =	ssettag s2;
	_ =	strace s9  }
0x27: {  	s1 =	sld [smem:$0x3FA1]  }
0x28: {  	s2 =	sld [smem:$0x3FA2]  }
0x29: {  	s4 =	sld [smem:$0x3FA4]  }
0x2a: {  	p0 =	seq.s32 s5, $0x0;
	s5 =	sld [smem:$0x3FA5]  }
0x2b: {  	s6 =	sld [smem:$0x3FA6]  }
0x2c: {  	s7 =	sld [smem:$0x3FA7]  }
0x2d: {  	s3 =	simm.s32 $0x108;
	s8 =	sld [smem:$0x3FA8]  }
0x2e: {  	s3 =	simm.s32 @!p0 $0x1082;
	s9 =	sld [smem:$0x3FA9]  }
0x2f: {  	lr =	sadd.s32 s0, s3;
	s0 =	sld [smem:$0x3FA0]  }
0x30: {  	s3 =	sld [smem:$0x3FA3]  }
0x31: {  	[smem:$0x3FAC] =	sst s10  }
0x32: {  	s10 =	sld [smem:$0x3FAA];
	_ =	sdelay $0x3  }
0x33: {  	p0 =	seq.s32 s10, $0x1;
	s10 =	sld [smem:$0x3FAC];
	_ =	sdelay $0x3  }
0x34: {  	[smem:$0x3FAC] =	sst s10  }
0x35: {  	s10 =	sld [smem:$0x3FAB];
	_ =	sdelay $0x3  }
0x36: {  	p1 =	seq.s32 s10, $0x1;
	s10 =	sld [smem:$0x3FAC];
	_ =	sdelay $0x3  }
0x37: {  	[smem:$0x3FAC] =	sst s10  }
0x38: {  	s10 =	sld [smem:$0x3FAD]  }
0x39: {  	_ = 	snop;
	(pc) =	sbr.ind lr, $3  }
0x3a: {  	_ = 	snop  }
0x3b: {  	_ = 	snop  }
0x3c: {  	p2 =	seq.s32 s10, $0x1;
	s10 =	sld [smem:$0x3FAC]  }
0x3d: {  	_ =	shalt  }
0x3e: {  	_ =	shalt  }
0x3f: {  	_ =	shalt  }
0x40: {  	_ =	shalt  }
0x41: {  	_ =	shalt  }
0x42: {  	_ =	shalt  }
0x43: {  	_ =	shalt  }
0x44: {  	_ =	shalt  }
0x45: {  	_ =	shalt  }
0x46: {  	_ =	shalt  }
0x47: {  	_ =	shalt  }
0x48: {  	_ =	shalt  }
0x49: {  	_ =	shalt  }
0x4a: {  	_ =	shalt  }
0x4b: {  	_ =	shalt  }
0x4c: {  	_ =	shalt  }
0x4d: {  	_ =	shalt  }
0x4e: {  	_ =	shalt  }
0x4f: {  	_ =	shalt  }
0x50: {  	_ =	shalt  }
0x51: {  	_ =	shalt  }
0x52: {  	_ =	shalt  }
0x53: {  	_ =	shalt  }
0x54: {  	_ =	shalt  }
0x55: {  	_ =	shalt  }
0x56: {  	_ =	shalt  }
0x57: {  	_ =	shalt  }
0x58: {  	_ =	shalt  }
0x59: {  	_ =	shalt  }
0x5a: {  	_ =	shalt  }
0x5b: {  	_ =	shalt  }
0x5c: {  	_ =	shalt  }
0x5d: {  	_ =	shalt  }
0x5e: {  	_ =	shalt  }
0x5f: {  	_ =	shalt  }
0x60: {  	_ =	shalt  }
0x61: {  	_ =	shalt  }
0x62: {  	_ =	shalt  }
0x63: {  	_ =	shalt  }
0x64: {  	_ =	shalt  }
0x65: {  	_ =	shalt  }
0x66: {  	_ =	shalt  }
0x67: {  	_ =	shalt  }
0x68: {  	_ =	shalt  }
0x69: {  	_ =	shalt  }
0x6a: {  	_ =	shalt  }
0x6b: {  	_ =	shalt  }
0x6c: {  	_ =	shalt  }
0x6d: {  	_ =	shalt  }
0x6e: {  	_ =	shalt  }
0x6f: {  	_ =	shalt  }
0x70: {  	_ =	shalt  }
0x71: {  	_ =	shalt  }
0x72: {  	_ =	shalt  }
0x73: {  	_ =	shalt  }
0x74: {  	_ =	shalt  }
0x75: {  	_ =	shalt  }
0x76: {  	_ =	shalt  }
0x77: {  	_ =	shalt  }
0x78: {  	_ =	shalt  }
0x79: {  	_ =	shalt  }
0x7a: {  	_ =	shalt  }
0x7b: {  	_ =	shalt  }
0x7c: {  	_ =	shalt  }
0x7d: {  	_ =	shalt  }
0x7e: {  	_ =	shalt  }
0x7f: {  	_ =	shalt  }
0x80: {  	_ =	shalt  }
0x81: {  	_ =	shalt  }
0x82: {  	_ =	shalt  }
0x83: {  	_ =	shalt  }
0x84: {  	_ =	shalt  }
0x85: {  	_ =	shalt  }
0x86: {  	_ =	shalt  }
0x87: {  	_ =	shalt  }
.Lfunc_end0:
.L_simem_size_0:
called_computation.4_lowered:
.L_overlay_start_0:
0x88: {  	s2 =	sld [smem:$0x3FD9]  }
0x89: {  	s3 =	sld [smem:$0x3FFE];
	_ =	sdelay $0x1  }
0x8a: {  	s1 =	srdreg.scid  }
0x8b: {  	s0 =	sand.u32 $0x1, s1  }
0x8c: {  	s16 =	sshll.u32 s0, $0xA;
	s2 =	sadd.s32 s3, s2  }
0x8d: {  	s2 =	sadd.s32 s2, s16  }
0x8e: {  	[smem:$0x3FB8] =	sst s2  }
0x8f: {  	_ = 	snop  }
0x90: {  	(tm) =	ssettm $0x1  }
0x91: {  	s17 =	sld [smem:$0x3FFB];
	_ =	sdelay $0x3  }
0x92: {  	_ =	strace s17  }
0x93: {  	s2 =	sld [smem:$0x3FFC];
	_ =	sdelay $0x3  }
0x94: {  	_ =	strace s2  }
0x95: {  	s2 =	sld [smem:$0x3FFD];
	_ =	sdelay $0x3  }
0x96: {  	_ =	strace s2  }
0x97: {  	_ =	strace $0x8FFFFFFF  }
0x98: {  	s18 =	sld [smem:$0x3FDB];
	_ =	sdelay $0x1  }
0x99: {  	s19 =	simm.s32 $_scs_section_size  }
0x9a: {  	s4 =	simm.s32 $_size__tile_overlayer_lowered;
	s5 =	simm.s32 $_tile_overlayer_lowered  }
0x9b: {  	s22 =	simm.s32 $0x1BFF;
	s21 =	sshll.u32 s5, $0x1;
	s2 =	sadd.s32 s19, s18  }
0x9c: {  	s6 =	simm.s32 $0x0;
	s20 =	sshll.u32 s4, $0x1;
	s4 =	sadd.s32 s21, s2  }
0x9d: {  	[timem:s6], [sflag:s22] =	dma.local [hbm:s4], s20  }
0x9e: {  	_ =	swait.ge [sflag:s22], s20  }
0x9f: {  	s3 =	ssub.s32 $0x0, s20;
	[sflag:s22] =	ssyncset.done $0x0  }
0xa0: {  	[sflag:s22] =	ssyncadd.s32 s3;
	_ =	sdelay $0x1  }
0xa1: {  	s23 =	simm.s32 $0x1B8B  }
0xa2: {  	_ =	swait.ge [sflag:s23], $0x1  }
0xa3: {  	[sflag:s23] =	ssyncset.done $0x0  }
0xa4: {  	s25 =	simm.s32 $0x1B8E;
	s24 =	sld [smem:$0x3FFE];
	[sflag:s23] =	ssyncadd.s32 $0xFFFFFFFF  }
0xa5: {  	s26 =	simm.s32 $execute0_lowered;
	[smem:$0x3FD2] =	sst s25  }
0xa6: {  	s4 =	sshll.u32 s26, $0x1;
	_ =	strace $0x80000052;
	[dreg:$0x1] =	wrdreg $0xFFFFFFFF  }
0xa7: {  	s28 =	simm.s32 $_size_execute0_lowered;
	s2 =	sadd.s32 s2, s4;
	[dreg:$0x0] =	wrdreg $0x0  }
0xa8: {  	s4 =	sshll.u32 s28, $0x1;
	[dreg:$0x2] =	wrdreg s2  }
0xa9: {  	[dreg:$0x3] =	wrdreg s4  }
0xaa: {  	[dreg:$0x4] =	wrdreg $0xC0  }
0xab: {  	_ =	task [dreg:s6], $0x5FFFF  }
0xac: {  	[dreg:$0x1] =	wrdreg $0xFFFFFFFF  }
0xad: {  	[dreg:$0x0] =	wrdreg $0x60  }
0xae: {  	[dreg:$0x2] =	wrdreg s24  }
0xaf: {  	[dreg:$0x3] =	wrdreg $0x9  }
0xb0: {  	_ =	task.clear_ibuf [dreg:s6], $0x4FFFF;
	_ =	strace $0x90000052  }
0xb1: {  	s29 =	simm.s32 $0x9;
	_ =	strace $0x80000054  }
0xb2: {  	_ =	swait.ge [sflag:s29], $0x1  }
0xb3: {  	[sflag:s29] =	ssyncadd.s32 $0xFFFFFFFF  }
0xb4: {  	_ =	strace $0x90000054  }
0xb5: {  	_ =	sfence  }
0xb6: {  	s30 =	sld [smem:$0x0];
	_ =	sdelay $0x2  }
0xb7: {  	s31 =	sshll.u32 s1, $0xD;
	s1 =	sshrl.u32 s1, $0x2  }
0xb8: {  	s3 =	sand.u32 $0x4000, s31;
	s1 =	sadd.s32 s1, s30  }
0xb9: {  	s0 =	sor.u32 s3, s0;
	s1 =	sshll.u32 s1, $0x11  }
0xba: {  	s0 =	sor.u32 s1, s0  }
0xbb: {  	s0 =	sadd.s32 $0x8F2B, s0  }
0xbc: {  	[sflag:s0] =	ssyncadd.remote.s32 $0x1  }
0xbd: {  	_ =	sfence.sel $0xFFFF  }
0xbe: {  	[dreg:$0x0] =	wrdreg $0xFFFFFFFF;
	(pc) =	sbr.abs _section_cstart, $3  }
0xbf: {  	[dreg:$0x1] =	wrdreg $0xFFFFFFFF  }
0xc0: {  	_ =	task.clear_ibuf [dreg:s6], $0x2FFFF;
	_ =	strace $0x9FFFFFFF  }
0xc1: {  	(tm) =	ssettm $0x7FFFFFFF  }
tec
execute0_lowered:
.L_overlay_start_1:
0x0: {  	(tag) =	ssettag $0x1  }
0x1: {  	s7 =	rddreg [dreg:$0x0]  }
0x2: {  	s0 =	rddreg [dreg:$0x1];
	s1 =	simm.s32 $0x0  }
0x3: {  	s2 =	srdreg.scid;
	s12 =	simm.s32 $0x50;
	s13 =	simm.s32 $0xA50  }
0x4: {  	s14 =	simm.s32 $0x1;
	s15 =	simm.s32 $0x2;
	s16 =	simm.s32 $0x0  }
0x5: {  	[smem:$0x7FF] =	sst s1;
	s3 =	sadd.s32 $0x5E00, s7;
	s4 =	sadd.s32 $0x9AE00, s7  }
0x6: {  	s8 =	sand.u32 $0x1, s2;
	s5 =	sadd.s32 $0x68000, s7;
	s2 =	stileid.u32  }
0x7: {  	s6 =	sadd.s32 $0x80800, s7;
	s7 =	sadd.s32 $0x3D7600, s7;
	s9 =	ssub.s32 $0x2, s8  }
0x8: {  	_ =	strace $0x80000053;
	s11 =	sshll.u32 s2, $0x1;
	s10 =	sshrl.u32 s9, $0x1  }
0x9: {  	s8 =	sor.u32 s8, s11;
	s11 =	simm.s32 $0x28;
	s9 =	ssub.s32 s9, s10  }
0xa: {  	s8 =	smul.u32 $0x61A8, s8;
	s10 =	simm.s32 $0x3;
	s9 =	smax.u32 s9, $0x1  }
.LBB2_1:
0xb: {  	s17 =	simm.s32 $0x0  }
.LBB2_2:
0xc: {  	s18 =	smul.u32 $0x28, s17;
	_ =	sdelay $0x1  }
0xd: {  	s18 =	sadd.s32 s8, s18  }
0xe: {  	s19 =	sshrl.u32 s18, $0x3  }
0xf: {  	s21 =	simm.s32 $0x0;
	s20 =	sadd.s32 s5, s19  }
0x10: {  	[tilespmem:s21], [sflag:$0x3] =	stream.linear.gather [hbm4b:s20+s21], $0x28, $0x38;
	[tilespmem:$0x1450] =	vst v63  }
0x11: {  	_ =	swait.ge [sflag:s10], $0x28  }
0x12: {  	[sflag:s10] =	ssyncset.done $0x0  }
0x13: {  	s19 =	sadd.s32 s6, s19;
	[sflag:s10] =	ssyncadd.s32 $0xFFFFFFD8  }
0x14: {  	[tilespmem:s11], [sflag:$0x3] =	stream.linear.gather [hbm4b:s19+s21], $0x28, $0x38;
	[tilespmem:$0x1450] =	vst v63  }
0x15: {  	_ =	swait.ge [sflag:s10], $0x28  }
0x16: {  	[sflag:s10] =	ssyncset.done $0x0  }
0x17: {  	[sflag:s10] =	ssyncadd.s32 $0xFFFFFFD8  }
0x18: {  	[tilespmem:s12], [sflag:$0x1] =	stream.indirect.gather [hbm4b:s3+s11], $0x40, s21, s11, $0xb8;
	[tilespmem:$0x1450] =	vst v63  }
0x19: {  	_ = 	snop  }
0x1a: {  	[tilespmem:s13], [sflag:$0x2] =	stream.indirect.gather [hbm4b:s4+s11], $0x40, s11, s11, $0xb8;
	[tilespmem:$0x1450] =	vst v63  }
0x1b: {  	_ =	swait.ge [sflag:s14], $0xA00  }
0x1c: {  	[sflag:s14] =	ssyncset.done $0x0  }
0x1d: {  	[sflag:s14] =	ssyncadd.s32 $0xFFFFF600  }
0x1e: {  	_ =	swait.ge [sflag:s15], $0xA00  }
0x1f: {  	[sflag:s15] =	ssyncset.done $0x0  }
0x20: {  	s19 =	simm.s32 $0x0;
	[sflag:s15] =	ssyncadd.s32 $0xFFFFF600  }
0x21: {  	v5 =	vld [tilespmem:s19+$0xA50]  }
0x22: {  	v6 =	vld [tilespmem:s19+$0xA60]  }
0x23: {  	v1 =	vld [tilespmem:s19+$0xA70]  }
0x24: {  	v0 =	vld [tilespmem:s19+$0xA80]  }
0x25: {  	v2 =	vld [tilespmem:s19+$0x50]  }
0x26: {  	v4 =	vld [tilespmem:s19+$0x60]  }
0x27: {  	s20 =	simm.s32 $0x100;
	v3 =	vld [tilespmem:s19+$0x70]  }
.LBB2_3:
0x28: {  	s21 =	sshra.s32 s20, $0x2;
	p0 =	sne.s32 s20, $0x2700;
	v7 =	vld [tilespmem:s19+$0x80];
	v8 =	vmov v1  }
0x29: {  	v9 =	vld [tilespmem:s21+$0xA50];
	v10 =	vmov v0  }
0x2a: {  	v11 =	vld [tilespmem:s21+$0xA60];
	v2 =	vadd.f32 v5, v2  }
.Ltmp0:
0x2b: {  	v1 =	vld [tilespmem:s21+$0xA70];
	v4 =	vadd.f32 v6, v4;
	(pc) =	sbr.rel @p0 .LBB2_3-.Ltmp0, $4  }
0x2c: {  	v0 =	vld [tilespmem:s21+$0xA80];
	[tilespmem:s19+$0x50] =	vst v2;
	v3 =	vadd.f32 v8, v3  }
0x2d: {  	v2 =	vld [tilespmem:s21+$0x50];
	[tilespmem:s19+$0x60] =	vst v4;
	v7 =	vadd.f32 v10, v7  }
0x2e: {  	v4 =	vld [tilespmem:s21+$0x60];
	[tilespmem:s19+$0x70] =	vst v3;
	v5 =	vmov v9  }
0x2f: {  	s20 =	sadd.s32 $0x100, s20;
	v3 =	vld [tilespmem:s21+$0x70];
	[tilespmem:s19+$0x80] =	vst v7;
	v6 =	vmov v11;
	s19 =	smov.u32 s21  }
0x30: {  	v7 =	vld [tilespmem:s19+$0x80];
	_ =	sdelay $0x1  }
0x31: {  	v2 =	vadd.f32 v5, v2  }
0x32: {  	v4 =	vadd.f32 v6, v4  }
0x33: {  	[tilespmem:s19+$0x50] =	vst v2;
	v1 =	vadd.f32 v1, v3  }
0x34: {  	s17 =	sadd.s32 $0x1, s17;
	[tilespmem:s19+$0x60] =	vst v4;
	v0 =	vadd.f32 v0, v7  }
0x35: {  	s18 =	sshll.u32 s18, $0x3;
	p0 =	sne.s32 s17, $0x271;
	[tilespmem:s19+$0x70] =	vst v1  }
.Ltmp1:
0x36: {  	s18 =	sadd.s32 s7, s18;
	[tilespmem:s19+$0x80] =	vst v0;
	(pc) =	sbr.rel @p0 .LBB2_2-.Ltmp1, $4  }
0x37: {  	[hbm4b:s18+s1] =	stream.linear.scatter [tilespmem:s12], [sflag:$0x3], $0xA00, $0x38;
	[tilespmem:$0x1450] =	vst v63  }
0x38: {  	_ =	swait.ge [sflag:s10], $0xA00  }
0x39: {  	[sflag:s10] =	ssyncset.done $0x0  }
0x3a: {  	[sflag:s10] =	ssyncadd.s32 $0xFFFFF600  }
0x3b: {  	s16 =	sadd.s32 $0x1, s16  }
0x3c: {  	p0 =	sne.s32 s16, s9  }
.Ltmp2:
0x3d: {  	_ = 	snop;
	(pc) =	sbr.rel @p0 .LBB2_1-.Ltmp2, $1  }
0x3e: {  	_ =	sdelay $0x3  }
0x3f: {  	_ =	sfence.sel $0x180000  }
0x40: {  	[bflag:$0x0] =	sbarrier.arrive $0xFFFF  }
0x41: {  	p0 =	sne.s32 s2, $0x0;
	_ =	strace $0x90000053  }
0x42: {  	s0 =	sadd.s32 @!p0 $0x100000, s0;
	[bflag:$0x2] =	sbarrier.arrive $0xFFFF  }
0x43: {  	[sflag:s0] =	ssyncadd.tile.s32 @!p0 $0x1;
	_ =	shalt  }
.Lfunc_end2:
_tile_overlayer_lowered:
.L_overlay_start_2:
0x44: {  	(tag) =	ssettag $0x2  }
0x45: {  	s0 =	rddreg [dreg:$0x0];
	s2 =	stileid.u32  }
0x46: {  	s1 =	rddreg [dreg:$0x1];
	p0 =	sne.s32 s2, $0x0  }
0x47: {  	s3 =	rddreg [dreg:$0x2];
	[bflag:$0x3] =	sbarrier.arrive $0xFFFF;
	s2 =	simm.s32 @!p0 $0x1C03  }
0x48: {  	[timem:s3], [sflag:s2] =	dma.local @!p0 [hbm:s0], s1  }
0x49: {  	s0 =	simm.s32 @!p0 $0x3  }
0x4a: {  	_ =	swait.ge @!p0 [sflag:s0], s1  }
0x4b: {  	s1 =	ssub.s32 @!p0 $0x0, s1;
	[sflag:s0] =	ssyncset.done @!p0 $0x0  }
0x4c: {  	[sflag:s0] =	ssyncadd.s32 @!p0 s1  }
0x4d: {  	[bflag:$0x3] =	sbarrier.arrive $0xFFFF  }
0x4e: {  	_ =	shalt  }

// kernel: kernel.28.cloned.1.call-start
scs
__scs_entry_jumppad:
0x0: {  	(pc) =	sbr.rel $0x88, $3  }
0x1: {  	(tag) =	ssettag $0x0;
	lr =	simm.s32 $0x1  }
0x2: {  	[smem:$0x3F91] =	sst lr;
	_ =	strace $0xD0000000  }
0x3: {  	_ = 	snop  }
0x4: {  	_ = 	snop  }
0x5: {  	_ = 	snop  }
0x6: {  	_ = 	snop  }
0x7: {  	_ = 	snop  }
__scs_overlays_trampoline_lowered:
0x8: {  	[smem:$0x3FA0] =	sst s0  }
0x9: {  	[smem:$0x3FA1] =	sst s1  }
0xa: {  	[smem:$0x3FA2] =	sst s2  }
0xb: {  	[smem:$0x3FA3] =	sst s3  }
0xc: {  	[smem:$0x3FA4] =	sst s4  }
0xd: {  	[smem:$0x3FA5] =	sst s5  }
0xe: {  	[smem:$0x3FA6] =	sst s6  }
0xf: {  	[smem:$0x3FA7] =	sst s7  }
0x10: {  	[smem:$0x3FA8] =	sst s8  }
0x11: {  	[smem:$0x3FA9] =	sst s9;
	s0 =	simm.s32 @!p0 $0x0  }
0x12: {  	s1 =	sld [smem:$0x3F8F];
	s0 =	simm.s32 @p0 $0x1  }
0x13: {  	[smem:$0x3FAA] =	sst s0;
	s0 =	simm.s32 @!p1 $0x0  }
0x14: {  	s2 =	sld [smem:$0x3F8E];
	s0 =	simm.s32 @p1 $0x1  }
0x15: {  	[smem:$0x3FAB] =	sst s0;
	s0 =	simm.s32 @!p2 $0x0  }
0x16: {  	s3 =	sld [smem:$0x3FDB];
	s0 =	simm.s32 @p2 $0x1  }
0x17: {  	s4 =	simm.s32 $0x1BF5;
	[smem:$0x3FAD] =	sst s0  }
0x18: {  	s0 =	sld [smem:$0x3F90];
	_ =	swait.ge [sflag:s4], $0x0  }
0x19: {  	s7 =	sld [smem:$0x3F91]  }
0x1a: {  	s8 =	sadd.s32 $0xFFFFE003, lr  }
0x1b: {  	s9 =	sadd.s32 $0xFFFFFEF7, lr;
	s5 =	simm.s32 $0xFFFFFFFF;
	p2 =	slt.u32 s8, $0xFFFFF086  }
0x1c: {  	p1 =	slt.u32 s9, $0xF7A;
	s5 =	simm.s32 @!p2 $0x0  }
0x1d: {  	s5 =	simm.s32 @p1 $0x1;
	p0 =	seq.s32 s7, s2  }
0x1e: {  	s7 =	smul.u32 @!p0 $0xF7A, s2;
	p2 =	seq.s32 @!p0 s5, $0x0  }
0x1f: {  	s9 =	smul.u32 $0xF7A, s1;
	s8 =	simm.s32 @!p0 $0x1BF5;
	p2 =	por !p2, p0  }
0x20: {  	[sflag:s8] =	ssyncset.s32 @!p0 $0xFFFFF086;
	s6 =	sadd.s32 @!p0 s3, s7;
	s7 =	simm.s32 @!p0 $0x108  }
0x21: {  	s3 =	sadd.s32 s3, s9;
	s6 =	sadd.s32 @!p0 $0x88, s6;
	s7 =	simm.s32 @p2 $0x1082  }
0x22: {  	[simem:s7], [sflag:s8] =	dma.local @!p0 [hbm:s6], $0xF7A  }
0x23: {  	s9 =	sor.u32 $0xD0000000, s2;
	s6 =	simm.s32 $0x108;
	_ =	swait.ge @!p0 [sflag:s8], $0x0  }
0x24: {  	s3 =	sadd.s32 $0x88, s3;
	s6 =	simm.s32 @!p1 $0x1082;
	[sflag:s4] =	ssyncset.s32 $0xFFFFF086  }
0x25: {  	[simem:s6], [sflag:s4] =	dma.local [hbm:s3], $0xF7A  }
0x26: {  	[smem:$0x3F91] =	sst s1;
	(tag) =	ssettag s2;
	_ =	strace s9  }
0x27: {  	s1 =	sld [smem:$0x3FA1]  }
0x28: {  	s2 =	sld [smem:$0x3FA2]  }
0x29: {  	s4 =	sld [smem:$0x3FA4]  }
0x2a: {  	p0 =	seq.s32 s5, $0x0;
	s5 =	sld [smem:$0x3FA5]  }
0x2b: {  	s6 =	sld [smem:$0x3FA6]  }
0x2c: {  	s7 =	sld [smem:$0x3FA7]  }
0x2d: {  	s3 =	simm.s32 $0x108;
	s8 =	sld [smem:$0x3FA8]  }
0x2e: {  	s3 =	simm.s32 @!p0 $0x1082;
	s9 =	sld [smem:$0x3FA9]  }
0x2f: {  	lr =	sadd.s32 s0, s3;
	s0 =	sld [smem:$0x3FA0]  }
0x30: {  	s3 =	sld [smem:$0x3FA3]  }
0x31: {  	[smem:$0x3FAC] =	sst s10  }
0x32: {  	s10 =	sld [smem:$0x3FAA];
	_ =	sdelay $0x3  }
0x33: {  	p0 =	seq.s32 s10, $0x1;
	s10 =	sld [smem:$0x3FAC];
	_ =	sdelay $0x3  }
0x34: {  	[smem:$0x3FAC] =	sst s10  }
0x35: {  	s10 =	sld [smem:$0x3FAB];
	_ =	sdelay $0x3  }
0x36: {  	p1 =	seq.s32 s10, $0x1;
	s10 =	sld [smem:$0x3FAC];
	_ =	sdelay $0x3  }
0x37: {  	[smem:$0x3FAC] =	sst s10  }
0x38: {  	s10 =	sld [smem:$0x3FAD]  }
0x39: {  	_ = 	snop;
	(pc) =	sbr.ind lr, $3  }
0x3a: {  	_ = 	snop  }
0x3b: {  	_ = 	snop  }
0x3c: {  	p2 =	seq.s32 s10, $0x1;
	s10 =	sld [smem:$0x3FAC]  }
0x3d: {  	_ =	shalt  }
0x3e: {  	_ =	shalt  }
0x3f: {  	_ =	shalt  }
0x40: {  	_ =	shalt  }
0x41: {  	_ =	shalt  }
0x42: {  	_ =	shalt  }
0x43: {  	_ =	shalt  }
0x44: {  	_ =	shalt  }
0x45: {  	_ =	shalt  }
0x46: {  	_ =	shalt  }
0x47: {  	_ =	shalt  }
0x48: {  	_ =	shalt  }
0x49: {  	_ =	shalt  }
0x4a: {  	_ =	shalt  }
0x4b: {  	_ =	shalt  }
0x4c: {  	_ =	shalt  }
0x4d: {  	_ =	shalt  }
0x4e: {  	_ =	shalt  }
0x4f: {  	_ =	shalt  }
0x50: {  	_ =	shalt  }
0x51: {  	_ =	shalt  }
0x52: {  	_ =	shalt  }
0x53: {  	_ =	shalt  }
0x54: {  	_ =	shalt  }
0x55: {  	_ =	shalt  }
0x56: {  	_ =	shalt  }
0x57: {  	_ =	shalt  }
0x58: {  	_ =	shalt  }
0x59: {  	_ =	shalt  }
0x5a: {  	_ =	shalt  }
0x5b: {  	_ =	shalt  }
0x5c: {  	_ =	shalt  }
0x5d: {  	_ =	shalt  }
0x5e: {  	_ =	shalt  }
0x5f: {  	_ =	shalt  }
0x60: {  	_ =	shalt  }
0x61: {  	_ =	shalt  }
0x62: {  	_ =	shalt  }
0x63: {  	_ =	shalt  }
0x64: {  	_ =	shalt  }
0x65: {  	_ =	shalt  }
0x66: {  	_ =	shalt  }
0x67: {  	_ =	shalt  }
0x68: {  	_ =	shalt  }
0x69: {  	_ =	shalt  }
0x6a: {  	_ =	shalt  }
0x6b: {  	_ =	shalt  }
0x6c: {  	_ =	shalt  }
0x6d: {  	_ =	shalt  }
0x6e: {  	_ =	shalt  }
0x6f: {  	_ =	shalt  }
0x70: {  	_ =	shalt  }
0x71: {  	_ =	shalt  }
0x72: {  	_ =	shalt  }
0x73: {  	_ =	shalt  }
0x74: {  	_ =	shalt  }
0x75: {  	_ =	shalt  }
0x76: {  	_ =	shalt  }
0x77: {  	_ =	shalt  }
0x78: {  	_ =	shalt  }
0x79: {  	_ =	shalt  }
0x7a: {  	_ =	shalt  }
0x7b: {  	_ =	shalt  }
0x7c: {  	_ =	shalt  }
0x7d: {  	_ =	shalt  }
0x7e: {  	_ =	shalt  }
0x7f: {  	_ =	shalt  }
0x80: {  	_ =	shalt  }
0x81: {  	_ =	shalt  }
0x82: {  	_ =	shalt  }
0x83: {  	_ =	shalt  }
0x84: {  	_ =	shalt  }
0x85: {  	_ =	shalt  }
0x86: {  	_ =	shalt  }
0x87: {  	_ =	shalt  }
.Lfunc_end0:
.L_simem_size_0:
called_computation.5_lowered:
.L_overlay_start_0:
0x88: {  	s2 =	sld [smem:$0x3FD9]  }
0x89: {  	s3 =	sld [smem:$0x3FFE];
	_ =	sdelay $0x1  }
0x8a: {  	s1 =	srdreg.scid  }
0x8b: {  	s0 =	sand.u32 $0x1, s1  }
0x8c: {  	s16 =	sshll.u32 s0, $0xA;
	s2 =	sadd.s32 s3, s2  }
0x8d: {  	s2 =	sadd.s32 s2, s16  }
0x8e: {  	[smem:$0x3FB8] =	sst s2  }
0x8f: {  	_ = 	snop  }
0x90: {  	(tm) =	ssettm $0x1  }
0x91: {  	s17 =	sld [smem:$0x3FFB];
	_ =	sdelay $0x3  }
0x92: {  	_ =	strace s17  }
0x93: {  	s2 =	sld [smem:$0x3FFC];
	_ =	sdelay $0x3  }
0x94: {  	_ =	strace s2  }
0x95: {  	s2 =	sld [smem:$0x3FFD];
	_ =	sdelay $0x3  }
0x96: {  	_ =	strace s2  }
0x97: {  	_ =	strace $0x8FFFFFFF  }
0x98: {  	s18 =	sld [smem:$0x3FDB];
	_ =	sdelay $0x1  }
0x99: {  	s19 =	simm.s32 $_scs_section_size  }
0x9a: {  	s4 =	simm.s32 $_size__tile_overlayer_lowered;
	s5 =	simm.s32 $_tile_overlayer_lowered  }
0x9b: {  	s22 =	simm.s32 $0x1BFF;
	s21 =	sshll.u32 s5, $0x1;
	s2 =	sadd.s32 s19, s18  }
0x9c: {  	s6 =	simm.s32 $0x0;
	s20 =	sshll.u32 s4, $0x1;
	s4 =	sadd.s32 s21, s2  }
0x9d: {  	[timem:s6], [sflag:s22] =	dma.local [hbm:s4], s20  }
0x9e: {  	_ =	swait.ge [sflag:s22], s20  }
0x9f: {  	s3 =	ssub.s32 $0x0, s20;
	[sflag:s22] =	ssyncset.done $0x0  }
0xa0: {  	[sflag:s22] =	ssyncadd.s32 s3;
	_ =	sdelay $0x1  }
0xa1: {  	s23 =	simm.s32 $0x1B8B  }
0xa2: {  	_ =	swait.ge [sflag:s23], $0x1  }
0xa3: {  	[sflag:s23] =	ssyncset.done $0x0  }
0xa4: {  	s25 =	simm.s32 $0x1B8E;
	s24 =	sld [smem:$0x3FFE];
	[sflag:s23] =	ssyncadd.s32 $0xFFFFFFFF  }
0xa5: {  	s26 =	simm.s32 $execute0_lowered;
	[smem:$0x3FD2] =	sst s25  }
0xa6: {  	s4 =	sshll.u32 s26, $0x1;
	_ =	strace $0x80000055;
	[dreg:$0x1] =	wrdreg $0xFFFFFFFF  }
0xa7: {  	s28 =	simm.s32 $_size_execute0_lowered;
	s2 =	sadd.s32 s2, s4;
	[dreg:$0x0] =	wrdreg $0x0  }
0xa8: {  	s4 =	sshll.u32 s28, $0x1;
	[dreg:$0x2] =	wrdreg s2  }
0xa9: {  	[dreg:$0x3] =	wrdreg s4  }
0xaa: {  	[dreg:$0x4] =	wrdreg $0xC0  }
0xab: {  	_ =	task [dreg:s6], $0x5FFFF  }
0xac: {  	[dreg:$0x1] =	wrdreg $0xFFFFFFFF  }
0xad: {  	[dreg:$0x0] =	wrdreg $0x60  }
0xae: {  	[dreg:$0x2] =	wrdreg s24  }
0xaf: {  	[dreg:$0x3] =	wrdreg $0x0  }
0xb0: {  	[dreg:$0x4] =	wrdreg $0x9  }
0xb1: {  	_ =	task.clear_ibuf [dreg:s6], $0x5FFFF;
	_ =	strace $0x90000055  }
0xb2: {  	s29 =	simm.s32 $0x9;
	_ =	strace $0x80000057  }
0xb3: {  	_ =	swait.ge [sflag:s29], $0x1  }
0xb4: {  	[sflag:s29] =	ssyncadd.s32 $0xFFFFFFFF  }
0xb5: {  	_ =	strace $0x90000057  }
0xb6: {  	_ =	sfence  }
0xb7: {  	s30 =	sld [smem:$0x0];
	_ =	sdelay $0x2  }
0xb8: {  	s31 =	sshll.u32 s1, $0xD;
	s1 =	sshrl.u32 s1, $0x2  }
0xb9: {  	s3 =	sand.u32 $0x4000, s31;
	s1 =	sadd.s32 s1, s30  }
0xba: {  	s0 =	sor.u32 s3, s0;
	s1 =	sshll.u32 s1, $0x11  }
0xbb: {  	s0 =	sor.u32 s1, s0  }
0xbc: {  	s0 =	sadd.s32 $0x8F2B, s0  }
0xbd: {  	[sflag:s0] =	ssyncadd.remote.s32 $0x1  }
0xbe: {  	_ =	sfence.sel $0xFFFF  }
0xbf: {  	[dreg:$0x0] =	wrdreg $0xFFFFFFFF;
	(pc) =	sbr.abs _section_cstart, $3  }
0xc0: {  	[dreg:$0x1] =	wrdreg $0xFFFFFFFF  }
0xc1: {  	_ =	task.clear_ibuf [dreg:s6], $0x2FFFF;
	_ =	strace $0x9FFFFFFF  }
0xc2: {  	(tm) =	ssettm $0x7FFFFFFF  }
0xc3: {  	_ =	shalt  }
tec
execute0_lowered:
.L_overlay_start_1:
0x0: {  	(tag) =	ssettag $0x1  }
0x1: {  	s0 =	rddreg [dreg:$0x0]  }
0x2: {  	s2 =	rddreg [dreg:$0x1];
	s8 =	stileid.u32  }
0x3: {  	s3 =	simm.s32 $0x0;
	s4 =	srdreg.scid;
	s1 =	smul.u32 $0x61A80, s8  }
0x4: {  	s28 =	simm.s32 $0x1A000;
	s29 =	simm.s32 $0x1A0A0;
	s5 =	smul.u32 $0x186A, s8  }
0x5: {  	s30 =	simm.s32 $0x1;
	s31 =	simm.s32 $0x50;
	s7 =	smul.u32 $0x68000, s8  }
0x6: {  	[smem:$0x7FF] =	sst s3;
	s4 =	sand.u32 $0x1, s4;
	s8 =	smul.u32 $0x680, s8  }
0x7: {  	_ =	strace $0x80000056;
	s6 =	smul.u32 $0x30D40, s4;
	s22 =	ssub.s32 $0x2, s4  }
0x8: {  	s4 =	smul.u32 $0x61A8, s4;
	s1 =	sadd.s32 s1, s0;
	s23 =	sshrl.u32 s22, $0x1  }
0x9: {  	s21 =	sadd.s32 s5, s0;
	s24 =	sshrl.u32 s7, $0x2;
	s5 =	ssub.s32 s22, s23  }
0xa: {  	s0 =	sadd.s32 s6, s0;
	s22 =	smin.u32 s8, $0x5B28;
	s5 =	smax.u32 s5, $0x1  }
0xb: {  	s26 =	sshll.u32 s22, $0x3;
	s23 =	sshll.u32 s22, $0x6;
	s22 =	sadd.s32 $0x80800, s21  }
0xc: {  	[dreg:$0x3] =	wrdreg s5;
	s5 =	sadd.s32 s24, s2;
	s0 =	sadd.s32 s26, s0  }
0xd: {  	s23 =	sadd.s32 s23, s2;
	s26 =	simm.s32 $0x2;
	s6 =	sadd.s32 $0x1A00, s5  }
0xe: {  	s25 =	sadd.s32 $0x3400, s5;
	s8 =	sadd.s32 $0x4E00, s5;
	s9 =	sadd.s32 $0x6800, s5  }
0xf: {  	s10 =	sadd.s32 $0x8200, s5;
	s11 =	sadd.s32 $0x9C00, s5;
	s12 =	sadd.s32 $0xB600, s5  }
0x10: {  	s13 =	sadd.s32 $0xD000, s5;
	s14 =	sadd.s32 $0xEA00, s5;
	s15 =	sadd.s32 $0x10400, s5  }
0x11: {  	s16 =	sadd.s32 $0x11E00, s5;
	s17 =	sadd.s32 $0x13800, s5;
	s18 =	sadd.s32 $0x15200, s5  }
0x12: {  	s19 =	sadd.s32 $0x16C00, s5;
	s20 =	sadd.s32 $0x18600, s5;
	[dreg:$0x4] =	wrdreg s6  }
0x13: {  	s24 =	sadd.s32 $0x5E00, s0;
	s0 =	simm.s32 $0x1A050;
	[dreg:$0x5] =	wrdreg s25  }
0x14: {  	v1 =	vimm.f32 $0.0e+00;
	v0 =	vmov s4;
	s6 =	sadd.s32 $0x3D7600, s1;
	s25 =	simm.s32 $0x1B4A0;
	s1 =	simm.s32 $0x0  }
.LBB2_1:
0x15: {  	s21 =	simm.s32 $0x100;
	s4 =	simm.s32 $0x0  }
.LBB2_2:
0x16: {  	p0 =	sne.s32 s21, $0x6700;
	[tilespmem:s4+$0x1B4D0] =	vst v1;
	s7 =	smov.u32 s21;
	s21 =	sadd.s32 $0x100, s21  }
.Ltmp0:
0x17: {  	[tilespmem:s4+$0x1B4C0] =	vst v1;
	(pc) =	sbr.rel @p0 .LBB2_2-.Ltmp0, $3  }
0x18: {  	[tilespmem:s4+$0x1B4A0] =	vst v1  }
0x19: {  	[tilespmem:s4+$0x1B4B0] =	vst v1;
	_ =	sdelay $0x1  }
0x1a: {  	s4 =	sshra.s32 s7, $0x2  }
0x1b: {  	[tilespmem:s4+$0x1B4D0] =	vst v1  }
0x1c: {  	[tilespmem:s4+$0x1B4C0] =	vst v1  }
0x1d: {  	[tilespmem:s4+$0x1B4A0] =	vst v1  }
0x1e: {  	[tilespmem:s4+$0x1B4B0] =	vst v1  }
0x1f: {  	[spmem:s5] =	stream.linear.scatter [tilespmem:s25], [sflag:$0x2], $0x1A00, $0x38;
	[tilespmem:$0x1CEA0] =	vst v63  }
0x20: {  	_ =	swait.ge [sflag:s26], $0x1A00  }
0x21: {  	[sflag:s26] =	ssyncset.done $0x0  }
0x22: {  	s21 =	rddreg [dreg:$0x4];
	[sflag:s26] =	ssyncadd.s32 $0xFFFFE600  }
0x23: {  	[spmem:s21] =	stream.linear.scatter [tilespmem:s25], [sflag:$0x2], $0x1A00, $0x38;
	[tilespmem:$0x1CEA0] =	vst v63  }
0x24: {  	_ =	swait.ge [sflag:s26], $0x1A00  }
0x25: {  	[sflag:s26] =	ssyncset.done $0x0  }
0x26: {  	s7 =	rddreg [dreg:$0x5];
	[sflag:s26] =	ssyncadd.s32 $0xFFFFE600  }
0x27: {  	[spmem:s7] =	stream.linear.scatter [tilespmem:s25], [sflag:$0x2], $0x1A00, $0x38;
	[tilespmem:$0x1CEA0] =	vst v63  }
0x28: {  	_ =	swait.ge [sflag:s26], $0x1A00  }
0x29: {  	[sflag:s26] =	ssyncset.done $0x0  }
0x2a: {  	[sflag:s26] =	ssyncadd.s32 $0xFFFFE600  }
0x2b: {  	[spmem:s8] =	stream.linear.scatter [tilespmem:s25], [sflag:$0x2], $0x1A00, $0x38;
	[tilespmem:$0x1CEA0] =	vst v63  }
0x2c: {  	_ =	swait.ge [sflag:s26], $0x1A00  }
0x2d: {  	[sflag:s26] =	ssyncset.done $0x0  }
0x2e: {  	[sflag:s26] =	ssyncadd.s32 $0xFFFFE600  }
0x2f: {  	[spmem:s9] =	stream.linear.scatter [tilespmem:s25], [sflag:$0x2], $0x1A00, $0x38;
	[tilespmem:$0x1CEA0] =	vst v63  }
0x30: {  	_ =	swait.ge [sflag:s26], $0x1A00  }
0x31: {  	[sflag:s26] =	ssyncset.done $0x0  }
0x32: {  	[sflag:s26] =	ssyncadd.s32 $0xFFFFE600  }
0x33: {  	[spmem:s10] =	stream.linear.scatter [tilespmem:s25], [sflag:$0x2], $0x1A00, $0x38;
	[tilespmem:$0x1CEA0] =	vst v63  }
0x34: {  	_ =	swait.ge [sflag:s26], $0x1A00  }
0x35: {  	[sflag:s26] =	ssyncset.done $0x0  }
0x36: {  	[sflag:s26] =	ssyncadd.s32 $0xFFFFE600  }
0x37: {  	[spmem:s11] =	stream.linear.scatter [tilespmem:s25], [sflag:$0x2], $0x1A00, $0x38;
	[tilespmem:$0x1CEA0] =	vst v63  }
0x38: {  	_ =	swait.ge [sflag:s26], $0x1A00  }
0x39: {  	[sflag:s26] =	ssyncset.done $0x0  }
0x3a: {  	[sflag:s26] =	ssyncadd.s32 $0xFFFFE600  }
0x3b: {  	[spmem:s12] =	stream.linear.scatter [tilespmem:s25], [sflag:$0x2], $0x1A00, $0x38;
	[tilespmem:$0x1CEA0] =	vst v63  }
0x3c: {  	_ =	swait.ge [sflag:s26], $0x1A00  }
0x3d: {  	[sflag:s26] =	ssyncset.done $0x0  }
0x3e: {  	[sflag:s26] =	ssyncadd.s32 $0xFFFFE600  }
0x3f: {  	[spmem:s13] =	stream.linear.scatter [tilespmem:s25], [sflag:$0x2], $0x1A00, $0x38;
	[tilespmem:$0x1CEA0] =	vst v63  }
0x40: {  	_ =	swait.ge [sflag:s26], $0x1A00  }
0x41: {  	[sflag:s26] =	ssyncset.done $0x0  }
0x42: {  	[sflag:s26] =	ssyncadd.s32 $0xFFFFE600  }
0x43: {  	[spmem:s14] =	stream.linear.scatter [tilespmem:s25], [sflag:$0x2], $0x1A00, $0x38;
	[tilespmem:$0x1CEA0] =	vst v63  }
0x44: {  	_ =	swait.ge [sflag:s26], $0x1A00  }
0x45: {  	[sflag:s26] =	ssyncset.done $0x0  }
0x46: {  	[sflag:s26] =	ssyncadd.s32 $0xFFFFE600  }
0x47: {  	[spmem:s15] =	stream.linear.scatter [tilespmem:s25], [sflag:$0x2], $0x1A00, $0x38;
	[tilespmem:$0x1CEA0] =	vst v63  }
0x48: {  	_ =	swait.ge [sflag:s26], $0x1A00  }
0x49: {  	[sflag:s26] =	ssyncset.done $0x0  }
0x4a: {  	[sflag:s26] =	ssyncadd.s32 $0xFFFFE600  }
0x4b: {  	[spmem:s16] =	stream.linear.scatter [tilespmem:s25], [sflag:$0x2], $0x1A00, $0x38;
	[tilespmem:$0x1CEA0] =	vst v63  }
0x4c: {  	_ =	swait.ge [sflag:s26], $0x1A00  }
0x4d: {  	[sflag:s26] =	ssyncset.done $0x0  }
0x4e: {  	[sflag:s26] =	ssyncadd.s32 $0xFFFFE600  }
0x4f: {  	[spmem:s17] =	stream.linear.scatter [tilespmem:s25], [sflag:$0x2], $0x1A00, $0x38;
	[tilespmem:$0x1CEA0] =	vst v63  }
0x50: {  	_ =	swait.ge [sflag:s26], $0x1A00  }
0x51: {  	[sflag:s26] =	ssyncset.done $0x0  }
0x52: {  	[sflag:s26] =	ssyncadd.s32 $0xFFFFE600  }
0x53: {  	[spmem:s18] =	stream.linear.scatter [tilespmem:s25], [sflag:$0x2], $0x1A00, $0x38;
	[tilespmem:$0x1CEA0] =	vst v63  }
0x54: {  	_ =	swait.ge [sflag:s26], $0x1A00  }
0x55: {  	[sflag:s26] =	ssyncset.done $0x0  }
0x56: {  	[sflag:s26] =	ssyncadd.s32 $0xFFFFE600  }
0x57: {  	[spmem:s19] =	stream.linear.scatter [tilespmem:s25], [sflag:$0x2], $0x1A00, $0x38;
	[tilespmem:$0x1CEA0] =	vst v63  }
0x58: {  	_ =	swait.ge [sflag:s26], $0x1A00  }
0x59: {  	[sflag:s26] =	ssyncset.done $0x0  }
0x5a: {  	[sflag:s26] =	ssyncadd.s32 $0xFFFFE600  }
0x5b: {  	[spmem:s20] =	stream.linear.scatter [tilespmem:s25], [sflag:$0x2], $0x1A00, $0x38;
	[tilespmem:$0x1CEA0] =	vst v63  }
0x5c: {  	_ =	swait.ge [sflag:s26], $0x1A00  }
0x5d: {  	[sflag:s26] =	ssyncset.done $0x0  }
0x5e: {  	[sflag:s26] =	ssyncadd.s32 $0xFFFFE600  }
0x5f: {  	s21 =	sadd.s32 $0x0, s22;
	[bflag:$0x0] =	sbarrier.arrive $0xFFFF  }
0x60: {  	[tilespmem:s28], [sflag:$0x2] =	stream.linear.gather [hbm4b:s21+s3], $0x50, $0x38;
	[tilespmem:$0x1CEA0] =	vst v63  }
0x61: {  	_ =	swait.ge [sflag:s26], $0x50  }
0x62: {  	[sflag:s26] =	ssyncset.done $0x0  }
0x63: {  	[sflag:s26] =	ssyncadd.s32 $0xFFFFFFB0  }
0x64: {  	[tilespmem:s29], [sflag:$0x1] =	stream.linear.gather [hbm4b:s6+s3], $0x1400, $0x38;
	[tilespmem:$0x1CEA0] =	vst v63  }
0x65: {  	v2 =	vld [tilespmem:$0x1A040]  }
0x66: {  	v3 =	vld [tilespmem:$0x1A030]  }
0x67: {  	v4 =	vld [tilespmem:$0x1A020]  }
0x68: {  	v5 =	vld [tilespmem:$0x1A010]  }
0x69: {  	v6 =	vld [tilespmem:$0x1A000]  }
0x6a: {  	v2 =	vsub.s32 v2, v0  }
0x6b: {  	v3 =	vsub.s32 v3, v0;
	vm0 =	vlt.u32 v2, $0x61A8  }
0x6c: {  	v4 =	vsub.s32 v4, v0;
	vm1 =	vlt.u32 v3, $0x61A8;
	v2 =	vnsel vm0, $0x67F8, v2  }
0x6d: {  	v5 =	vsub.s32 v5, v0;
	vm13 =	vlt.u32 v4, $0x61A8;
	v3 =	vnsel vm1, $0x67F8, v3;
	[tilespmem:$0x1A090] =	vst v2  }
0x6e: {  	vm14 =	vlt.u32 v5, $0x61A8;
	v4 =	vnsel vm13, $0x67F8, v4;
	v2 =	vsub.s32 v6, v0;
	[tilespmem:$0x1A080] =	vst v3  }
0x6f: {  	v3 =	vnsel vm14, $0x67F8, v5;
	[tilespmem:$0x1A070] =	vst v4;
	vm15 =	vlt.u32 v2, $0x61A8  }
0x70: {  	[tilespmem:$0x1A060] =	vst v3;
	v2 =	vnsel vm15, $0x67F8, v2  }
0x71: {  	[tilespmem:$0x1A050] =	vst v2  }
0x72: {  	_ =	swait.ge [sflag:s30], $0x1400  }
0x73: {  	s4 =	simm.s32 $0xA;
	s21 =	smov.u32 s6;
	[sflag:s30] =	ssyncset.done $0x0  }
.LBB2_4:
0x74: {  	p0 =	sne.s32 s4, $0x1860;
	[sflag:s30] =	ssyncadd.s32 $0xFFFFEC00;
	s21 =	sadd.s32 $0x280, s21  }
0x75: {  	[spmem:s2] =	stream.indirect.scatter.add.f32 [tilespmem:s29], [sflag:$0x2], $0x40, s0, s31, $0xb8;
	[tilespmem:$0x1CEA0] =	vst v63  }
0x76: {  	s7 =	smov.u32 s4;
	s4 =	sadd.s32 $0xA, s4;
	_ =	swait.ge [sflag:s26], $0x1400  }
0x77: {  	[sflag:s26] =	ssyncset.done $0x0  }
0x78: {  	s7 =	sadd.s32 s7, s22;
	[sflag:s26] =	ssyncadd.s32 $0xFFFFEC00  }
0x79: {  	[tilespmem:s28], [sflag:$0x2] =	stream.linear.gather [hbm4b:s7+s3], $0x50, $0x38;
	[tilespmem:$0x1CEA0] =	vst v63  }
0x7a: {  	_ =	swait.ge [sflag:s26], $0x50  }
0x7b: {  	[sflag:s26] =	ssyncset.done $0x0  }
0x7c: {  	[sflag:s26] =	ssyncadd.s32 $0xFFFFFFB0  }
0x7d: {  	[tilespmem:s29], [sflag:$0x1] =	stream.linear.gather [hbm4b:s21+s3], $0x1400, $0x38;
	[tilespmem:$0x1CEA0] =	vst v63  }
0x7e: {  	v2 =	vld [tilespmem:$0x1A040]  }
0x7f: {  	v3 =	vld [tilespmem:$0x1A030]  }
0x80: {  	v4 =	vld [tilespmem:$0x1A020]  }
0x81: {  	v5 =	vld [tilespmem:$0x1A010]  }
0x82: {  	v6 =	vld [tilespmem:$0x1A000]  }
0x83: {  	v2 =	vsub.s32 v2, v0  }
0x84: {  	v3 =	vsub.s32 v3, v0;
	vm0 =	vlt.u32 v2, $0x61A8  }
0x85: {  	v4 =	vsub.s32 v4, v0;
	vm1 =	vlt.u32 v3, $0x61A8;
	v2 =	vnsel vm0, $0x67F8, v2  }
0x86: {  	v5 =	vsub.s32 v5, v0;
	vm0 =	vlt.u32 v4, $0x61A8;
	v3 =	vnsel vm1, $0x67F8, v3;
	[tilespmem:$0x1A090] =	vst v2  }
0x87: {  	v2 =	vsub.s32 v6, v0;
	vm1 =	vlt.u32 v5, $0x61A8;
	v4 =	vnsel vm0, $0x67F8, v4;
	[tilespmem:$0x1A080] =	vst v3  }
.Ltmp1:
0x88: {  	vm0 =	vlt.u32 v2, $0x61A8;
	v3 =	vnsel vm1, $0x67F8, v5;
	[tilespmem:$0x1A070] =	vst v4;
	(pc) =	sbr.rel @p0 .LBB2_4-.Ltmp1, $4  }
0x89: {  	v2 =	vnsel vm0, $0x67F8, v2;
	[tilespmem:$0x1A060] =	vst v3  }
0x8a: {  	[tilespmem:$0x1A050] =	vst v2  }
0x8b: {  	_ =	swait.ge [sflag:s30], $0x1400  }
0x8c: {  	[sflag:s30] =	ssyncset.done $0x0  }
0x8d: {  	[sflag:s30] =	ssyncadd.s32 $0xFFFFEC00  }
0x8e: {  	[spmem:s2] =	stream.indirect.scatter.add.f32 [tilespmem:s29], [sflag:$0x2], $0x40, s0, s31, $0xb8;
	[tilespmem:$0x1CEA0] =	vst v63  }
0x8f: {  	_ =	swait.ge [sflag:s26], $0x1400  }
0x90: {  	[sflag:s26] =	ssyncset.done $0x0  }
0x91: {  	[sflag:s26] =	ssyncadd.s32 $0xFFFFEC00  }
0x92: {  	[bflag:$0x0] =	sbarrier.arrive $0xFFFF  }
0x93: {  	[tilespmem:s25], [sflag:$0x2] =	stream.linear.gather [spmem:s23], $0x1A00, $0x38;
	[tilespmem:$0x1CEA0] =	vst v63  }
0x94: {  	_ =	swait.ge [sflag:s26], $0x1A00  }
0x95: {  	[sflag:s26] =	ssyncset.done $0x0  }
0x96: {  	s4 =	sadd.s32 $0x0, s24;
	[sflag:s26] =	ssyncadd.s32 $0xFFFFE600  }
0x97: {  	[hbm4b:s4+s3] =	stream.linear.scatter [tilespmem:s25], [sflag:$0x2], $0x1A00, $0x38;
	[tilespmem:$0x1CEA0] =	vst v63  }
0x98: {  	_ =	swait.ge [sflag:s26], $0x1A00  }
0x99: {  	s21 =	smov.u32 s23;
	s4 =	simm.s32 $0x340;
	[sflag:s26] =	ssyncset.done $0x0  }
.LBB2_6:
0x9a: {  	p0 =	sne.s32 s4, $0x30C0;
	[sflag:s26] =	ssyncadd.s32 $0xFFFFE600;
	s21 =	sadd.s32 $0x1A00, s21  }
0x9b: {  	[tilespmem:s25], [sflag:$0x2] =	stream.linear.gather [spmem:s21], $0x1A00, $0x38;
	[tilespmem:$0x1CEA0] =	vst v63  }
0x9c: {  	s7 =	smov.u32 s4;
	s4 =	sadd.s32 $0x340, s4;
	_ =	swait.ge [sflag:s26], $0x1A00  }
.Ltmp2:
0x9d: {  	[sflag:s26] =	ssyncset.done $0x0;
	(pc) =	sbr.rel @p0 .LBB2_6-.Ltmp2, $4  }
0x9e: {  	s7 =	sadd.s32 s7, s24;
	[sflag:s26] =	ssyncadd.s32 $0xFFFFE600  }
0x9f: {  	[hbm4b:s7+s3] =	stream.linear.scatter [tilespmem:s25], [sflag:$0x2], $0x1A00, $0x38;
	[tilespmem:$0x1CEA0] =	vst v63  }
0xa0: {  	_ =	swait.ge [sflag:s26], $0x1A00  }
0xa1: {  	[sflag:s26] =	ssyncset.done $0x0  }
0xa2: {  	s1 =	sadd.s32 $0x1, s1;
	s4 =	rddreg [dreg:$0x3]  }
0xa3: {  	p0 =	sne.s32 s1, s4  }
.Ltmp3:
0xa4: {  	_ = 	snop;
	(pc) =	sbr.rel @p0 .LBB2_1-.Ltmp3, $2  }
0xa5: {  	_ =	sdelay $0x2  }
0xa6: {  	[sflag:s26] =	ssyncadd.s32 $0xFFFFE600  }
0xa7: {  	_ =	sfence.sel $0x180000  }
0xa8: {  	[bflag:$0x0] =	sbarrier.arrive $0xFFFF  }
0xa9: {  	_ =	strace $0x90000056  }
0xaa: {  	s0 =	stileid.u32;
	[bflag:$0x2] =	sbarrier.arrive $0xFFFF  }
0xab: {  	p0 =	sne.s32 s0, $0x0;
	s0 =	rddreg [dreg:$0x2]  }
0xac: {  	s0 =	sadd.s32 @!p0 $0x100000, s0  }
0xad: {  	[sflag:s0] =	ssyncadd.tile.s32 @!p0 $0x1;
	_ =	shalt  }
.Lfunc_end2:
_tile_overlayer_lowered:
.L_overlay_start_2:
0xae: {  	(tag) =	ssettag $0x2  }
0xaf: {  	s0 =	rddreg [dreg:$0x0];
	s2 =	stileid.u32  }
0xb0: {  	s1 =	rddreg [dreg:$0x1];
	p0 =	sne.s32 s2, $0x0  }
0xb1: {  	s3 =	rddreg [dreg:$0x2];
	[bflag:$0x3] =	sbarrier.arrive $0xFFFF;
	s2 =	simm.s32 @!p0 $0x1C02  }
0xb2: {  	[timem:s3], [sflag:s2] =	dma.local @!p0 [hbm:s0], s1  }
0xb3: {  	s0 =	simm.s32 @!p0 $0x2  }
0xb4: {  	_ =	swait.ge @!p0 [sflag:s0], s1  }
0xb5: {  	s1 =	ssub.s32 @!p0 $0x0, s1;
	[sflag:s0] =	ssyncset.done @!p0 $0x0  }
0xb6: {  	[sflag:s0] =	ssyncadd.s32 @!p0 s1  }
0xb7: {  	[bflag:$0x3] =	sbarrier.arrive $0xFFFF  }
0xb8: {  	_ =	shalt  }

</sc_bundles>
